<compile_context>
chip_gen: v7x
topology: tpu7x:2x2x1
jax: 0.10.2.dev20260603
libtpu: 0.0.44.dev20260713+nightly
codegen_flags: <defaults>
</compile_context>

<pallas_src>
import functools

import jax
import jax.numpy as jnp
from jax import lax
from jax.experimental import pallas as pl
from jax.experimental.pallas import tpu as pltpu
from jax.experimental.pallas import tpu_sc as plsc

N_NODES = 100000
D = 256
B = 16384

_NC = 2
_NS = 16
_NW = _NC * _NS
_K = 128

_G_BPW = B // _NW
_G_NCH = _G_BPW // _K

_gather_mesh = plsc.VectorSubcoreMesh(core_axis_name="c", subcore_axis_name="s")

_A_ROWS = N_NODES // _NW
_A_SLAB = 3200


@functools.partial(
    pl.kernel,
    out_type=[
        jax.ShapeDtypeStruct((B, D), jnp.float32),
        jax.ShapeDtypeStruct((N_NODES,), jnp.int32),
    ],
    mesh=_gather_mesh,
    scratch_types=[
        pltpu.VMEM((_G_NCH, _K), jnp.int32),
        pltpu.VMEM((B,), jnp.int32),
        pltpu.VMEM((_A_SLAB,), jnp.int32),
        pltpu.VMEM((_K, D), jnp.float32),
        pltpu.VMEM((_K, D), jnp.float32),
        pltpu.SemaphoreType.DMA,
        pltpu.SemaphoreType.DMA,
    ],
    compiler_params=pltpu.CompilerParams(needs_layout_passes=False),
)
def _sc_gather(mem_hbm, ids_hbm, out_hbm, aux_hbm,
               idx_v, allids_v, aux_v, buf0, buf1, sem0, sem1):
    wid = lax.axis_index("s") * _NC + lax.axis_index("c")
    base = wid * _G_BPW
    for c in range(_G_NCH):
        pltpu.sync_copy(ids_hbm.at[pl.ds(base + c * _K, _K)], idx_v.at[c])
    pltpu.sync_copy(ids_hbm, allids_v)

    alo = jnp.minimum((wid * _A_ROWS) // 8 * 8, N_NODES - _A_SLAB)
    lane = lax.iota(jnp.int32, 16)
    nb_idx = jnp.minimum(lane + 1, 15)

    def _win_one(i):
        ids16 = allids_v[pl.ds(i * 16, 16)]
        ivec = lane + i * 16
        ks, iwin = plsc.sort_key_val(ids16 * 16384 + ivec, ivec)
        sid16 = lax.shift_right_logical(ks, 14)
        nb = sid16.at[nb_idx].get(mode=lax.GatherScatterMode.PROMISE_IN_BOUNDS)
        m = ((lane == 15) | (nb != sid16)) & (sid16 >= alo) & (sid16 < alo + _A_SLAB)
        plsc.store_scatter(aux_v, [jnp.where(m, sid16 - alo, 0)], iwin, mask=m)

    def _win_body(j, _):
        _win_one(j * 2)
        _win_one(j * 2 + 1)
        return _

    _SEG = B // 16 // _G_NCH // 2
    bufs = (buf0, buf1)
    ld = [None, None]
    st = [None, None]
    ld[0] = pltpu.async_copy(mem_hbm.at[idx_v.at[0]], bufs[0], sem0)
    for c in range(_G_NCH):
        b = c % 2
        nb = (c + 1) % 2
        if c + 1 < _G_NCH:
            if c + 1 >= 2:
                st[nb].wait()
            ld[nb] = pltpu.async_copy(mem_hbm.at[idx_v.at[c + 1]], bufs[nb], sem0)
        lax.fori_loop(c * _SEG, (c + 1) * _SEG, _win_body, jnp.int32(0))
        ld[b].wait()
        st[b] = pltpu.async_copy(bufs[b], out_hbm.at[pl.ds(base + c * _K, _K)], sem1)
    st[(_G_NCH - 1) % 2].wait()
    st[(_G_NCH - 2) % 2].wait()
    pltpu.sync_copy(aux_v, aux_hbm.at[pl.ds(alo, _A_SLAB)])


_R = 1024


def _gru_body(x_ref, h_ref, wi_ref, wh_ref, bi_ref, bh_ref, out_ref):
    h = h_ref[...]
    gi = jnp.dot(x_ref[...], wi_ref[...], preferred_element_type=jnp.float32) + bi_ref[...]
    gh = jnp.dot(h, wh_ref[...], preferred_element_type=jnp.float32) + bh_ref[...]
    r = jax.nn.sigmoid(gi[:, :D] + gh[:, :D])
    z = jax.nn.sigmoid(gi[:, D:2 * D] + gh[:, D:2 * D])
    n = jnp.tanh(gi[:, 2 * D:] + r * gh[:, 2 * D:])
    out_ref[...] = (1.0 - z) * n + z * h


_gru = pl.pallas_call(
    _gru_body,
    out_shape=jax.ShapeDtypeStruct((B, D), jnp.float32),
    grid=(B // _R,),
    in_specs=[
        pl.BlockSpec((_R, D), lambda i: (i, 0)),
        pl.BlockSpec((_R, D), lambda i: (i, 0)),
        pl.BlockSpec((D, 3 * D), lambda i: (0, 0)),
        pl.BlockSpec((D, 3 * D), lambda i: (0, 0)),
        pl.BlockSpec((1, 3 * D), lambda i: (0, 0)),
        pl.BlockSpec((1, 3 * D), lambda i: (0, 0)),
    ],
    out_specs=pl.BlockSpec((_R, D), lambda i: (i, 0)),
)


_S_BPW = B // _NW
_S_NCH = _S_BPW // _K

_scatter_mesh = plsc.VectorSubcoreMesh(core_axis_name="c", subcore_axis_name="s")


@functools.partial(
    pl.kernel,
    out_type=(),
    mesh=_scatter_mesh,
    scratch_types=[
        pltpu.VMEM((_S_NCH, _K), jnp.int32),
        pltpu.VMEM((_S_NCH, _K), jnp.int32),
        pltpu.VMEM((_K, D), jnp.float32),
        pltpu.VMEM((_K, D), jnp.float32),
        pltpu.VMEM((_S_NCH, _K), jnp.float32),
        pltpu.SemaphoreType.DMA,
        pltpu.SemaphoreType.DMA,
        pltpu.SemaphoreType.DMA,
    ],
    compiler_params=pltpu.CompilerParams(needs_layout_passes=False),
)
def _sc_scatter(ids_hbm, aux_hbm, newh_hbm, ts_hbm, mem_ref, lu_ref,
                idx_v, src_v, buf0, buf1, tbuf,
                sem0, sem1, sem2):
    wid = lax.axis_index("s") * _NC + lax.axis_index("c")
    base = wid * _S_BPW
    for c in range(_S_NCH):
        pltpu.sync_copy(ids_hbm.at[pl.ds(base + c * _K, _K)], idx_v.at[c])
    cps = []
    for c in range(_S_NCH):
        cps.append(pltpu.async_copy(aux_hbm.at[idx_v.at[c]], src_v.at[c], sem0))
    for cp in cps:
        cp.wait()
    cps = []
    for c in range(_S_NCH):
        cps.append(pltpu.async_copy(ts_hbm.at[src_v.at[c]], tbuf.at[c], sem2))

    bufs = (buf0, buf1)
    ld = [None, None]
    st = [None, None]
    ld[0] = pltpu.async_copy(newh_hbm.at[src_v.at[0]], bufs[0], sem0)
    for c in range(_S_NCH):
        b = c % 2
        nb = (c + 1) % 2
        if c + 1 < _S_NCH:
            if c + 1 >= 2:
                st[nb].wait()
            ld[nb] = pltpu.async_copy(newh_hbm.at[src_v.at[c + 1]], bufs[nb], sem0)
        ld[b].wait()
        st[b] = pltpu.async_copy(bufs[b], mem_ref.at[idx_v.at[c]], sem1)
    for cp in cps:
        cp.wait()
    for c in range(_S_NCH):
        pltpu.sync_copy(tbuf.at[c], lu_ref.at[idx_v.at[c]])
    st[(_S_NCH - 1) % 2].wait()
    st[(_S_NCH - 2) % 2].wait()


def kernel(unique_node_ids, unique_messages, timestamps, memory, last_update,
           W_ih, W_hh, b_ih, b_hh):
    ids = unique_node_ids
    mem_ref = jax.new_ref(memory)
    lu_ref = jax.new_ref(last_update)
    h, aux = _sc_gather(memory, ids)
    new_h = _gru(unique_messages, h, W_ih.T, W_hh.T,
                 b_ih.reshape(1, 3 * D), b_hh.reshape(1, 3 * D))
    _sc_scatter(ids, aux, new_h, timestamps, mem_ref, lu_ref)
    return mem_ref[...], lu_ref[...]

# --- scband reference (transcript-rebuilt; emitter-appended) ---
"""Pipeline reference for scband-sequence-memory-updater-2525440770673 (READ-ONLY COPY).

The authoritative reference and input builder live on the scoring server;
editing this copy changes nothing except your own understanding.
"""

import jax, jax.numpy as jnp
import numpy as np

N_NODES = 100000
MEM_DIM = 256
MSG_DIM = 256
B = 16384


def setup_inputs(seed: int = 0) -> dict:
    key = jax.random.key(seed)
    ks = jax.random.split(key, 8)
    unique_node_ids = jax.random.randint(ks[0], (B,), 0, N_NODES, dtype=jnp.int32)
    unique_messages = jax.random.normal(ks[1], (B, MSG_DIM), dtype=jnp.float32)
    timestamps = jax.random.uniform(ks[2], (B,), dtype=jnp.float32)  # last_update is zeros so ts >= last_update
    memory = jax.random.normal(ks[3], (N_NODES, MEM_DIM), dtype=jnp.float32) * 0.1
    last_update = jnp.zeros((N_NODES,), dtype=jnp.float32)
    # GRUCell parameters (torch layout: weight_ih [3*H, msg], weight_hh [3*H, H])
    s_ih = 1.0 / np.sqrt(MSG_DIM)
    s_hh = 1.0 / np.sqrt(MEM_DIM)
    W_ih = jax.random.uniform(ks[4], (3 * MEM_DIM, MSG_DIM), minval=-s_ih, maxval=s_ih, dtype=jnp.float32)
    W_hh = jax.random.uniform(ks[5], (3 * MEM_DIM, MEM_DIM), minval=-s_hh, maxval=s_hh, dtype=jnp.float32)
    b_ih = jax.random.uniform(ks[6], (3 * MEM_DIM,), minval=-s_hh, maxval=s_hh, dtype=jnp.float32)
    b_hh = jax.random.uniform(ks[7], (3 * MEM_DIM,), minval=-s_hh, maxval=s_hh, dtype=jnp.float32)
    return {
        "unique_node_ids": unique_node_ids,
        "unique_messages": unique_messages,
        "timestamps": timestamps,
        "memory": memory,
        "last_update": last_update,
        "W_ih": W_ih,
        "W_hh": W_hh,
        "b_ih": b_ih,
        "b_hh": b_hh,
    }


def _gru_cell(x, h, W_ih, W_hh, b_ih, b_hh):
    gi = x @ W_ih.T + b_ih
    gh = h @ W_hh.T + b_hh
    i_r, i_z, i_n = jnp.split(gi, 3, axis=-1)
    h_r, h_z, h_n = jnp.split(gh, 3, axis=-1)
    r = jax.nn.sigmoid(i_r + h_r)
    z = jax.nn.sigmoid(i_z + h_z)
    n = jnp.tanh(i_n + r * h_n)
    return (1.0 - z) * n + z * h


def reference(unique_node_ids, unique_messages, timestamps, memory, last_update, W_ih, W_hh, b_ih, b_hh):
    # get_updated_memory: gather rows, GRU update, scatter-overwrite into cloned table
    h = jnp.take(memory, unique_node_ids, axis=0)
    new_h = _gru_cell(unique_messages, h, W_ih, W_hh, b_ih, b_hh)
    updated_memory = memory.at[unique_node_ids].set(new_h)
    updated_last_update = last_update.at[unique_node_ids].set(timestamps)
    return (updated_memory, updated_last_update)

if __name__ == "__main__":
    import jax
    _d = setup_inputs()
    print(jax.jit(kernel)(*tuple(_d.values())))

</pallas_src>

<mosaic_0001>
#map = affine_map<(d0, d1) -> (0)>
#map1 = affine_map<(d0, d1) -> (0, 0)>
module attributes {stable_mosaic.version = 14 : i64} {
  func.func @new_body(%arg0: i32, %arg1: i32, %arg2: memref<16384xi32, #tpu.memory_space<hbm>>, %arg3: memref<100000xi32, #tpu.memory_space<hbm>>, %arg4: memref<16384x256xf32, #tpu.memory_space<hbm>>, %arg5: memref<16384xf32, #tpu.memory_space<hbm>>, %arg6: memref<100000x256xf32, #tpu.memory_space<hbm>>, %arg7: memref<100000xf32, #tpu.memory_space<hbm>>, %arg8: memref<100000x256xf32, #tpu.memory_space<hbm>>, %arg9: memref<100000xf32, #tpu.memory_space<hbm>>, %arg10: memref<4x128xi32, #tpu.memory_space<vmem>>, %arg11: memref<4x128xi32, #tpu.memory_space<vmem>>, %arg12: memref<128x256xf32, #tpu.memory_space<vmem>>, %arg13: memref<128x256xf32, #tpu.memory_space<vmem>>, %arg14: memref<4x128xf32, #tpu.memory_space<vmem>>, %arg15: memref<!tpu.dma_semaphore, #tpu.memory_space<semaphore_mem>>, %arg16: memref<!tpu.dma_semaphore, #tpu.memory_space<semaphore_mem>>, %arg17: memref<!tpu.dma_semaphore, #tpu.memory_space<semaphore_mem>>) attributes {dimension_semantics = [#tpu.dimension_semantics<core_parallel>, #tpu.dimension_semantics<subcore_parallel>], iteration_bounds = array<i64: 2, 16>, scalar_prefetch = 0 : i64, scratch_operands = 8 : i64, tpu.core_type = #tpu.core_type<sc_vector_subcore>, window_params = [{transform_indices = #map}, {transform_indices = #map}, {transform_indices = #map1}, {transform_indices = #map}, {transform_indices = #map1}, {transform_indices = #map}, {transform_indices = #map1}, {transform_indices = #map}]} {
    %mul3A = arith.constant 2 : i32
    %mul3A_0 = arith.muli %arg1, %mul3A : i32
    %add3A = arith.addi %mul3A_0, %arg0 : i32
    %mul3A_1 = arith.constant 512 : i32
    %mul3A_2 = arith.muli %add3A, %mul3A_1 : i32
    %add3A_3 = arith.constant 0 : i32
    %add3A_4 = arith.addi %mul3A_2, %add3A_3 : i32
    %run_scoped3A = arith.constant 0 : i32
    "tpu.region"() ({
      %run_scoped3A_292 = tpu.sem_alloc : memref<!tpu.dma_semaphore, #tpu.memory_space<semaphore_mem>>
      %dma_start3A_293 = arith.constant 0 : i32
      %dma_start3A_294 = tpu.memref_slice %arg10[%run_scoped3A, %dma_start3A_293] : memref<4x128xi32, #tpu.memory_space<vmem>> -> memref<1x128xi32, #tpu.memory_space<vmem>>
      %dma_start3A_295 = tpu.memref_squeeze %dma_start3A_294 : memref<1x128xi32, #tpu.memory_space<vmem>> -> memref<128xi32, #tpu.memory_space<vmem>>
      %dma_start3A_296 = tpu.memref_slice %arg2[%add3A_4] : memref<16384xi32, #tpu.memory_space<hbm>> -> memref<128xi32, #tpu.memory_space<hbm>>
      %dma_start3A_297 = arith.constant 0 : i32
      %dma_start3A_298 = tpu.memref_slice %arg10[%run_scoped3A, %dma_start3A_297] : memref<4x128xi32, #tpu.memory_space<vmem>> -> memref<1x128xi32, #tpu.memory_space<vmem>>
      %dma_start3A_299 = tpu.memref_squeeze %dma_start3A_298 : memref<1x128xi32, #tpu.memory_space<vmem>> -> memref<128xi32, #tpu.memory_space<vmem>>
      %dma_start3A_300 = tpu.memref_slice %arg2[%add3A_4] : memref<16384xi32, #tpu.memory_space<hbm>> -> memref<128xi32, #tpu.memory_space<hbm>>
      tpu.enqueue_dma source(%dma_start3A_300 : memref<128xi32, #tpu.memory_space<hbm>>) target(%dma_start3A_299 : memref<128xi32, #tpu.memory_space<vmem>>) target_semaphore(%run_scoped3A_292 : memref<!tpu.dma_semaphore, #tpu.memory_space<semaphore_mem>>)
      %dma_wait3A_301 = arith.constant 0 : i32
      %dma_wait3A_302 = tpu.memref_slice %arg10[%run_scoped3A, %dma_wait3A_301] : memref<4x128xi32, #tpu.memory_space<vmem>> -> memref<1x128xi32, #tpu.memory_space<vmem>>
      %dma_wait3A_303 = tpu.memref_squeeze %dma_wait3A_302 : memref<1x128xi32, #tpu.memory_space<vmem>> -> memref<128xi32, #tpu.memory_space<vmem>>
      %dma_wait3A_304 = tpu.memref_slice %arg2[%add3A_4] : memref<16384xi32, #tpu.memory_space<hbm>> -> memref<128xi32, #tpu.memory_space<hbm>>
      %dma_wait3A_305 = arith.constant 0 : i32
      %dma_wait3A_306 = tpu.memref_slice %arg10[%run_scoped3A, %dma_wait3A_305] : memref<4x128xi32, #tpu.memory_space<vmem>> -> memref<1x128xi32, #tpu.memory_space<vmem>>
      %dma_wait3A_307 = tpu.memref_squeeze %dma_wait3A_306 : memref<1x128xi32, #tpu.memory_space<vmem>> -> memref<128xi32, #tpu.memory_space<vmem>>
      %dma_wait3A_308 = tpu.memref_slice %arg2[%add3A_4] : memref<16384xi32, #tpu.memory_space<hbm>> -> memref<128xi32, #tpu.memory_space<hbm>>
      tpu.wait_dma2 semaphore(%run_scoped3A_292 : memref<!tpu.dma_semaphore, #tpu.memory_space<semaphore_mem>>) src(%dma_wait3A_308 : memref<128xi32, #tpu.memory_space<hbm>>) dst(%dma_wait3A_307 : memref<128xi32, #tpu.memory_space<vmem>>)
      tpu.yield
    }) : () -> ()
    %add3A_5 = arith.constant 128 : i32
    %add3A_6 = arith.addi %mul3A_2, %add3A_5 : i32
    %run_scoped3A_7 = arith.constant 1 : i32
    "tpu.region"() ({
      %run_scoped3A_292 = tpu.sem_alloc : memref<!tpu.dma_semaphore, #tpu.memory_space<semaphore_mem>>
      %dma_start3A_293 = arith.constant 0 : i32
      %dma_start3A_294 = tpu.memref_slice %arg10[%run_scoped3A_7, %dma_start3A_293] : memref<4x128xi32, #tpu.memory_space<vmem>> -> memref<1x128xi32, #tpu.memory_space<vmem>>
      %dma_start3A_295 = tpu.memref_squeeze %dma_start3A_294 : memref<1x128xi32, #tpu.memory_space<vmem>> -> memref<128xi32, #tpu.memory_space<vmem>>
      %dma_start3A_296 = tpu.memref_slice %arg2[%add3A_6] : memref<16384xi32, #tpu.memory_space<hbm>> -> memref<128xi32, #tpu.memory_space<hbm>>
      %dma_start3A_297 = arith.constant 0 : i32
      %dma_start3A_298 = tpu.memref_slice %arg10[%run_scoped3A_7, %dma_start3A_297] : memref<4x128xi32, #tpu.memory_space<vmem>> -> memref<1x128xi32, #tpu.memory_space<vmem>>
      %dma_start3A_299 = tpu.memref_squeeze %dma_start3A_298 : memref<1x128xi32, #tpu.memory_space<vmem>> -> memref<128xi32, #tpu.memory_space<vmem>>
      %dma_start3A_300 = tpu.memref_slice %arg2[%add3A_6] : memref<16384xi32, #tpu.memory_space<hbm>> -> memref<128xi32, #tpu.memory_space<hbm>>
      tpu.enqueue_dma source(%dma_start3A_300 : memref<128xi32, #tpu.memory_space<hbm>>) target(%dma_start3A_299 : memref<128xi32, #tpu.memory_space<vmem>>) target_semaphore(%run_scoped3A_292 : memref<!tpu.dma_semaphore, #tpu.memory_space<semaphore_mem>>)
      %dma_wait3A_301 = arith.constant 0 : i32
      %dma_wait3A_302 = tpu.memref_slice %arg10[%run_scoped3A_7, %dma_wait3A_301] : memref<4x128xi32, #tpu.memory_space<vmem>> -> memref<1x128xi32, #tpu.memory_space<vmem>>
      %dma_wait3A_303 = tpu.memref_squeeze %dma_wait3A_302 : memref<1x128xi32, #tpu.memory_space<vmem>> -> memref<128xi32, #tpu.memory_space<vmem>>
      %dma_wait3A_304 = tpu.memref_slice %arg2[%add3A_6] : memref<16384xi32, #tpu.memory_space<hbm>> -> memref<128xi32, #tpu.memory_space<hbm>>
      %dma_wait3A_305 = arith.constant 0 : i32
      %dma_wait3A_306 = tpu.memref_slice %arg10[%run_scoped3A_7, %dma_wait3A_305] : memref<4x128xi32, #tpu.memory_space<vmem>> -> memref<1x128xi32, #tpu.memory_space<vmem>>
      %dma_wait3A_307 = tpu.memref_squeeze %dma_wait3A_306 : memref<1x128xi32, #tpu.memory_space<vmem>> -> memref<128xi32, #tpu.memory_space<vmem>>
      %dma_wait3A_308 = tpu.memref_slice %arg2[%add3A_6] : memref<16384xi32, #tpu.memory_space<hbm>> -> memref<128xi32, #tpu.memory_space<hbm>>
      tpu.wait_dma2 semaphore(%run_scoped3A_292 : memref<!tpu.dma_semaphore, #tpu.memory_space<semaphore_mem>>) src(%dma_wait3A_308 : memref<128xi32, #tpu.memory_space<hbm>>) dst(%dma_wait3A_307 : memref<128xi32, #tpu.memory_space<vmem>>)
      tpu.yield
    }) : () -> ()
    %add3A_8 = arith.constant 256 : i32
    %add3A_9 = arith.addi %mul3A_2, %add3A_8 : i32
    %run_scoped3A_10 = arith.constant 2 : i32
    "tpu.region"() ({
      %run_scoped3A_292 = tpu.sem_alloc : memref<!tpu.dma_semaphore, #tpu.memory_space<semaphore_mem>>
      %dma_start3A_293 = arith.constant 0 : i32
      %dma_start3A_294 = tpu.memref_slice %arg10[%run_scoped3A_10, %dma_start3A_293] : memref<4x128xi32, #tpu.memory_space<vmem>> -> memref<1x128xi32, #tpu.memory_space<vmem>>
      %dma_start3A_295 = tpu.memref_squeeze %dma_start3A_294 : memref<1x128xi32, #tpu.memory_space<vmem>> -> memref<128xi32, #tpu.memory_space<vmem>>
      %dma_start3A_296 = tpu.memref_slice %arg2[%add3A_9] : memref<16384xi32, #tpu.memory_space<hbm>> -> memref<128xi32, #tpu.memory_space<hbm>>
      %dma_start3A_297 = arith.constant 0 : i32
      %dma_start3A_298 = tpu.memref_slice %arg10[%run_scoped3A_10, %dma_start3A_297] : memref<4x128xi32, #tpu.memory_space<vmem>> -> memref<1x128xi32, #tpu.memory_space<vmem>>
      %dma_start3A_299 = tpu.memref_squeeze %dma_start3A_298 : memref<1x128xi32, #tpu.memory_space<vmem>> -> memref<128xi32, #tpu.memory_space<vmem>>
      %dma_start3A_300 = tpu.memref_slice %arg2[%add3A_9] : memref<16384xi32, #tpu.memory_space<hbm>> -> memref<128xi32, #tpu.memory_space<hbm>>
      tpu.enqueue_dma source(%dma_start3A_300 : memref<128xi32, #tpu.memory_space<hbm>>) target(%dma_start3A_299 : memref<128xi32, #tpu.memory_space<vmem>>) target_semaphore(%run_scoped3A_292 : memref<!tpu.dma_semaphore, #tpu.memory_space<semaphore_mem>>)
      %dma_wait3A_301 = arith.constant 0 : i32
      %dma_wait3A_302 = tpu.memref_slice %arg10[%run_scoped3A_10, %dma_wait3A_301] : memref<4x128xi32, #tpu.memory_space<vmem>> -> memref<1x128xi32, #tpu.memory_space<vmem>>
      %dma_wait3A_303 = tpu.memref_squeeze %dma_wait3A_302 : memref<1x128xi32, #tpu.memory_space<vmem>> -> memref<128xi32, #tpu.memory_space<vmem>>
      %dma_wait3A_304 = tpu.memref_slice %arg2[%add3A_9] : memref<16384xi32, #tpu.memory_space<hbm>> -> memref<128xi32, #tpu.memory_space<hbm>>
      %dma_wait3A_305 = arith.constant 0 : i32
      %dma_wait3A_306 = tpu.memref_slice %arg10[%run_scoped3A_10, %dma_wait3A_305] : memref<4x128xi32, #tpu.memory_space<vmem>> -> memref<1x128xi32, #tpu.memory_space<vmem>>
      %dma_wait3A_307 = tpu.memref_squeeze %dma_wait3A_306 : memref<1x128xi32, #tpu.memory_space<vmem>> -> memref<128xi32, #tpu.memory_space<vmem>>
      %dma_wait3A_308 = tpu.memref_slice %arg2[%add3A_9] : memref<16384xi32, #tpu.memory_space<hbm>> -> memref<128xi32, #tpu.memory_space<hbm>>
      tpu.wait_dma2 semaphore(%run_scoped3A_292 : memref<!tpu.dma_semaphore, #tpu.memory_space<semaphore_mem>>) src(%dma_wait3A_308 : memref<128xi32, #tpu.memory_space<hbm>>) dst(%dma_wait3A_307 : memref<128xi32, #tpu.memory_space<vmem>>)
      tpu.yield
    }) : () -> ()
    %add3A_11 = arith.constant 384 : i32
    %add3A_12 = arith.addi %mul3A_2, %add3A_11 : i32
    %run_scoped3A_13 = arith.constant 3 : i32
    "tpu.region"() ({
      %run_scoped3A_292 = tpu.sem_alloc : memref<!tpu.dma_semaphore, #tpu.memory_space<semaphore_mem>>
      %dma_start3A_293 = arith.constant 0 : i32
      %dma_start3A_294 = tpu.memref_slice %arg10[%run_scoped3A_13, %dma_start3A_293] : memref<4x128xi32, #tpu.memory_space<vmem>> -> memref<1x128xi32, #tpu.memory_space<vmem>>
      %dma_start3A_295 = tpu.memref_squeeze %dma_start3A_294 : memref<1x128xi32, #tpu.memory_space<vmem>> -> memref<128xi32, #tpu.memory_space<vmem>>
      %dma_start3A_296 = tpu.memref_slice %arg2[%add3A_12] : memref<16384xi32, #tpu.memory_space<hbm>> -> memref<128xi32, #tpu.memory_space<hbm>>
      %dma_start3A_297 = arith.constant 0 : i32
      %dma_start3A_298 = tpu.memref_slice %arg10[%run_scoped3A_13, %dma_start3A_297] : memref<4x128xi32, #tpu.memory_space<vmem>> -> memref<1x128xi32, #tpu.memory_space<vmem>>
      %dma_start3A_299 = tpu.memref_squeeze %dma_start3A_298 : memref<1x128xi32, #tpu.memory_space<vmem>> -> memref<128xi32, #tpu.memory_space<vmem>>
      %dma_start3A_300 = tpu.memref_slice %arg2[%add3A_12] : memref<16384xi32, #tpu.memory_space<hbm>> -> memref<128xi32, #tpu.memory_space<hbm>>
      tpu.enqueue_dma source(%dma_start3A_300 : memref<128xi32, #tpu.memory_space<hbm>>) target(%dma_start3A_299 : memref<128xi32, #tpu.memory_space<vmem>>) target_semaphore(%run_scoped3A_292 : memref<!tpu.dma_semaphore, #tpu.memory_space<semaphore_mem>>)
      %dma_wait3A_301 = arith.constant 0 : i32
      %dma_wait3A_302 = tpu.memref_slice %arg10[%run_scoped3A_13, %dma_wait3A_301] : memref<4x128xi32, #tpu.memory_space<vmem>> -> memref<1x128xi32, #tpu.memory_space<vmem>>
      %dma_wait3A_303 = tpu.memref_squeeze %dma_wait3A_302 : memref<1x128xi32, #tpu.memory_space<vmem>> -> memref<128xi32, #tpu.memory_space<vmem>>
      %dma_wait3A_304 = tpu.memref_slice %arg2[%add3A_12] : memref<16384xi32, #tpu.memory_space<hbm>> -> memref<128xi32, #tpu.memory_space<hbm>>
      %dma_wait3A_305 = arith.constant 0 : i32
      %dma_wait3A_306 = tpu.memref_slice %arg10[%run_scoped3A_13, %dma_wait3A_305] : memref<4x128xi32, #tpu.memory_space<vmem>> -> memref<1x128xi32, #tpu.memory_space<vmem>>
      %dma_wait3A_307 = tpu.memref_squeeze %dma_wait3A_306 : memref<1x128xi32, #tpu.memory_space<vmem>> -> memref<128xi32, #tpu.memory_space<vmem>>
      %dma_wait3A_308 = tpu.memref_slice %arg2[%add3A_12] : memref<16384xi32, #tpu.memory_space<hbm>> -> memref<128xi32, #tpu.memory_space<hbm>>
      tpu.wait_dma2 semaphore(%run_scoped3A_292 : memref<!tpu.dma_semaphore, #tpu.memory_space<semaphore_mem>>) src(%dma_wait3A_308 : memref<128xi32, #tpu.memory_space<hbm>>) dst(%dma_wait3A_307 : memref<128xi32, #tpu.memory_space<vmem>>)
      tpu.yield
    }) : () -> ()
    %dma_start3A = arith.constant 0 : i32
    %dma_start3A_14 = arith.constant 0 : i32
    %dma_start3A_15 = arith.constant 0 : i32
    %dma_start3A_16 = tpu.memref_slice %arg11[%dma_start3A_14, %dma_start3A_15] : memref<4x128xi32, #tpu.memory_space<vmem>> -> memref<1x128xi32, #tpu.memory_space<vmem>>
    %dma_start3A_17 = tpu.memref_squeeze %dma_start3A_16 : memref<1x128xi32, #tpu.memory_space<vmem>> -> memref<128xi32, #tpu.memory_space<vmem>>
    %dma_start3A_18 = arith.constant 0 : i32
    %dma_start3A_19 = tpu.memref_slice %arg10[%dma_start3A, %dma_start3A_18] : memref<4x128xi32, #tpu.memory_space<vmem>> -> memref<1x128xi32, #tpu.memory_space<vmem>>
    %dma_start3A_20 = tpu.memref_squeeze %dma_start3A_19 : memref<1x128xi32, #tpu.memory_space<vmem>> -> memref<128xi32, #tpu.memory_space<vmem>>
    %dma_start3A_21 = arith.constant 0 : i32
    %dma_start3A_22 = tpu.memref_slice %arg3[%dma_start3A_21] : memref<100000xi32, #tpu.memory_space<hbm>> -> memref<100000xi32, #tpu.memory_space<hbm>>
    tpu.enqueue_indirect_dma source(%dma_start3A_22 : memref<100000xi32, #tpu.memory_space<hbm>>) target(%dma_start3A_17 : memref<128xi32, #tpu.memory_space<vmem>>) offsets(%dma_start3A_20 : memref<128xi32, #tpu.memory_space<vmem>>) semaphore(%arg15 : memref<!tpu.dma_semaphore, #tpu.memory_space<semaphore_mem>>)
    %dma_start3A_23 = arith.constant 1 : i32
    %dma_start3A_24 = arith.constant 1 : i32
    %dma_start3A_25 = arith.constant 0 : i32
    %dma_start3A_26 = tpu.memref_slice %arg11[%dma_start3A_24, %dma_start3A_25] : memref<4x128xi32, #tpu.memory_space<vmem>> -> memref<1x128xi32, #tpu.memory_space<vmem>>
    %dma_start3A_27 = tpu.memref_squeeze %dma_start3A_26 : memref<1x128xi32, #tpu.memory_space<vmem>> -> memref<128xi32, #tpu.memory_space<vmem>>
    %dma_start3A_28 = arith.constant 0 : i32
    %dma_start3A_29 = tpu.memref_slice %arg10[%dma_start3A_23, %dma_start3A_28] : memref<4x128xi32, #tpu.memory_space<vmem>> -> memref<1x128xi32, #tpu.memory_space<vmem>>
    %dma_start3A_30 = tpu.memref_squeeze %dma_start3A_29 : memref<1x128xi32, #tpu.memory_space<vmem>> -> memref<128xi32, #tpu.memory_space<vmem>>
    %dma_start3A_31 = arith.constant 0 : i32
    %dma_start3A_32 = tpu.memref_slice %arg3[%dma_start3A_31] : memref<100000xi32, #tpu.memory_space<hbm>> -> memref<100000xi32, #tpu.memory_space<hbm>>
    tpu.enqueue_indirect_dma source(%dma_start3A_32 : memref<100000xi32, #tpu.memory_space<hbm>>) target(%dma_start3A_27 : memref<128xi32, #tpu.memory_space<vmem>>) offsets(%dma_start3A_30 : memref<128xi32, #tpu.memory_space<vmem>>) semaphore(%arg15 : memref<!tpu.dma_semaphore, #tpu.memory_space<semaphore_mem>>)
    %dma_start3A_33 = arith.constant 2 : i32
    %dma_start3A_34 = arith.constant 2 : i32
    %dma_start3A_35 = arith.constant 0 : i32
    %dma_start3A_36 = tpu.memref_slice %arg11[%dma_start3A_34, %dma_start3A_35] : memref<4x128xi32, #tpu.memory_space<vmem>> -> memref<1x128xi32, #tpu.memory_space<vmem>>
    %dma_start3A_37 = tpu.memref_squeeze %dma_start3A_36 : memref<1x128xi32, #tpu.memory_space<vmem>> -> memref<128xi32, #tpu.memory_space<vmem>>
    %dma_start3A_38 = arith.constant 0 : i32
    %dma_start3A_39 = tpu.memref_slice %arg10[%dma_start3A_33, %dma_start3A_38] : memref<4x128xi32, #tpu.memory_space<vmem>> -> memref<1x128xi32, #tpu.memory_space<vmem>>
    %dma_start3A_40 = tpu.memref_squeeze %dma_start3A_39 : memref<1x128xi32, #tpu.memory_space<vmem>> -> memref<128xi32, #tpu.memory_space<vmem>>
    %dma_start3A_41 = arith.constant 0 : i32
    %dma_start3A_42 = tpu.memref_slice %arg3[%dma_start3A_41] : memref<100000xi32, #tpu.memory_space<hbm>> -> memref<100000xi32, #tpu.memory_space<hbm>>
    tpu.enqueue_indirect_dma source(%dma_start3A_42 : memref<100000xi32, #tpu.memory_space<hbm>>) target(%dma_start3A_37 : memref<128xi32, #tpu.memory_space<vmem>>) offsets(%dma_start3A_40 : memref<128xi32, #tpu.memory_space<vmem>>) semaphore(%arg15 : memref<!tpu.dma_semaphore, #tpu.memory_space<semaphore_mem>>)
    %dma_start3A_43 = arith.constant 3 : i32
    %dma_start3A_44 = arith.constant 3 : i32
    %dma_start3A_45 = arith.constant 0 : i32
    %dma_start3A_46 = tpu.memref_slice %arg11[%dma_start3A_44, %dma_start3A_45] : memref<4x128xi32, #tpu.memory_space<vmem>> -> memref<1x128xi32, #tpu.memory_space<vmem>>
    %dma_start3A_47 = tpu.memref_squeeze %dma_start3A_46 : memref<1x128xi32, #tpu.memory_space<vmem>> -> memref<128xi32, #tpu.memory_space<vmem>>
    %dma_start3A_48 = arith.constant 0 : i32
    %dma_start3A_49 = tpu.memref_slice %arg10[%dma_start3A_43, %dma_start3A_48] : memref<4x128xi32, #tpu.memory_space<vmem>> -> memref<1x128xi32, #tpu.memory_space<vmem>>
    %dma_start3A_50 = tpu.memref_squeeze %dma_start3A_49 : memref<1x128xi32, #tpu.memory_space<vmem>> -> memref<128xi32, #tpu.memory_space<vmem>>
    %dma_start3A_51 = arith.constant 0 : i32
    %dma_start3A_52 = tpu.memref_slice %arg3[%dma_start3A_51] : memref<100000xi32, #tpu.memory_space<hbm>> -> memref<100000xi32, #tpu.memory_space<hbm>>
    tpu.enqueue_indirect_dma source(%dma_start3A_52 : memref<100000xi32, #tpu.memory_space<hbm>>) target(%dma_start3A_47 : memref<128xi32, #tpu.memory_space<vmem>>) offsets(%dma_start3A_50 : memref<128xi32, #tpu.memory_space<vmem>>) semaphore(%arg15 : memref<!tpu.dma_semaphore, #tpu.memory_space<semaphore_mem>>)
    %dma_wait3A = arith.constant 0 : i32
    %dma_wait3A_53 = arith.constant 0 : i32
    %dma_wait3A_54 = arith.constant 0 : i32
    %dma_wait3A_55 = tpu.memref_slice %arg11[%dma_wait3A_53, %dma_wait3A_54] : memref<4x128xi32, #tpu.memory_space<vmem>> -> memref<1x128xi32, #tpu.memory_space<vmem>>
    %dma_wait3A_56 = tpu.memref_squeeze %dma_wait3A_55 : memref<1x128xi32, #tpu.memory_space<vmem>> -> memref<128xi32, #tpu.memory_space<vmem>>
    %dma_wait3A_57 = arith.constant 0 : i32
    %dma_wait3A_58 = tpu.memref_slice %arg10[%dma_wait3A, %dma_wait3A_57] : memref<4x128xi32, #tpu.memory_space<vmem>> -> memref<1x128xi32, #tpu.memory_space<vmem>>
    %dma_wait3A_59 = tpu.memref_squeeze %dma_wait3A_58 : memref<1x128xi32, #tpu.memory_space<vmem>> -> memref<128xi32, #tpu.memory_space<vmem>>
    %dma_wait3A_60 = arith.constant 0 : i32
    %dma_wait3A_61 = tpu.memref_slice %arg3[%dma_wait3A_60] : memref<100000xi32, #tpu.memory_space<hbm>> -> memref<100000xi32, #tpu.memory_space<hbm>>
    tpu.wait_indirect_dma semaphore(%arg15 : memref<!tpu.dma_semaphore, #tpu.memory_space<semaphore_mem>>) src(%dma_wait3A_61 : memref<100000xi32, #tpu.memory_space<hbm>>) dst(%dma_wait3A_56 : memref<128xi32, #tpu.memory_space<vmem>>)
    %dma_wait3A_62 = arith.constant 1 : i32
    %dma_wait3A_63 = arith.constant 1 : i32
    %dma_wait3A_64 = arith.constant 0 : i32
    %dma_wait3A_65 = tpu.memref_slice %arg11[%dma_wait3A_63, %dma_wait3A_64] : memref<4x128xi32, #tpu.memory_space<vmem>> -> memref<1x128xi32, #tpu.memory_space<vmem>>
    %dma_wait3A_66 = tpu.memref_squeeze %dma_wait3A_65 : memref<1x128xi32, #tpu.memory_space<vmem>> -> memref<128xi32, #tpu.memory_space<vmem>>
    %dma_wait3A_67 = arith.constant 0 : i32
    %dma_wait3A_68 = tpu.memref_slice %arg10[%dma_wait3A_62, %dma_wait3A_67] : memref<4x128xi32, #tpu.memory_space<vmem>> -> memref<1x128xi32, #tpu.memory_space<vmem>>
    %dma_wait3A_69 = tpu.memref_squeeze %dma_wait3A_68 : memref<1x128xi32, #tpu.memory_space<vmem>> -> memref<128xi32, #tpu.memory_space<vmem>>
    %dma_wait3A_70 = arith.constant 0 : i32
    %dma_wait3A_71 = tpu.memref_slice %arg3[%dma_wait3A_70] : memref<100000xi32, #tpu.memory_space<hbm>> -> memref<100000xi32, #tpu.memory_space<hbm>>
    tpu.wait_indirect_dma semaphore(%arg15 : memref<!tpu.dma_semaphore, #tpu.memory_space<semaphore_mem>>) src(%dma_wait3A_71 : memref<100000xi32, #tpu.memory_space<hbm>>) dst(%dma_wait3A_66 : memref<128xi32, #tpu.memory_space<vmem>>)
    %dma_wait3A_72 = arith.constant 2 : i32
    %dma_wait3A_73 = arith.constant 2 : i32
    %dma_wait3A_74 = arith.constant 0 : i32
    %dma_wait3A_75 = tpu.memref_slice %arg11[%dma_wait3A_73, %dma_wait3A_74] : memref<4x128xi32, #tpu.memory_space<vmem>> -> memref<1x128xi32, #tpu.memory_space<vmem>>
    %dma_wait3A_76 = tpu.memref_squeeze %dma_wait3A_75 : memref<1x128xi32, #tpu.memory_space<vmem>> -> memref<128xi32, #tpu.memory_space<vmem>>
    %dma_wait3A_77 = arith.constant 0 : i32
    %dma_wait3A_78 = tpu.memref_slice %arg10[%dma_wait3A_72, %dma_wait3A_77] : memref<4x128xi32, #tpu.memory_space<vmem>> -> memref<1x128xi32, #tpu.memory_space<vmem>>
    %dma_wait3A_79 = tpu.memref_squeeze %dma_wait3A_78 : memref<1x128xi32, #tpu.memory_space<vmem>> -> memref<128xi32, #tpu.memory_space<vmem>>
    %dma_wait3A_80 = arith.constant 0 : i32
    %dma_wait3A_81 = tpu.memref_slice %arg3[%dma_wait3A_80] : memref<100000xi32, #tpu.memory_space<hbm>> -> memref<100000xi32, #tpu.memory_space<hbm>>
    tpu.wait_indirect_dma semaphore(%arg15 : memref<!tpu.dma_semaphore, #tpu.memory_space<semaphore_mem>>) src(%dma_wait3A_81 : memref<100000xi32, #tpu.memory_space<hbm>>) dst(%dma_wait3A_76 : memref<128xi32, #tpu.memory_space<vmem>>)
    %dma_wait3A_82 = arith.constant 3 : i32
    %dma_wait3A_83 = arith.constant 3 : i32
    %dma_wait3A_84 = arith.constant 0 : i32
    %dma_wait3A_85 = tpu.memref_slice %arg11[%dma_wait3A_83, %dma_wait3A_84] : memref<4x128xi32, #tpu.memory_space<vmem>> -> memref<1x128xi32, #tpu.memory_space<vmem>>
    %dma_wait3A_86 = tpu.memref_squeeze %dma_wait3A_85 : memref<1x128xi32, #tpu.memory_space<vmem>> -> memref<128xi32, #tpu.memory_space<vmem>>
    %dma_wait3A_87 = arith.constant 0 : i32
    %dma_wait3A_88 = tpu.memref_slice %arg10[%dma_wait3A_82, %dma_wait3A_87] : memref<4x128xi32, #tpu.memory_space<vmem>> -> memref<1x128xi32, #tpu.memory_space<vmem>>
    %dma_wait3A_89 = tpu.memref_squeeze %dma_wait3A_88 : memref<1x128xi32, #tpu.memory_space<vmem>> -> memref<128xi32, #tpu.memory_space<vmem>>
    %dma_wait3A_90 = arith.constant 0 : i32
    %dma_wait3A_91 = tpu.memref_slice %arg3[%dma_wait3A_90] : memref<100000xi32, #tpu.memory_space<hbm>> -> memref<100000xi32, #tpu.memory_space<hbm>>
    tpu.wait_indirect_dma semaphore(%arg15 : memref<!tpu.dma_semaphore, #tpu.memory_space<semaphore_mem>>) src(%dma_wait3A_91 : memref<100000xi32, #tpu.memory_space<hbm>>) dst(%dma_wait3A_86 : memref<128xi32, #tpu.memory_space<vmem>>)
    %dma_start3A_92 = arith.constant 0 : i32
    %dma_start3A_93 = arith.constant 0 : i32
    %dma_start3A_94 = arith.constant 0 : i32
    %dma_start3A_95 = tpu.memref_slice %arg14[%dma_start3A_93, %dma_start3A_94] : memref<4x128xf32, #tpu.memory_space<vmem>> -> memref<1x128xf32, #tpu.memory_space<vmem>>
    %dma_start3A_96 = tpu.memref_squeeze %dma_start3A_95 : memref<1x128xf32, #tpu.memory_space<vmem>> -> memref<128xf32, #tpu.memory_space<vmem>>
    %dma_start3A_97 = arith.constant 0 : i32
    %dma_start3A_98 = tpu.memref_slice %arg11[%dma_start3A_92, %dma_start3A_97] : memref<4x128xi32, #tpu.memory_space<vmem>> -> memref<1x128xi32, #tpu.memory_space<vmem>>
    %dma_start3A_99 = tpu.memref_squeeze %dma_start3A_98 : memref<1x128xi32, #tpu.memory_space<vmem>> -> memref<128xi32, #tpu.memory_space<vmem>>
    %dma_start3A_100 = arith.constant 0 : i32
    %dma_start3A_101 = tpu.memref_slice %arg5[%dma_start3A_100] : memref<16384xf32, #tpu.memory_space<hbm>> -> memref<16384xf32, #tpu.memory_space<hbm>>
    tpu.enqueue_indirect_dma source(%dma_start3A_101 : memref<16384xf32, #tpu.memory_space<hbm>>) target(%dma_start3A_96 : memref<128xf32, #tpu.memory_space<vmem>>) offsets(%dma_start3A_99 : memref<128xi32, #tpu.memory_space<vmem>>) semaphore(%arg17 : memref<!tpu.dma_semaphore, #tpu.memory_space<semaphore_mem>>)
    %dma_start3A_102 = arith.constant 1 : i32
    %dma_start3A_103 = arith.constant 1 : i32
    %dma_start3A_104 = arith.constant 0 : i32
    %dma_start3A_105 = tpu.memref_slice %arg14[%dma_start3A_103, %dma_start3A_104] : memref<4x128xf32, #tpu.memory_space<vmem>> -> memref<1x128xf32, #tpu.memory_space<vmem>>
    %dma_start3A_106 = tpu.memref_squeeze %dma_start3A_105 : memref<1x128xf32, #tpu.memory_space<vmem>> -> memref<128xf32, #tpu.memory_space<vmem>>
    %dma_start3A_107 = arith.constant 0 : i32
    %dma_start3A_108 = tpu.memref_slice %arg11[%dma_start3A_102, %dma_start3A_107] : memref<4x128xi32, #tpu.memory_space<vmem>> -> memref<1x128xi32, #tpu.memory_space<vmem>>
    %dma_start3A_109 = tpu.memref_squeeze %dma_start3A_108 : memref<1x128xi32, #tpu.memory_space<vmem>> -> memref<128xi32, #tpu.memory_space<vmem>>
    %dma_start3A_110 = arith.constant 0 : i32
    %dma_start3A_111 = tpu.memref_slice %arg5[%dma_start3A_110] : memref<16384xf32, #tpu.memory_space<hbm>> -> memref<16384xf32, #tpu.memory_space<hbm>>
    tpu.enqueue_indirect_dma source(%dma_start3A_111 : memref<16384xf32, #tpu.memory_space<hbm>>) target(%dma_start3A_106 : memref<128xf32, #tpu.memory_space<vmem>>) offsets(%dma_start3A_109 : memref<128xi32, #tpu.memory_space<vmem>>) semaphore(%arg17 : memref<!tpu.dma_semaphore, #tpu.memory_space<semaphore_mem>>)
    %dma_start3A_112 = arith.constant 2 : i32
    %dma_start3A_113 = arith.constant 2 : i32
    %dma_start3A_114 = arith.constant 0 : i32
    %dma_start3A_115 = tpu.memref_slice %arg14[%dma_start3A_113, %dma_start3A_114] : memref<4x128xf32, #tpu.memory_space<vmem>> -> memref<1x128xf32, #tpu.memory_space<vmem>>
    %dma_start3A_116 = tpu.memref_squeeze %dma_start3A_115 : memref<1x128xf32, #tpu.memory_space<vmem>> -> memref<128xf32, #tpu.memory_space<vmem>>
    %dma_start3A_117 = arith.constant 0 : i32
    %dma_start3A_118 = tpu.memref_slice %arg11[%dma_start3A_112, %dma_start3A_117] : memref<4x128xi32, #tpu.memory_space<vmem>> -> memref<1x128xi32, #tpu.memory_space<vmem>>
    %dma_start3A_119 = tpu.memref_squeeze %dma_start3A_118 : memref<1x128xi32, #tpu.memory_space<vmem>> -> memref<128xi32, #tpu.memory_space<vmem>>
    %dma_start3A_120 = arith.constant 0 : i32
    %dma_start3A_121 = tpu.memref_slice %arg5[%dma_start3A_120] : memref<16384xf32, #tpu.memory_space<hbm>> -> memref<16384xf32, #tpu.memory_space<hbm>>
    tpu.enqueue_indirect_dma source(%dma_start3A_121 : memref<16384xf32, #tpu.memory_space<hbm>>) target(%dma_start3A_116 : memref<128xf32, #tpu.memory_space<vmem>>) offsets(%dma_start3A_119 : memref<128xi32, #tpu.memory_space<vmem>>) semaphore(%arg17 : memref<!tpu.dma_semaphore, #tpu.memory_space<semaphore_mem>>)
    %dma_start3A_122 = arith.constant 3 : i32
    %dma_start3A_123 = arith.constant 3 : i32
    %dma_start3A_124 = arith.constant 0 : i32
    %dma_start3A_125 = tpu.memref_slice %arg14[%dma_start3A_123, %dma_start3A_124] : memref<4x128xf32, #tpu.memory_space<vmem>> -> memref<1x128xf32, #tpu.memory_space<vmem>>
    %dma_start3A_126 = tpu.memref_squeeze %dma_start3A_125 : memref<1x128xf32, #tpu.memory_space<vmem>> -> memref<128xf32, #tpu.memory_space<vmem>>
    %dma_start3A_127 = arith.constant 0 : i32
    %dma_start3A_128 = tpu.memref_slice %arg11[%dma_start3A_122, %dma_start3A_127] : memref<4x128xi32, #tpu.memory_space<vmem>> -> memref<1x128xi32, #tpu.memory_space<vmem>>
    %dma_start3A_129 = tpu.memref_squeeze %dma_start3A_128 : memref<1x128xi32, #tpu.memory_space<vmem>> -> memref<128xi32, #tpu.memory_space<vmem>>
    %dma_start3A_130 = arith.constant 0 : i32
    %dma_start3A_131 = tpu.memref_slice %arg5[%dma_start3A_130] : memref<16384xf32, #tpu.memory_space<hbm>> -> memref<16384xf32, #tpu.memory_space<hbm>>
    tpu.enqueue_indirect_dma source(%dma_start3A_131 : memref<16384xf32, #tpu.memory_space<hbm>>) target(%dma_start3A_126 : memref<128xf32, #tpu.memory_space<vmem>>) offsets(%dma_start3A_129 : memref<128xi32, #tpu.memory_space<vmem>>) semaphore(%arg17 : memref<!tpu.dma_semaphore, #tpu.memory_space<semaphore_mem>>)
    %dma_start3A_132 = arith.constant 0 : i32
    %dma_start3A_133 = arith.constant 0 : i32
    %dma_start3A_134 = tpu.memref_slice %arg11[%dma_start3A_132, %dma_start3A_133] : memref<4x128xi32, #tpu.memory_space<vmem>> -> memref<1x128xi32, #tpu.memory_space<vmem>>
    %dma_start3A_135 = tpu.memref_squeeze %dma_start3A_134 : memref<1x128xi32, #tpu.memory_space<vmem>> -> memref<128xi32, #tpu.memory_space<vmem>>
    %dma_start3A_136 = arith.constant 0 : i32
    %dma_start3A_137 = arith.constant 0 : i32
    %dma_start3A_138 = tpu.memref_slice %arg4[%dma_start3A_136, %dma_start3A_137] : memref<16384x256xf32, #tpu.memory_space<hbm>> -> memref<16384x256xf32, #tpu.memory_space<hbm>>
    tpu.enqueue_indirect_dma source(%dma_start3A_138 : memref<16384x256xf32, #tpu.memory_space<hbm>>) target(%arg12 : memref<128x256xf32, #tpu.memory_space<vmem>>) offsets(%dma_start3A_135 : memref<128xi32, #tpu.memory_space<vmem>>) semaphore(%arg15 : memref<!tpu.dma_semaphore, #tpu.memory_space<semaphore_mem>>)
    %dma_start3A_139 = arith.constant 1 : i32
    %dma_start3A_140 = arith.constant 0 : i32
    %dma_start3A_141 = tpu.memref_slice %arg11[%dma_start3A_139, %dma_start3A_140] : memref<4x128xi32, #tpu.memory_space<vmem>> -> memref<1x128xi32, #tpu.memory_space<vmem>>
    %dma_start3A_142 = tpu.memref_squeeze %dma_start3A_141 : memref<1x128xi32, #tpu.memory_space<vmem>> -> memref<128xi32, #tpu.memory_space<vmem>>
    %dma_start3A_143 = arith.constant 0 : i32
    %dma_start3A_144 = arith.constant 0 : i32
    %dma_start3A_145 = tpu.memref_slice %arg4[%dma_start3A_143, %dma_start3A_144] : memref<16384x256xf32, #tpu.memory_space<hbm>> -> memref<16384x256xf32, #tpu.memory_space<hbm>>
    tpu.enqueue_indirect_dma source(%dma_start3A_145 : memref<16384x256xf32, #tpu.memory_space<hbm>>) target(%arg13 : memref<128x256xf32, #tpu.memory_space<vmem>>) offsets(%dma_start3A_142 : memref<128xi32, #tpu.memory_space<vmem>>) semaphore(%arg15 : memref<!tpu.dma_semaphore, #tpu.memory_space<semaphore_mem>>)
    %dma_wait3A_146 = arith.constant 0 : i32
    %dma_wait3A_147 = arith.constant 0 : i32
    %dma_wait3A_148 = tpu.memref_slice %arg11[%dma_wait3A_146, %dma_wait3A_147] : memref<4x128xi32, #tpu.memory_space<vmem>> -> memref<1x128xi32, #tpu.memory_space<vmem>>
    %dma_wait3A_149 = tpu.memref_squeeze %dma_wait3A_148 : memref<1x128xi32, #tpu.memory_space<vmem>> -> memref<128xi32, #tpu.memory_space<vmem>>
    %dma_wait3A_150 = arith.constant 0 : i32
    %dma_wait3A_151 = arith.constant 0 : i32
    %dma_wait3A_152 = tpu.memref_slice %arg4[%dma_wait3A_150, %dma_wait3A_151] : memref<16384x256xf32, #tpu.memory_space<hbm>> -> memref<16384x256xf32, #tpu.memory_space<hbm>>
    tpu.wait_indirect_dma semaphore(%arg15 : memref<!tpu.dma_semaphore, #tpu.memory_space<semaphore_mem>>) src(%dma_wait3A_152 : memref<16384x256xf32, #tpu.memory_space<hbm>>) dst(%arg12 : memref<128x256xf32, #tpu.memory_space<vmem>>)
    %dma_start3A_153 = arith.constant 0 : i32
    %dma_start3A_154 = arith.constant 0 : i32
    %dma_start3A_155 = tpu.memref_slice %arg10[%dma_start3A_153, %dma_start3A_154] : memref<4x128xi32, #tpu.memory_space<vmem>> -> memref<1x128xi32, #tpu.memory_space<vmem>>
    %dma_start3A_156 = tpu.memref_squeeze %dma_start3A_155 : memref<1x128xi32, #tpu.memory_space<vmem>> -> memref<128xi32, #tpu.memory_space<vmem>>
    %dma_start3A_157 = arith.constant 0 : i32
    %dma_start3A_158 = arith.constant 0 : i32
    %dma_start3A_159 = tpu.memref_slice %arg6[%dma_start3A_157, %dma_start3A_158] : memref<100000x256xf32, #tpu.memory_space<hbm>> -> memref<100000x256xf32, #tpu.memory_space<hbm>>
    tpu.enqueue_indirect_dma source(%arg12 : memref<128x256xf32, #tpu.memory_space<vmem>>) target(%dma_start3A_159 : memref<100000x256xf32, #tpu.memory_space<hbm>>) offsets(%dma_start3A_156 : memref<128xi32, #tpu.memory_space<vmem>>) semaphore(%arg16 : memref<!tpu.dma_semaphore, #tpu.memory_space<semaphore_mem>>)
    %dma_wait3A_160 = arith.constant 0 : i32
    %dma_wait3A_161 = arith.constant 0 : i32
    %dma_wait3A_162 = tpu.memref_slice %arg10[%dma_wait3A_160, %dma_wait3A_161] : memref<4x128xi32, #tpu.memory_space<vmem>> -> memref<1x128xi32, #tpu.memory_space<vmem>>
    %dma_wait3A_163 = tpu.memref_squeeze %dma_wait3A_162 : memref<1x128xi32, #tpu.memory_space<vmem>> -> memref<128xi32, #tpu.memory_space<vmem>>
    %dma_wait3A_164 = arith.constant 0 : i32
    %dma_wait3A_165 = arith.constant 0 : i32
    %dma_wait3A_166 = tpu.memref_slice %arg6[%dma_wait3A_164, %dma_wait3A_165] : memref<100000x256xf32, #tpu.memory_space<hbm>> -> memref<100000x256xf32, #tpu.memory_space<hbm>>
    tpu.wait_indirect_dma semaphore(%arg16 : memref<!tpu.dma_semaphore, #tpu.memory_space<semaphore_mem>>) src(%arg12 : memref<128x256xf32, #tpu.memory_space<vmem>>) dst(%dma_wait3A_166 : memref<100000x256xf32, #tpu.memory_space<hbm>>)
    %dma_start3A_167 = arith.constant 2 : i32
    %dma_start3A_168 = arith.constant 0 : i32
    %dma_start3A_169 = tpu.memref_slice %arg11[%dma_start3A_167, %dma_start3A_168] : memref<4x128xi32, #tpu.memory_space<vmem>> -> memref<1x128xi32, #tpu.memory_space<vmem>>
    %dma_start3A_170 = tpu.memref_squeeze %dma_start3A_169 : memref<1x128xi32, #tpu.memory_space<vmem>> -> memref<128xi32, #tpu.memory_space<vmem>>
    %dma_start3A_171 = arith.constant 0 : i32
    %dma_start3A_172 = arith.constant 0 : i32
    %dma_start3A_173 = tpu.memref_slice %arg4[%dma_start3A_171, %dma_start3A_172] : memref<16384x256xf32, #tpu.memory_space<hbm>> -> memref<16384x256xf32, #tpu.memory_space<hbm>>
    tpu.enqueue_indirect_dma source(%dma_start3A_173 : memref<16384x256xf32, #tpu.memory_space<hbm>>) target(%arg12 : memref<128x256xf32, #tpu.memory_space<vmem>>) offsets(%dma_start3A_170 : memref<128xi32, #tpu.memory_space<vmem>>) semaphore(%arg15 : memref<!tpu.dma_semaphore, #tpu.memory_space<semaphore_mem>>)
    %dma_wait3A_174 = arith.constant 1 : i32
    %dma_wait3A_175 = arith.constant 0 : i32
    %dma_wait3A_176 = tpu.memref_slice %arg11[%dma_wait3A_174, %dma_wait3A_175] : memref<4x128xi32, #tpu.memory_space<vmem>> -> memref<1x128xi32, #tpu.memory_space<vmem>>
    %dma_wait3A_177 = tpu.memref_squeeze %dma_wait3A_176 : memref<1x128xi32, #tpu.memory_space<vmem>> -> memref<128xi32, #tpu.memory_space<vmem>>
    %dma_wait3A_178 = arith.constant 0 : i32
    %dma_wait3A_179 = arith.constant 0 : i32
    %dma_wait3A_180 = tpu.memref_slice %arg4[%dma_wait3A_178, %dma_wait3A_179] : memref<16384x256xf32, #tpu.memory_space<hbm>> -> memref<16384x256xf32, #tpu.memory_space<hbm>>
    tpu.wait_indirect_dma semaphore(%arg15 : memref<!tpu.dma_semaphore, #tpu.memory_space<semaphore_mem>>) src(%dma_wait3A_180 : memref<16384x256xf32, #tpu.memory_space<hbm>>) dst(%arg13 : memref<128x256xf32, #tpu.memory_space<vmem>>)
    %dma_start3A_181 = arith.constant 1 : i32
    %dma_start3A_182 = arith.constant 0 : i32
    %dma_start3A_183 = tpu.memref_slice %arg10[%dma_start3A_181, %dma_start3A_182] : memref<4x128xi32, #tpu.memory_space<vmem>> -> memref<1x128xi32, #tpu.memory_space<vmem>>
    %dma_start3A_184 = tpu.memref_squeeze %dma_start3A_183 : memref<1x128xi32, #tpu.memory_space<vmem>> -> memref<128xi32, #tpu.memory_space<vmem>>
    %dma_start3A_185 = arith.constant 0 : i32
    %dma_start3A_186 = arith.constant 0 : i32
    %dma_start3A_187 = tpu.memref_slice %arg6[%dma_start3A_185, %dma_start3A_186] : memref<100000x256xf32, #tpu.memory_space<hbm>> -> memref<100000x256xf32, #tpu.memory_space<hbm>>
    tpu.enqueue_indirect_dma source(%arg13 : memref<128x256xf32, #tpu.memory_space<vmem>>) target(%dma_start3A_187 : memref<100000x256xf32, #tpu.memory_space<hbm>>) offsets(%dma_start3A_184 : memref<128xi32, #tpu.memory_space<vmem>>) semaphore(%arg16 : memref<!tpu.dma_semaphore, #tpu.memory_space<semaphore_mem>>)
    %dma_wait3A_188 = arith.constant 1 : i32
    %dma_wait3A_189 = arith.constant 0 : i32
    %dma_wait3A_190 = tpu.memref_slice %arg10[%dma_wait3A_188, %dma_wait3A_189] : memref<4x128xi32, #tpu.memory_space<vmem>> -> memref<1x128xi32, #tpu.memory_space<vmem>>
    %dma_wait3A_191 = tpu.memref_squeeze %dma_wait3A_190 : memref<1x128xi32, #tpu.memory_space<vmem>> -> memref<128xi32, #tpu.memory_space<vmem>>
    %dma_wait3A_192 = arith.constant 0 : i32
    %dma_wait3A_193 = arith.constant 0 : i32
    %dma_wait3A_194 = tpu.memref_slice %arg6[%dma_wait3A_192, %dma_wait3A_193] : memref<100000x256xf32, #tpu.memory_space<hbm>> -> memref<100000x256xf32, #tpu.memory_space<hbm>>
    tpu.wait_indirect_dma semaphore(%arg16 : memref<!tpu.dma_semaphore, #tpu.memory_space<semaphore_mem>>) src(%arg13 : memref<128x256xf32, #tpu.memory_space<vmem>>) dst(%dma_wait3A_194 : memref<100000x256xf32, #tpu.memory_space<hbm>>)
    %dma_start3A_195 = arith.constant 3 : i32
    %dma_start3A_196 = arith.constant 0 : i32
    %dma_start3A_197 = tpu.memref_slice %arg11[%dma_start3A_195, %dma_start3A_196] : memref<4x128xi32, #tpu.memory_space<vmem>> -> memref<1x128xi32, #tpu.memory_space<vmem>>
    %dma_start3A_198 = tpu.memref_squeeze %dma_start3A_197 : memref<1x128xi32, #tpu.memory_space<vmem>> -> memref<128xi32, #tpu.memory_space<vmem>>
    %dma_start3A_199 = arith.constant 0 : i32
    %dma_start3A_200 = arith.constant 0 : i32
    %dma_start3A_201 = tpu.memref_slice %arg4[%dma_start3A_199, %dma_start3A_200] : memref<16384x256xf32, #tpu.memory_space<hbm>> -> memref<16384x256xf32, #tpu.memory_space<hbm>>
    tpu.enqueue_indirect_dma source(%dma_start3A_201 : memref<16384x256xf32, #tpu.memory_space<hbm>>) target(%arg13 : memref<128x256xf32, #tpu.memory_space<vmem>>) offsets(%dma_start3A_198 : memref<128xi32, #tpu.memory_space<vmem>>) semaphore(%arg15 : memref<!tpu.dma_semaphore, #tpu.memory_space<semaphore_mem>>)
    %dma_wait3A_202 = arith.constant 2 : i32
    %dma_wait3A_203 = arith.constant 0 : i32
    %dma_wait3A_204 = tpu.memref_slice %arg11[%dma_wait3A_202, %dma_wait3A_203] : memref<4x128xi32, #tpu.memory_space<vmem>> -> memref<1x128xi32, #tpu.memory_space<vmem>>
    %dma_wait3A_205 = tpu.memref_squeeze %dma_wait3A_204 : memref<1x128xi32, #tpu.memory_space<vmem>> -> memref<128xi32, #tpu.memory_space<vmem>>
    %dma_wait3A_206 = arith.constant 0 : i32
    %dma_wait3A_207 = arith.constant 0 : i32
    %dma_wait3A_208 = tpu.memref_slice %arg4[%dma_wait3A_206, %dma_wait3A_207] : memref<16384x256xf32, #tpu.memory_space<hbm>> -> memref<16384x256xf32, #tpu.memory_space<hbm>>
    tpu.wait_indirect_dma semaphore(%arg15 : memref<!tpu.dma_semaphore, #tpu.memory_space<semaphore_mem>>) src(%dma_wait3A_208 : memref<16384x256xf32, #tpu.memory_space<hbm>>) dst(%arg12 : memref<128x256xf32, #tpu.memory_space<vmem>>)
    %dma_start3A_209 = arith.constant 2 : i32
    %dma_start3A_210 = arith.constant 0 : i32
    %dma_start3A_211 = tpu.memref_slice %arg10[%dma_start3A_209, %dma_start3A_210] : memref<4x128xi32, #tpu.memory_space<vmem>> -> memref<1x128xi32, #tpu.memory_space<vmem>>
    %dma_start3A_212 = tpu.memref_squeeze %dma_start3A_211 : memref<1x128xi32, #tpu.memory_space<vmem>> -> memref<128xi32, #tpu.memory_space<vmem>>
    %dma_start3A_213 = arith.constant 0 : i32
    %dma_start3A_214 = arith.constant 0 : i32
    %dma_start3A_215 = tpu.memref_slice %arg6[%dma_start3A_213, %dma_start3A_214] : memref<100000x256xf32, #tpu.memory_space<hbm>> -> memref<100000x256xf32, #tpu.memory_space<hbm>>
    tpu.enqueue_indirect_dma source(%arg12 : memref<128x256xf32, #tpu.memory_space<vmem>>) target(%dma_start3A_215 : memref<100000x256xf32, #tpu.memory_space<hbm>>) offsets(%dma_start3A_212 : memref<128xi32, #tpu.memory_space<vmem>>) semaphore(%arg16 : memref<!tpu.dma_semaphore, #tpu.memory_space<semaphore_mem>>)
    %dma_wait3A_216 = arith.constant 3 : i32
    %dma_wait3A_217 = arith.constant 0 : i32
    %dma_wait3A_218 = tpu.memref_slice %arg11[%dma_wait3A_216, %dma_wait3A_217] : memref<4x128xi32, #tpu.memory_space<vmem>> -> memref<1x128xi32, #tpu.memory_space<vmem>>
    %dma_wait3A_219 = tpu.memref_squeeze %dma_wait3A_218 : memref<1x128xi32, #tpu.memory_space<vmem>> -> memref<128xi32, #tpu.memory_space<vmem>>
    %dma_wait3A_220 = arith.constant 0 : i32
    %dma_wait3A_221 = arith.constant 0 : i32
    %dma_wait3A_222 = tpu.memref_slice %arg4[%dma_wait3A_220, %dma_wait3A_221] : memref<16384x256xf32, #tpu.memory_space<hbm>> -> memref<16384x256xf32, #tpu.memory_space<hbm>>
    tpu.wait_indirect_dma semaphore(%arg15 : memref<!tpu.dma_semaphore, #tpu.memory_space<semaphore_mem>>) src(%dma_wait3A_222 : memref<16384x256xf32, #tpu.memory_space<hbm>>) dst(%arg13 : memref<128x256xf32, #tpu.memory_space<vmem>>)
    %dma_start3A_223 = arith.constant 3 : i32
    %dma_start3A_224 = arith.constant 0 : i32
    %dma_start3A_225 = tpu.memref_slice %arg10[%dma_start3A_223, %dma_start3A_224] : memref<4x128xi32, #tpu.memory_space<vmem>> -> memref<1x128xi32, #tpu.memory_space<vmem>>
    %dma_start3A_226 = tpu.memref_squeeze %dma_start3A_225 : memref<1x128xi32, #tpu.memory_space<vmem>> -> memref<128xi32, #tpu.memory_space<vmem>>
    %dma_start3A_227 = arith.constant 0 : i32
    %dma_start3A_228 = arith.constant 0 : i32
    %dma_start3A_229 = tpu.memref_slice %arg6[%dma_start3A_227, %dma_start3A_228] : memref<100000x256xf32, #tpu.memory_space<hbm>> -> memref<100000x256xf32, #tpu.memory_space<hbm>>
    tpu.enqueue_indirect_dma source(%arg13 : memref<128x256xf32, #tpu.memory_space<vmem>>) target(%dma_start3A_229 : memref<100000x256xf32, #tpu.memory_space<hbm>>) offsets(%dma_start3A_226 : memref<128xi32, #tpu.memory_space<vmem>>) semaphore(%arg16 : memref<!tpu.dma_semaphore, #tpu.memory_space<semaphore_mem>>)
    %dma_wait3A_230 = arith.constant 0 : i32
    %dma_wait3A_231 = arith.constant 0 : i32
    %dma_wait3A_232 = arith.constant 0 : i32
    %dma_wait3A_233 = tpu.memref_slice %arg14[%dma_wait3A_231, %dma_wait3A_232] : memref<4x128xf32, #tpu.memory_space<vmem>> -> memref<1x128xf32, #tpu.memory_space<vmem>>
    %dma_wait3A_234 = tpu.memref_squeeze %dma_wait3A_233 : memref<1x128xf32, #tpu.memory_space<vmem>> -> memref<128xf32, #tpu.memory_space<vmem>>
    %dma_wait3A_235 = arith.constant 0 : i32
    %dma_wait3A_236 = tpu.memref_slice %arg11[%dma_wait3A_230, %dma_wait3A_235] : memref<4x128xi32, #tpu.memory_space<vmem>> -> memref<1x128xi32, #tpu.memory_space<vmem>>
    %dma_wait3A_237 = tpu.memref_squeeze %dma_wait3A_236 : memref<1x128xi32, #tpu.memory_space<vmem>> -> memref<128xi32, #tpu.memory_space<vmem>>
    %dma_wait3A_238 = arith.constant 0 : i32
    %dma_wait3A_239 = tpu.memref_slice %arg5[%dma_wait3A_238] : memref<16384xf32, #tpu.memory_space<hbm>> -> memref<16384xf32, #tpu.memory_space<hbm>>
    tpu.wait_indirect_dma semaphore(%arg17 : memref<!tpu.dma_semaphore, #tpu.memory_space<semaphore_mem>>) src(%dma_wait3A_239 : memref<16384xf32, #tpu.memory_space<hbm>>) dst(%dma_wait3A_234 : memref<128xf32, #tpu.memory_space<vmem>>)
    %dma_wait3A_240 = arith.constant 1 : i32
    %dma_wait3A_241 = arith.constant 1 : i32
    %dma_wait3A_242 = arith.constant 0 : i32
    %dma_wait3A_243 = tpu.memref_slice %arg14[%dma_wait3A_241, %dma_wait3A_242] : memref<4x128xf32, #tpu.memory_space<vmem>> -> memref<1x128xf32, #tpu.memory_space<vmem>>
    %dma_wait3A_244 = tpu.memref_squeeze %dma_wait3A_243 : memref<1x128xf32, #tpu.memory_space<vmem>> -> memref<128xf32, #tpu.memory_space<vmem>>
    %dma_wait3A_245 = arith.constant 0 : i32
    %dma_wait3A_246 = tpu.memref_slice %arg11[%dma_wait3A_240, %dma_wait3A_245] : memref<4x128xi32, #tpu.memory_space<vmem>> -> memref<1x128xi32, #tpu.memory_space<vmem>>
    %dma_wait3A_247 = tpu.memref_squeeze %dma_wait3A_246 : memref<1x128xi32, #tpu.memory_space<vmem>> -> memref<128xi32, #tpu.memory_space<vmem>>
    %dma_wait3A_248 = arith.constant 0 : i32
    %dma_wait3A_249 = tpu.memref_slice %arg5[%dma_wait3A_248] : memref<16384xf32, #tpu.memory_space<hbm>> -> memref<16384xf32, #tpu.memory_space<hbm>>
    tpu.wait_indirect_dma semaphore(%arg17 : memref<!tpu.dma_semaphore, #tpu.memory_space<semaphore_mem>>) src(%dma_wait3A_249 : memref<16384xf32, #tpu.memory_space<hbm>>) dst(%dma_wait3A_244 : memref<128xf32, #tpu.memory_space<vmem>>)
    %dma_wait3A_250 = arith.constant 2 : i32
    %dma_wait3A_251 = arith.constant 2 : i32
    %dma_wait3A_252 = arith.constant 0 : i32
    %dma_wait3A_253 = tpu.memref_slice %arg14[%dma_wait3A_251, %dma_wait3A_252] : memref<4x128xf32, #tpu.memory_space<vmem>> -> memref<1x128xf32, #tpu.memory_space<vmem>>
    %dma_wait3A_254 = tpu.memref_squeeze %dma_wait3A_253 : memref<1x128xf32, #tpu.memory_space<vmem>> -> memref<128xf32, #tpu.memory_space<vmem>>
    %dma_wait3A_255 = arith.constant 0 : i32
    %dma_wait3A_256 = tpu.memref_slice %arg11[%dma_wait3A_250, %dma_wait3A_255] : memref<4x128xi32, #tpu.memory_space<vmem>> -> memref<1x128xi32, #tpu.memory_space<vmem>>
    %dma_wait3A_257 = tpu.memref_squeeze %dma_wait3A_256 : memref<1x128xi32, #tpu.memory_space<vmem>> -> memref<128xi32, #tpu.memory_space<vmem>>
    %dma_wait3A_258 = arith.constant 0 : i32
    %dma_wait3A_259 = tpu.memref_slice %arg5[%dma_wait3A_258] : memref<16384xf32, #tpu.memory_space<hbm>> -> memref<16384xf32, #tpu.memory_space<hbm>>
    tpu.wait_indirect_dma semaphore(%arg17 : memref<!tpu.dma_semaphore, #tpu.memory_space<semaphore_mem>>) src(%dma_wait3A_259 : memref<16384xf32, #tpu.memory_space<hbm>>) dst(%dma_wait3A_254 : memref<128xf32, #tpu.memory_space<vmem>>)
    %dma_wait3A_260 = arith.constant 3 : i32
    %dma_wait3A_261 = arith.constant 3 : i32
    %dma_wait3A_262 = arith.constant 0 : i32
    %dma_wait3A_263 = tpu.memref_slice %arg14[%dma_wait3A_261, %dma_wait3A_262] : memref<4x128xf32, #tpu.memory_space<vmem>> -> memref<1x128xf32, #tpu.memory_space<vmem>>
    %dma_wait3A_264 = tpu.memref_squeeze %dma_wait3A_263 : memref<1x128xf32, #tpu.memory_space<vmem>> -> memref<128xf32, #tpu.memory_space<vmem>>
    %dma_wait3A_265 = arith.constant 0 : i32
    %dma_wait3A_266 = tpu.memref_slice %arg11[%dma_wait3A_260, %dma_wait3A_265] : memref<4x128xi32, #tpu.memory_space<vmem>> -> memref<1x128xi32, #tpu.memory_space<vmem>>
    %dma_wait3A_267 = tpu.memref_squeeze %dma_wait3A_266 : memref<1x128xi32, #tpu.memory_space<vmem>> -> memref<128xi32, #tpu.memory_space<vmem>>
    %dma_wait3A_268 = arith.constant 0 : i32
    %dma_wait3A_269 = tpu.memref_slice %arg5[%dma_wait3A_268] : memref<16384xf32, #tpu.memory_space<hbm>> -> memref<16384xf32, #tpu.memory_space<hbm>>
    tpu.wait_indirect_dma semaphore(%arg17 : memref<!tpu.dma_semaphore, #tpu.memory_space<semaphore_mem>>) src(%dma_wait3A_269 : memref<16384xf32, #tpu.memory_space<hbm>>) dst(%dma_wait3A_264 : memref<128xf32, #tpu.memory_space<vmem>>)
    %run_scoped3A_270 = arith.constant 0 : i32
    %run_scoped3A_271 = arith.constant 0 : i32
    "tpu.region"() ({
      %run_scoped3A_292 = tpu.sem_alloc : memref<!tpu.dma_semaphore, #tpu.memory_space<semaphore_mem>>
      %dma_start3A_293 = arith.constant 0 : i32
      %dma_start3A_294 = tpu.memref_slice %arg14[%run_scoped3A_270, %dma_start3A_293] : memref<4x128xf32, #tpu.memory_space<vmem>> -> memref<1x128xf32, #tpu.memory_space<vmem>>
      %dma_start3A_295 = tpu.memref_squeeze %dma_start3A_294 : memref<1x128xf32, #tpu.memory_space<vmem>> -> memref<128xf32, #tpu.memory_space<vmem>>
      %dma_start3A_296 = arith.constant 0 : i32
      %dma_start3A_297 = tpu.memref_slice %arg10[%run_scoped3A_271, %dma_start3A_296] : memref<4x128xi32, #tpu.memory_space<vmem>> -> memref<1x128xi32, #tpu.memory_space<vmem>>
      %dma_start3A_298 = tpu.memref_squeeze %dma_start3A_297 : memref<1x128xi32, #tpu.memory_space<vmem>> -> memref<128xi32, #tpu.memory_space<vmem>>
      %dma_start3A_299 = arith.constant 0 : i32
      %dma_start3A_300 = tpu.memref_slice %arg7[%dma_start3A_299] : memref<100000xf32, #tpu.memory_space<hbm>> -> memref<100000xf32, #tpu.memory_space<hbm>>
      tpu.enqueue_indirect_dma source(%dma_start3A_295 : memref<128xf32, #tpu.memory_space<vmem>>) target(%dma_start3A_300 : memref<100000xf32, #tpu.memory_space<hbm>>) offsets(%dma_start3A_298 : memref<128xi32, #tpu.memory_space<vmem>>) semaphore(%run_scoped3A_292 : memref<!tpu.dma_semaphore, #tpu.memory_space<semaphore_mem>>)
      %dma_wait3A_301 = arith.constant 0 : i32
      %dma_wait3A_302 = tpu.memref_slice %arg14[%run_scoped3A_270, %dma_wait3A_301] : memref<4x128xf32, #tpu.memory_space<vmem>> -> memref<1x128xf32, #tpu.memory_space<vmem>>
      %dma_wait3A_303 = tpu.memref_squeeze %dma_wait3A_302 : memref<1x128xf32, #tpu.memory_space<vmem>> -> memref<128xf32, #tpu.memory_space<vmem>>
      %dma_wait3A_304 = arith.constant 0 : i32
      %dma_wait3A_305 = tpu.memref_slice %arg10[%run_scoped3A_271, %dma_wait3A_304] : memref<4x128xi32, #tpu.memory_space<vmem>> -> memref<1x128xi32, #tpu.memory_space<vmem>>
      %dma_wait3A_306 = tpu.memref_squeeze %dma_wait3A_305 : memref<1x128xi32, #tpu.memory_space<vmem>> -> memref<128xi32, #tpu.memory_space<vmem>>
      %dma_wait3A_307 = arith.constant 0 : i32
      %dma_wait3A_308 = tpu.memref_slice %arg7[%dma_wait3A_307] : memref<100000xf32, #tpu.memory_space<hbm>> -> memref<100000xf32, #tpu.memory_space<hbm>>
      tpu.wait_indirect_dma semaphore(%run_scoped3A_292 : memref<!tpu.dma_semaphore, #tpu.memory_space<semaphore_mem>>) src(%dma_wait3A_303 : memref<128xf32, #tpu.memory_space<vmem>>) dst(%dma_wait3A_308 : memref<100000xf32, #tpu.memory_space<hbm>>)
      tpu.yield
    }) : () -> ()
    %run_scoped3A_272 = arith.constant 1 : i32
    %run_scoped3A_273 = arith.constant 1 : i32
    "tpu.region"() ({
      %run_scoped3A_292 = tpu.sem_alloc : memref<!tpu.dma_semaphore, #tpu.memory_space<semaphore_mem>>
      %dma_start3A_293 = arith.constant 0 : i32
      %dma_start3A_294 = tpu.memref_slice %arg14[%run_scoped3A_272, %dma_start3A_293] : memref<4x128xf32, #tpu.memory_space<vmem>> -> memref<1x128xf32, #tpu.memory_space<vmem>>
      %dma_start3A_295 = tpu.memref_squeeze %dma_start3A_294 : memref<1x128xf32, #tpu.memory_space<vmem>> -> memref<128xf32, #tpu.memory_space<vmem>>
      %dma_start3A_296 = arith.constant 0 : i32
      %dma_start3A_297 = tpu.memref_slice %arg10[%run_scoped3A_273, %dma_start3A_296] : memref<4x128xi32, #tpu.memory_space<vmem>> -> memref<1x128xi32, #tpu.memory_space<vmem>>
      %dma_start3A_298 = tpu.memref_squeeze %dma_start3A_297 : memref<1x128xi32, #tpu.memory_space<vmem>> -> memref<128xi32, #tpu.memory_space<vmem>>
      %dma_start3A_299 = arith.constant 0 : i32
      %dma_start3A_300 = tpu.memref_slice %arg7[%dma_start3A_299] : memref<100000xf32, #tpu.memory_space<hbm>> -> memref<100000xf32, #tpu.memory_space<hbm>>
      tpu.enqueue_indirect_dma source(%dma_start3A_295 : memref<128xf32, #tpu.memory_space<vmem>>) target(%dma_start3A_300 : memref<100000xf32, #tpu.memory_space<hbm>>) offsets(%dma_start3A_298 : memref<128xi32, #tpu.memory_space<vmem>>) semaphore(%run_scoped3A_292 : memref<!tpu.dma_semaphore, #tpu.memory_space<semaphore_mem>>)
      %dma_wait3A_301 = arith.constant 0 : i32
      %dma_wait3A_302 = tpu.memref_slice %arg14[%run_scoped3A_272, %dma_wait3A_301] : memref<4x128xf32, #tpu.memory_space<vmem>> -> memref<1x128xf32, #tpu.memory_space<vmem>>
      %dma_wait3A_303 = tpu.memref_squeeze %dma_wait3A_302 : memref<1x128xf32, #tpu.memory_space<vmem>> -> memref<128xf32, #tpu.memory_space<vmem>>
      %dma_wait3A_304 = arith.constant 0 : i32
      %dma_wait3A_305 = tpu.memref_slice %arg10[%run_scoped3A_273, %dma_wait3A_304] : memref<4x128xi32, #tpu.memory_space<vmem>> -> memref<1x128xi32, #tpu.memory_space<vmem>>
      %dma_wait3A_306 = tpu.memref_squeeze %dma_wait3A_305 : memref<1x128xi32, #tpu.memory_space<vmem>> -> memref<128xi32, #tpu.memory_space<vmem>>
      %dma_wait3A_307 = arith.constant 0 : i32
      %dma_wait3A_308 = tpu.memref_slice %arg7[%dma_wait3A_307] : memref<100000xf32, #tpu.memory_space<hbm>> -> memref<100000xf32, #tpu.memory_space<hbm>>
      tpu.wait_indirect_dma semaphore(%run_scoped3A_292 : memref<!tpu.dma_semaphore, #tpu.memory_space<semaphore_mem>>) src(%dma_wait3A_303 : memref<128xf32, #tpu.memory_space<vmem>>) dst(%dma_wait3A_308 : memref<100000xf32, #tpu.memory_space<hbm>>)
      tpu.yield
    }) : () -> ()
    %run_scoped3A_274 = arith.constant 2 : i32
    %run_scoped3A_275 = arith.constant 2 : i32
    "tpu.region"() ({
      %run_scoped3A_292 = tpu.sem_alloc : memref<!tpu.dma_semaphore, #tpu.memory_space<semaphore_mem>>
      %dma_start3A_293 = arith.constant 0 : i32
      %dma_start3A_294 = tpu.memref_slice %arg14[%run_scoped3A_274, %dma_start3A_293] : memref<4x128xf32, #tpu.memory_space<vmem>> -> memref<1x128xf32, #tpu.memory_space<vmem>>
      %dma_start3A_295 = tpu.memref_squeeze %dma_start3A_294 : memref<1x128xf32, #tpu.memory_space<vmem>> -> memref<128xf32, #tpu.memory_space<vmem>>
      %dma_start3A_296 = arith.constant 0 : i32
      %dma_start3A_297 = tpu.memref_slice %arg10[%run_scoped3A_275, %dma_start3A_296] : memref<4x128xi32, #tpu.memory_space<vmem>> -> memref<1x128xi32, #tpu.memory_space<vmem>>
      %dma_start3A_298 = tpu.memref_squeeze %dma_start3A_297 : memref<1x128xi32, #tpu.memory_space<vmem>> -> memref<128xi32, #tpu.memory_space<vmem>>
      %dma_start3A_299 = arith.constant 0 : i32
      %dma_start3A_300 = tpu.memref_slice %arg7[%dma_start3A_299] : memref<100000xf32, #tpu.memory_space<hbm>> -> memref<100000xf32, #tpu.memory_space<hbm>>
      tpu.enqueue_indirect_dma source(%dma_start3A_295 : memref<128xf32, #tpu.memory_space<vmem>>) target(%dma_start3A_300 : memref<100000xf32, #tpu.memory_space<hbm>>) offsets(%dma_start3A_298 : memref<128xi32, #tpu.memory_space<vmem>>) semaphore(%run_scoped3A_292 : memref<!tpu.dma_semaphore, #tpu.memory_space<semaphore_mem>>)
      %dma_wait3A_301 = arith.constant 0 : i32
      %dma_wait3A_302 = tpu.memref_slice %arg14[%run_scoped3A_274, %dma_wait3A_301] : memref<4x128xf32, #tpu.memory_space<vmem>> -> memref<1x128xf32, #tpu.memory_space<vmem>>
      %dma_wait3A_303 = tpu.memref_squeeze %dma_wait3A_302 : memref<1x128xf32, #tpu.memory_space<vmem>> -> memref<128xf32, #tpu.memory_space<vmem>>
      %dma_wait3A_304 = arith.constant 0 : i32
      %dma_wait3A_305 = tpu.memref_slice %arg10[%run_scoped3A_275, %dma_wait3A_304] : memref<4x128xi32, #tpu.memory_space<vmem>> -> memref<1x128xi32, #tpu.memory_space<vmem>>
      %dma_wait3A_306 = tpu.memref_squeeze %dma_wait3A_305 : memref<1x128xi32, #tpu.memory_space<vmem>> -> memref<128xi32, #tpu.memory_space<vmem>>
      %dma_wait3A_307 = arith.constant 0 : i32
      %dma_wait3A_308 = tpu.memref_slice %arg7[%dma_wait3A_307] : memref<100000xf32, #tpu.memory_space<hbm>> -> memref<100000xf32, #tpu.memory_space<hbm>>
      tpu.wait_indirect_dma semaphore(%run_scoped3A_292 : memref<!tpu.dma_semaphore, #tpu.memory_space<semaphore_mem>>) src(%dma_wait3A_303 : memref<128xf32, #tpu.memory_space<vmem>>) dst(%dma_wait3A_308 : memref<100000xf32, #tpu.memory_space<hbm>>)
      tpu.yield
    }) : () -> ()
    %run_scoped3A_276 = arith.constant 3 : i32
    %run_scoped3A_277 = arith.constant 3 : i32
    "tpu.region"() ({
      %run_scoped3A_292 = tpu.sem_alloc : memref<!tpu.dma_semaphore, #tpu.memory_space<semaphore_mem>>
      %dma_start3A_293 = arith.constant 0 : i32
      %dma_start3A_294 = tpu.memref_slice %arg14[%run_scoped3A_276, %dma_start3A_293] : memref<4x128xf32, #tpu.memory_space<vmem>> -> memref<1x128xf32, #tpu.memory_space<vmem>>
      %dma_start3A_295 = tpu.memref_squeeze %dma_start3A_294 : memref<1x128xf32, #tpu.memory_space<vmem>> -> memref<128xf32, #tpu.memory_space<vmem>>
      %dma_start3A_296 = arith.constant 0 : i32
      %dma_start3A_297 = tpu.memref_slice %arg10[%run_scoped3A_277, %dma_start3A_296] : memref<4x128xi32, #tpu.memory_space<vmem>> -> memref<1x128xi32, #tpu.memory_space<vmem>>
      %dma_start3A_298 = tpu.memref_squeeze %dma_start3A_297 : memref<1x128xi32, #tpu.memory_space<vmem>> -> memref<128xi32, #tpu.memory_space<vmem>>
      %dma_start3A_299 = arith.constant 0 : i32
      %dma_start3A_300 = tpu.memref_slice %arg7[%dma_start3A_299] : memref<100000xf32, #tpu.memory_space<hbm>> -> memref<100000xf32, #tpu.memory_space<hbm>>
      tpu.enqueue_indirect_dma source(%dma_start3A_295 : memref<128xf32, #tpu.memory_space<vmem>>) target(%dma_start3A_300 : memref<100000xf32, #tpu.memory_space<hbm>>) offsets(%dma_start3A_298 : memref<128xi32, #tpu.memory_space<vmem>>) semaphore(%run_scoped3A_292 : memref<!tpu.dma_semaphore, #tpu.memory_space<semaphore_mem>>)
      %dma_wait3A_301 = arith.constant 0 : i32
      %dma_wait3A_302 = tpu.memref_slice %arg14[%run_scoped3A_276, %dma_wait3A_301] : memref<4x128xf32, #tpu.memory_space<vmem>> -> memref<1x128xf32, #tpu.memory_space<vmem>>
      %dma_wait3A_303 = tpu.memref_squeeze %dma_wait3A_302 : memref<1x128xf32, #tpu.memory_space<vmem>> -> memref<128xf32, #tpu.memory_space<vmem>>
      %dma_wait3A_304 = arith.constant 0 : i32
      %dma_wait3A_305 = tpu.memref_slice %arg10[%run_scoped3A_277, %dma_wait3A_304] : memref<4x128xi32, #tpu.memory_space<vmem>> -> memref<1x128xi32, #tpu.memory_space<vmem>>
      %dma_wait3A_306 = tpu.memref_squeeze %dma_wait3A_305 : memref<1x128xi32, #tpu.memory_space<vmem>> -> memref<128xi32, #tpu.memory_space<vmem>>
      %dma_wait3A_307 = arith.constant 0 : i32
      %dma_wait3A_308 = tpu.memref_slice %arg7[%dma_wait3A_307] : memref<100000xf32, #tpu.memory_space<hbm>> -> memref<100000xf32, #tpu.memory_space<hbm>>
      tpu.wait_indirect_dma semaphore(%run_scoped3A_292 : memref<!tpu.dma_semaphore, #tpu.memory_space<semaphore_mem>>) src(%dma_wait3A_303 : memref<128xf32, #tpu.memory_space<vmem>>) dst(%dma_wait3A_308 : memref<100000xf32, #tpu.memory_space<hbm>>)
      tpu.yield
    }) : () -> ()
    %dma_wait3A_278 = arith.constant 3 : i32
    %dma_wait3A_279 = arith.constant 0 : i32
    %dma_wait3A_280 = tpu.memref_slice %arg10[%dma_wait3A_278, %dma_wait3A_279] : memref<4x128xi32, #tpu.memory_space<vmem>> -> memref<1x128xi32, #tpu.memory_space<vmem>>
    %dma_wait3A_281 = tpu.memref_squeeze %dma_wait3A_280 : memref<1x128xi32, #tpu.memory_space<vmem>> -> memref<128xi32, #tpu.memory_space<vmem>>
    %dma_wait3A_282 = arith.constant 0 : i32
    %dma_wait3A_283 = arith.constant 0 : i32
    %dma_wait3A_284 = tpu.memref_slice %arg6[%dma_wait3A_282, %dma_wait3A_283] : memref<100000x256xf32, #tpu.memory_space<hbm>> -> memref<100000x256xf32, #tpu.memory_space<hbm>>
    tpu.wait_indirect_dma semaphore(%arg16 : memref<!tpu.dma_semaphore, #tpu.memory_space<semaphore_mem>>) src(%arg13 : memref<128x256xf32, #tpu.memory_space<vmem>>) dst(%dma_wait3A_284 : memref<100000x256xf32, #tpu.memory_space<hbm>>)
    %dma_wait3A_285 = arith.constant 2 : i32
    %dma_wait3A_286 = arith.constant 0 : i32
    %dma_wait3A_287 = tpu.memref_slice %arg10[%dma_wait3A_285, %dma_wait3A_286] : memref<4x128xi32, #tpu.memory_space<vmem>> -> memref<1x128xi32, #tpu.memory_space<vmem>>
    %dma_wait3A_288 = tpu.memref_squeeze %dma_wait3A_287 : memref<1x128xi32, #tpu.memory_space<vmem>> -> memref<128xi32, #tpu.memory_space<vmem>>
    %dma_wait3A_289 = arith.constant 0 : i32
    %dma_wait3A_290 = arith.constant 0 : i32
    %dma_wait3A_291 = tpu.memref_slice %arg6[%dma_wait3A_289, %dma_wait3A_290] : memref<100000x256xf32, #tpu.memory_space<hbm>> -> memref<100000x256xf32, #tpu.memory_space<hbm>>
    tpu.wait_indirect_dma semaphore(%arg16 : memref<!tpu.dma_semaphore, #tpu.memory_space<semaphore_mem>>) src(%arg12 : memref<128x256xf32, #tpu.memory_space<vmem>>) dst(%dma_wait3A_291 : memref<100000x256xf32, #tpu.memory_space<hbm>>)
    return
  }
}

#map = affine_map<(d0, d1) -> (0, 0)>
#map1 = affine_map<(d0, d1) -> (0)>
module attributes {stable_mosaic.version = 14 : i64} {
  func.func @_sc_gather(%arg0: i32, %arg1: i32, %arg2: memref<100000x256xf32, #tpu.memory_space<hbm>>, %arg3: memref<16384xi32, #tpu.memory_space<hbm>>, %arg4: memref<16384x256xf32, #tpu.memory_space<hbm>>, %arg5: memref<100000xi32, #tpu.memory_space<hbm>>, %arg6: memref<4x128xi32, #tpu.memory_space<vmem>>, %arg7: memref<16384xi32, #tpu.memory_space<vmem>>, %arg8: memref<3200xi32, #tpu.memory_space<vmem>>, %arg9: memref<128x256xf32, #tpu.memory_space<vmem>>, %arg10: memref<128x256xf32, #tpu.memory_space<vmem>>, %arg11: memref<!tpu.dma_semaphore, #tpu.memory_space<semaphore_mem>>, %arg12: memref<!tpu.dma_semaphore, #tpu.memory_space<semaphore_mem>>) attributes {dimension_semantics = [#tpu.dimension_semantics<core_parallel>, #tpu.dimension_semantics<subcore_parallel>], iteration_bounds = array<i64: 2, 16>, scalar_prefetch = 0 : i64, scratch_operands = 7 : i64, tpu.core_type = #tpu.core_type<sc_vector_subcore>, window_params = [{transform_indices = #map}, {transform_indices = #map1}, {transform_indices = #map}, {transform_indices = #map1}]} {
    %mul3A = arith.constant 2 : i32
    %mul3A_0 = arith.muli %arg1, %mul3A : i32
    %add3A = arith.addi %mul3A_0, %arg0 : i32
    %mul3A_1 = arith.constant 512 : i32
    %mul3A_2 = arith.muli %add3A, %mul3A_1 : i32
    %add3A_3 = arith.constant 0 : i32
    %add3A_4 = arith.addi %mul3A_2, %add3A_3 : i32
    %run_scoped3A = arith.constant 0 : i32
    "tpu.region"() ({
      %run_scoped3A_158 = tpu.sem_alloc : memref<!tpu.dma_semaphore, #tpu.memory_space<semaphore_mem>>
      %dma_start3A_159 = arith.constant 0 : i32
      %dma_start3A_160 = tpu.memref_slice %arg6[%run_scoped3A, %dma_start3A_159] : memref<4x128xi32, #tpu.memory_space<vmem>> -> memref<1x128xi32, #tpu.memory_space<vmem>>
      %dma_start3A_161 = tpu.memref_squeeze %dma_start3A_160 : memref<1x128xi32, #tpu.memory_space<vmem>> -> memref<128xi32, #tpu.memory_space<vmem>>
      %dma_start3A_162 = tpu.memref_slice %arg3[%add3A_4] : memref<16384xi32, #tpu.memory_space<hbm>> -> memref<128xi32, #tpu.memory_space<hbm>>
      %dma_start3A_163 = arith.constant 0 : i32
      %dma_start3A_164 = tpu.memref_slice %arg6[%run_scoped3A, %dma_start3A_163] : memref<4x128xi32, #tpu.memory_space<vmem>> -> memref<1x128xi32, #tpu.memory_space<vmem>>
      %dma_start3A_165 = tpu.memref_squeeze %dma_start3A_164 : memref<1x128xi32, #tpu.memory_space<vmem>> -> memref<128xi32, #tpu.memory_space<vmem>>
      %dma_start3A_166 = tpu.memref_slice %arg3[%add3A_4] : memref<16384xi32, #tpu.memory_space<hbm>> -> memref<128xi32, #tpu.memory_space<hbm>>
      tpu.enqueue_dma source(%dma_start3A_166 : memref<128xi32, #tpu.memory_space<hbm>>) target(%dma_start3A_165 : memref<128xi32, #tpu.memory_space<vmem>>) target_semaphore(%run_scoped3A_158 : memref<!tpu.dma_semaphore, #tpu.memory_space<semaphore_mem>>)
      %dma_wait3A_167 = arith.constant 0 : i32
      %dma_wait3A_168 = tpu.memref_slice %arg6[%run_scoped3A, %dma_wait3A_167] : memref<4x128xi32, #tpu.memory_space<vmem>> -> memref<1x128xi32, #tpu.memory_space<vmem>>
      %dma_wait3A_169 = tpu.memref_squeeze %dma_wait3A_168 : memref<1x128xi32, #tpu.memory_space<vmem>> -> memref<128xi32, #tpu.memory_space<vmem>>
      %dma_wait3A_170 = tpu.memref_slice %arg3[%add3A_4] : memref<16384xi32, #tpu.memory_space<hbm>> -> memref<128xi32, #tpu.memory_space<hbm>>
      %dma_wait3A_171 = arith.constant 0 : i32
      %dma_wait3A_172 = tpu.memref_slice %arg6[%run_scoped3A, %dma_wait3A_171] : memref<4x128xi32, #tpu.memory_space<vmem>> -> memref<1x128xi32, #tpu.memory_space<vmem>>
      %dma_wait3A_173 = tpu.memref_squeeze %dma_wait3A_172 : memref<1x128xi32, #tpu.memory_space<vmem>> -> memref<128xi32, #tpu.memory_space<vmem>>
      %dma_wait3A_174 = tpu.memref_slice %arg3[%add3A_4] : memref<16384xi32, #tpu.memory_space<hbm>> -> memref<128xi32, #tpu.memory_space<hbm>>
      tpu.wait_dma2 semaphore(%run_scoped3A_158 : memref<!tpu.dma_semaphore, #tpu.memory_space<semaphore_mem>>) src(%dma_wait3A_174 : memref<128xi32, #tpu.memory_space<hbm>>) dst(%dma_wait3A_173 : memref<128xi32, #tpu.memory_space<vmem>>)
      tpu.yield
    }) : () -> ()
    %add3A_5 = arith.constant 128 : i32
    %add3A_6 = arith.addi %mul3A_2, %add3A_5 : i32
    %run_scoped3A_7 = arith.constant 1 : i32
    "tpu.region"() ({
      %run_scoped3A_158 = tpu.sem_alloc : memref<!tpu.dma_semaphore, #tpu.memory_space<semaphore_mem>>
      %dma_start3A_159 = arith.constant 0 : i32
      %dma_start3A_160 = tpu.memref_slice %arg6[%run_scoped3A_7, %dma_start3A_159] : memref<4x128xi32, #tpu.memory_space<vmem>> -> memref<1x128xi32, #tpu.memory_space<vmem>>
      %dma_start3A_161 = tpu.memref_squeeze %dma_start3A_160 : memref<1x128xi32, #tpu.memory_space<vmem>> -> memref<128xi32, #tpu.memory_space<vmem>>
      %dma_start3A_162 = tpu.memref_slice %arg3[%add3A_6] : memref<16384xi32, #tpu.memory_space<hbm>> -> memref<128xi32, #tpu.memory_space<hbm>>
      %dma_start3A_163 = arith.constant 0 : i32
      %dma_start3A_164 = tpu.memref_slice %arg6[%run_scoped3A_7, %dma_start3A_163] : memref<4x128xi32, #tpu.memory_space<vmem>> -> memref<1x128xi32, #tpu.memory_space<vmem>>
      %dma_start3A_165 = tpu.memref_squeeze %dma_start3A_164 : memref<1x128xi32, #tpu.memory_space<vmem>> -> memref<128xi32, #tpu.memory_space<vmem>>
      %dma_start3A_166 = tpu.memref_slice %arg3[%add3A_6] : memref<16384xi32, #tpu.memory_space<hbm>> -> memref<128xi32, #tpu.memory_space<hbm>>
      tpu.enqueue_dma source(%dma_start3A_166 : memref<128xi32, #tpu.memory_space<hbm>>) target(%dma_start3A_165 : memref<128xi32, #tpu.memory_space<vmem>>) target_semaphore(%run_scoped3A_158 : memref<!tpu.dma_semaphore, #tpu.memory_space<semaphore_mem>>)
      %dma_wait3A_167 = arith.constant 0 : i32
      %dma_wait3A_168 = tpu.memref_slice %arg6[%run_scoped3A_7, %dma_wait3A_167] : memref<4x128xi32, #tpu.memory_space<vmem>> -> memref<1x128xi32, #tpu.memory_space<vmem>>
      %dma_wait3A_169 = tpu.memref_squeeze %dma_wait3A_168 : memref<1x128xi32, #tpu.memory_space<vmem>> -> memref<128xi32, #tpu.memory_space<vmem>>
      %dma_wait3A_170 = tpu.memref_slice %arg3[%add3A_6] : memref<16384xi32, #tpu.memory_space<hbm>> -> memref<128xi32, #tpu.memory_space<hbm>>
      %dma_wait3A_171 = arith.constant 0 : i32
      %dma_wait3A_172 = tpu.memref_slice %arg6[%run_scoped3A_7, %dma_wait3A_171] : memref<4x128xi32, #tpu.memory_space<vmem>> -> memref<1x128xi32, #tpu.memory_space<vmem>>
      %dma_wait3A_173 = tpu.memref_squeeze %dma_wait3A_172 : memref<1x128xi32, #tpu.memory_space<vmem>> -> memref<128xi32, #tpu.memory_space<vmem>>
      %dma_wait3A_174 = tpu.memref_slice %arg3[%add3A_6] : memref<16384xi32, #tpu.memory_space<hbm>> -> memref<128xi32, #tpu.memory_space<hbm>>
      tpu.wait_dma2 semaphore(%run_scoped3A_158 : memref<!tpu.dma_semaphore, #tpu.memory_space<semaphore_mem>>) src(%dma_wait3A_174 : memref<128xi32, #tpu.memory_space<hbm>>) dst(%dma_wait3A_173 : memref<128xi32, #tpu.memory_space<vmem>>)
      tpu.yield
    }) : () -> ()
    %add3A_8 = arith.constant 256 : i32
    %add3A_9 = arith.addi %mul3A_2, %add3A_8 : i32
    %run_scoped3A_10 = arith.constant 2 : i32
    "tpu.region"() ({
      %run_scoped3A_158 = tpu.sem_alloc : memref<!tpu.dma_semaphore, #tpu.memory_space<semaphore_mem>>
      %dma_start3A_159 = arith.constant 0 : i32
      %dma_start3A_160 = tpu.memref_slice %arg6[%run_scoped3A_10, %dma_start3A_159] : memref<4x128xi32, #tpu.memory_space<vmem>> -> memref<1x128xi32, #tpu.memory_space<vmem>>
      %dma_start3A_161 = tpu.memref_squeeze %dma_start3A_160 : memref<1x128xi32, #tpu.memory_space<vmem>> -> memref<128xi32, #tpu.memory_space<vmem>>
      %dma_start3A_162 = tpu.memref_slice %arg3[%add3A_9] : memref<16384xi32, #tpu.memory_space<hbm>> -> memref<128xi32, #tpu.memory_space<hbm>>
      %dma_start3A_163 = arith.constant 0 : i32
      %dma_start3A_164 = tpu.memref_slice %arg6[%run_scoped3A_10, %dma_start3A_163] : memref<4x128xi32, #tpu.memory_space<vmem>> -> memref<1x128xi32, #tpu.memory_space<vmem>>
      %dma_start3A_165 = tpu.memref_squeeze %dma_start3A_164 : memref<1x128xi32, #tpu.memory_space<vmem>> -> memref<128xi32, #tpu.memory_space<vmem>>
      %dma_start3A_166 = tpu.memref_slice %arg3[%add3A_9] : memref<16384xi32, #tpu.memory_space<hbm>> -> memref<128xi32, #tpu.memory_space<hbm>>
      tpu.enqueue_dma source(%dma_start3A_166 : memref<128xi32, #tpu.memory_space<hbm>>) target(%dma_start3A_165 : memref<128xi32, #tpu.memory_space<vmem>>) target_semaphore(%run_scoped3A_158 : memref<!tpu.dma_semaphore, #tpu.memory_space<semaphore_mem>>)
      %dma_wait3A_167 = arith.constant 0 : i32
      %dma_wait3A_168 = tpu.memref_slice %arg6[%run_scoped3A_10, %dma_wait3A_167] : memref<4x128xi32, #tpu.memory_space<vmem>> -> memref<1x128xi32, #tpu.memory_space<vmem>>
      %dma_wait3A_169 = tpu.memref_squeeze %dma_wait3A_168 : memref<1x128xi32, #tpu.memory_space<vmem>> -> memref<128xi32, #tpu.memory_space<vmem>>
      %dma_wait3A_170 = tpu.memref_slice %arg3[%add3A_9] : memref<16384xi32, #tpu.memory_space<hbm>> -> memref<128xi32, #tpu.memory_space<hbm>>
      %dma_wait3A_171 = arith.constant 0 : i32
      %dma_wait3A_172 = tpu.memref_slice %arg6[%run_scoped3A_10, %dma_wait3A_171] : memref<4x128xi32, #tpu.memory_space<vmem>> -> memref<1x128xi32, #tpu.memory_space<vmem>>
      %dma_wait3A_173 = tpu.memref_squeeze %dma_wait3A_172 : memref<1x128xi32, #tpu.memory_space<vmem>> -> memref<128xi32, #tpu.memory_space<vmem>>
      %dma_wait3A_174 = tpu.memref_slice %arg3[%add3A_9] : memref<16384xi32, #tpu.memory_space<hbm>> -> memref<128xi32, #tpu.memory_space<hbm>>
      tpu.wait_dma2 semaphore(%run_scoped3A_158 : memref<!tpu.dma_semaphore, #tpu.memory_space<semaphore_mem>>) src(%dma_wait3A_174 : memref<128xi32, #tpu.memory_space<hbm>>) dst(%dma_wait3A_173 : memref<128xi32, #tpu.memory_space<vmem>>)
      tpu.yield
    }) : () -> ()
    %add3A_11 = arith.constant 384 : i32
    %add3A_12 = arith.addi %mul3A_2, %add3A_11 : i32
    %run_scoped3A_13 = arith.constant 3 : i32
    "tpu.region"() ({
      %run_scoped3A_158 = tpu.sem_alloc : memref<!tpu.dma_semaphore, #tpu.memory_space<semaphore_mem>>
      %dma_start3A_159 = arith.constant 0 : i32
      %dma_start3A_160 = tpu.memref_slice %arg6[%run_scoped3A_13, %dma_start3A_159] : memref<4x128xi32, #tpu.memory_space<vmem>> -> memref<1x128xi32, #tpu.memory_space<vmem>>
      %dma_start3A_161 = tpu.memref_squeeze %dma_start3A_160 : memref<1x128xi32, #tpu.memory_space<vmem>> -> memref<128xi32, #tpu.memory_space<vmem>>
      %dma_start3A_162 = tpu.memref_slice %arg3[%add3A_12] : memref<16384xi32, #tpu.memory_space<hbm>> -> memref<128xi32, #tpu.memory_space<hbm>>
      %dma_start3A_163 = arith.constant 0 : i32
      %dma_start3A_164 = tpu.memref_slice %arg6[%run_scoped3A_13, %dma_start3A_163] : memref<4x128xi32, #tpu.memory_space<vmem>> -> memref<1x128xi32, #tpu.memory_space<vmem>>
      %dma_start3A_165 = tpu.memref_squeeze %dma_start3A_164 : memref<1x128xi32, #tpu.memory_space<vmem>> -> memref<128xi32, #tpu.memory_space<vmem>>
      %dma_start3A_166 = tpu.memref_slice %arg3[%add3A_12] : memref<16384xi32, #tpu.memory_space<hbm>> -> memref<128xi32, #tpu.memory_space<hbm>>
      tpu.enqueue_dma source(%dma_start3A_166 : memref<128xi32, #tpu.memory_space<hbm>>) target(%dma_start3A_165 : memref<128xi32, #tpu.memory_space<vmem>>) target_semaphore(%run_scoped3A_158 : memref<!tpu.dma_semaphore, #tpu.memory_space<semaphore_mem>>)
      %dma_wait3A_167 = arith.constant 0 : i32
      %dma_wait3A_168 = tpu.memref_slice %arg6[%run_scoped3A_13, %dma_wait3A_167] : memref<4x128xi32, #tpu.memory_space<vmem>> -> memref<1x128xi32, #tpu.memory_space<vmem>>
      %dma_wait3A_169 = tpu.memref_squeeze %dma_wait3A_168 : memref<1x128xi32, #tpu.memory_space<vmem>> -> memref<128xi32, #tpu.memory_space<vmem>>
      %dma_wait3A_170 = tpu.memref_slice %arg3[%add3A_12] : memref<16384xi32, #tpu.memory_space<hbm>> -> memref<128xi32, #tpu.memory_space<hbm>>
      %dma_wait3A_171 = arith.constant 0 : i32
      %dma_wait3A_172 = tpu.memref_slice %arg6[%run_scoped3A_13, %dma_wait3A_171] : memref<4x128xi32, #tpu.memory_space<vmem>> -> memref<1x128xi32, #tpu.memory_space<vmem>>
      %dma_wait3A_173 = tpu.memref_squeeze %dma_wait3A_172 : memref<1x128xi32, #tpu.memory_space<vmem>> -> memref<128xi32, #tpu.memory_space<vmem>>
      %dma_wait3A_174 = tpu.memref_slice %arg3[%add3A_12] : memref<16384xi32, #tpu.memory_space<hbm>> -> memref<128xi32, #tpu.memory_space<hbm>>
      tpu.wait_dma2 semaphore(%run_scoped3A_158 : memref<!tpu.dma_semaphore, #tpu.memory_space<semaphore_mem>>) src(%dma_wait3A_174 : memref<128xi32, #tpu.memory_space<hbm>>) dst(%dma_wait3A_173 : memref<128xi32, #tpu.memory_space<vmem>>)
      tpu.yield
    }) : () -> ()
    "tpu.region"() ({
      %run_scoped3A_158 = tpu.sem_alloc : memref<!tpu.dma_semaphore, #tpu.memory_space<semaphore_mem>>
      tpu.enqueue_dma source(%arg3 : memref<16384xi32, #tpu.memory_space<hbm>>) target(%arg7 : memref<16384xi32, #tpu.memory_space<vmem>>) target_semaphore(%run_scoped3A_158 : memref<!tpu.dma_semaphore, #tpu.memory_space<semaphore_mem>>)
      tpu.wait_dma2 semaphore(%run_scoped3A_158 : memref<!tpu.dma_semaphore, #tpu.memory_space<semaphore_mem>>) src(%arg3 : memref<16384xi32, #tpu.memory_space<hbm>>) dst(%arg7 : memref<16384xi32, #tpu.memory_space<vmem>>)
      tpu.yield
    }) : () -> ()
    %mul3A_14 = arith.constant 3125 : i32
    %mul3A_15 = arith.muli %add3A, %mul3A_14 : i32
    %jit3A = arith.constant 8 : i32
    %div3A = arith.divsi %mul3A_15, %jit3A : i32
    %sign3A = arith.constant 0 : i32
    %sign3A_16 = arith.cmpi sgt, %mul3A_15, %sign3A : i32
    %sign3A_17 = arith.extui %sign3A_16 : i1 to i32
    %sign3A_18 = arith.constant 0 : i32
    %sign3A_19 = arith.cmpi slt, %mul3A_15, %sign3A_18 : i32
    %sign3A_20 = arith.extui %sign3A_19 : i1 to i32
    %sign3A_21 = arith.subi %sign3A_17, %sign3A_20 : i32
    %sign3A_22 = arith.constant 0 : i32
    %sign3A_23 = arith.cmpi sgt, %jit3A, %sign3A_22 : i32
    %sign3A_24 = arith.extui %sign3A_23 : i1 to i32
    %sign3A_25 = arith.constant 0 : i32
    %sign3A_26 = arith.cmpi slt, %jit3A, %sign3A_25 : i32
    %sign3A_27 = arith.extui %sign3A_26 : i1 to i32
    %sign3A_28 = arith.subi %sign3A_24, %sign3A_27 : i32
    %ne3A = arith.cmpi ne, %sign3A_21, %sign3A_28 : i32
    %rem3A = arith.remsi %mul3A_15, %jit3A : i32
    %ne3A_29 = arith.constant 0 : i32
    %ne3A_30 = arith.cmpi ne, %rem3A, %ne3A_29 : i32
    %and3A = arith.andi %ne3A, %ne3A_30 : i1
    %sub3A = arith.constant 1 : i32
    %sub3A_31 = arith.subi %div3A, %sub3A : i32
    %select_n3A = arith.select %and3A, %sub3A_31, %div3A : i32
    %mul3A_32 = arith.constant 8 : i32
    %mul3A_33 = arith.muli %select_n3A, %mul3A_32 : i32
    %min3A = arith.constant 96800 : i32
    %min3A_34 = arith.minsi %mul3A_33, %min3A : i32
    %iota3A = tpu.iota {dimensions = array<i32: 0>} : vector<16xi32>
    %add3A_35 = arith.constant 1 : i32
    %add3A_36 = vector.broadcast %add3A_35 : i32 to vector<16xi32>
    %add3A_37 = arith.addi %iota3A, %add3A_36 : vector<16xi32>
    %min3A_38 = arith.constant 15 : i32
    %min3A_39 = vector.broadcast %min3A_38 : i32 to vector<16xi32>
    %min3A_40 = arith.minsi %add3A_37, %min3A_39 : vector<16xi32>
    %dma_start3A = arith.constant 0 : i32
    %dma_start3A_41 = arith.constant 0 : i32
    %dma_start3A_42 = tpu.memref_slice %arg6[%dma_start3A, %dma_start3A_41] : memref<4x128xi32, #tpu.memory_space<vmem>> -> memref<1x128xi32, #tpu.memory_space<vmem>>
    %dma_start3A_43 = tpu.memref_squeeze %dma_start3A_42 : memref<1x128xi32, #tpu.memory_space<vmem>> -> memref<128xi32, #tpu.memory_space<vmem>>
    %dma_start3A_44 = arith.constant 0 : i32
    %dma_start3A_45 = arith.constant 0 : i32
    %dma_start3A_46 = tpu.memref_slice %arg2[%dma_start3A_44, %dma_start3A_45] : memref<100000x256xf32, #tpu.memory_space<hbm>> -> memref<100000x256xf32, #tpu.memory_space<hbm>>
    tpu.enqueue_indirect_dma source(%dma_start3A_46 : memref<100000x256xf32, #tpu.memory_space<hbm>>) target(%arg9 : memref<128x256xf32, #tpu.memory_space<vmem>>) offsets(%dma_start3A_43 : memref<128xi32, #tpu.memory_space<vmem>>) semaphore(%arg11 : memref<!tpu.dma_semaphore, #tpu.memory_space<semaphore_mem>>)
    %dma_start3A_47 = arith.constant 1 : i32
    %dma_start3A_48 = arith.constant 0 : i32
    %dma_start3A_49 = tpu.memref_slice %arg6[%dma_start3A_47, %dma_start3A_48] : memref<4x128xi32, #tpu.memory_space<vmem>> -> memref<1x128xi32, #tpu.memory_space<vmem>>
    %dma_start3A_50 = tpu.memref_squeeze %dma_start3A_49 : memref<1x128xi32, #tpu.memory_space<vmem>> -> memref<128xi32, #tpu.memory_space<vmem>>
    %dma_start3A_51 = arith.constant 0 : i32
    %dma_start3A_52 = arith.constant 0 : i32
    %dma_start3A_53 = tpu.memref_slice %arg2[%dma_start3A_51, %dma_start3A_52] : memref<100000x256xf32, #tpu.memory_space<hbm>> -> memref<100000x256xf32, #tpu.memory_space<hbm>>
    tpu.enqueue_indirect_dma source(%dma_start3A_53 : memref<100000x256xf32, #tpu.memory_space<hbm>>) target(%arg10 : memref<128x256xf32, #tpu.memory_space<vmem>>) offsets(%dma_start3A_50 : memref<128xi32, #tpu.memory_space<vmem>>) semaphore(%arg11 : memref<!tpu.dma_semaphore, #tpu.memory_space<semaphore_mem>>)
    %scan3A = arith.constant 0 : i32
    %scan3A_54 = arith.constant 0 : i32
    %scan3A_55 = arith.constant 128 : i32
    %scan3A_56 = arith.addi %scan3A_54, %scan3A_55 : i32
    %scan3A_57 = arith.constant 1 : i32
    scf.for %scan3A_158 = %scan3A_54 to %scan3A_56 step %scan3A_57  : i32 {
      %mul3A_159 = arith.constant 2 : i32
      %mul3A_160 = arith.muli %scan3A_158, %mul3A_159 : i32
      %mul3A_161 = arith.constant 16 : i32
      %mul3A_162 = arith.muli %mul3A_160, %mul3A_161 : i32
      %get3A = arith.index_cast %mul3A_162 : i32 to index
      %get3A_163 = tpu.vector_load %arg7[%get3A] {strides = array<i32>} : memref<16384xi32, #tpu.memory_space<vmem>>, vector<16xi32>,
      %mul3A_164 = arith.constant 16 : i32
      %mul3A_165 = arith.muli %mul3A_160, %mul3A_164 : i32
      %add3A_166 = vector.broadcast %mul3A_165 : i32 to vector<16xi32>
      %add3A_167 = arith.addi %iota3A, %add3A_166 : vector<16xi32>
      %mul3A_168 = arith.constant 16384 : i32
      %mul3A_169 = vector.broadcast %mul3A_168 : i32 to vector<16xi32>
      %mul3A_170 = arith.muli %get3A_163, %mul3A_169 : vector<16xi32>
      %add3A_171 = arith.addi %mul3A_170, %add3A_167 : vector<16xi32>
      %masked_sort3A = arith.constant dense<true> : vector<16xi1>
      %masked_sort3A_172 = arith.constant -2147483648 : i32
      %masked_sort3A_173 = vector.broadcast %masked_sort3A_172 : i32 to vector<16xi32>
      %masked_sort3A_174 = arith.xori %add3A_171, %masked_sort3A_173 : vector<16xi32>
      %masked_sort3A_175, %masked_sort3A_176, %masked_sort3A_177 = tpu.sort %masked_sort3A_174, %add3A_167 masked %masked_sort3A : (vector<16xi32>, vector<16xi32>, vector<16xi1>) -> (vector<16xi1>, vector<16xi32>, vector<16xi32>)
      %masked_sort3A_178 = arith.xori %masked_sort3A_176, %masked_sort3A_173 : vector<16xi32>
      %shift_right_logical3A = arith.constant 14 : i32
      %shift_right_logical3A_179 = vector.broadcast %shift_right_logical3A : i32 to vector<16xi32>
      %shift_right_logical3A_180 = arith.shrui %masked_sort3A_178, %shift_right_logical3A_179 : vector<16xi32>
      %lt3A = arith.constant 0 : i32
      %lt3A_181 = vector.broadcast %lt3A : i32 to vector<16xi32>
      %lt3A_182 = arith.cmpi slt, %min3A_40, %lt3A_181 : vector<16xi32>
      %add3A_183 = arith.constant 16 : i32
      %add3A_184 = vector.broadcast %add3A_183 : i32 to vector<16xi32>
      %add3A_185 = arith.addi %min3A_40, %add3A_184 : vector<16xi32>
      %select_n3A_186 = arith.select %lt3A_182, %add3A_185, %min3A_40 : vector<16xi1>, vector<16xi32>
      %broadcast_in_dim3A = vector.shape_cast %select_n3A_186 : vector<16xi32> to vector<16x1xi32>
      %gather3A = vector.shape_cast %broadcast_in_dim3A : vector<16x1xi32> to vector<16xi32>
      %gather3A_187 = tpu.dynamic_gather %shift_right_logical3A_180[%gather3A] in [0] : vector<16xi32>, vector<16xi32> -> vector<16xi32>
      %eq3A = arith.constant 15 : i32
      %eq3A_188 = vector.broadcast %eq3A : i32 to vector<16xi32>
      %eq3A_189 = arith.cmpi eq, %iota3A, %eq3A_188 : vector<16xi32>
      %ne3A_190 = arith.cmpi ne, %gather3A_187, %shift_right_logical3A_180 : vector<16xi32>
      %or3A = arith.ori %eq3A_189, %ne3A_190 : vector<16xi1>
      %ge3A = vector.broadcast %min3A_34 : i32 to vector<16xi32>
      %ge3A_191 = arith.cmpi sge, %shift_right_logical3A_180, %ge3A : vector<16xi32>
      %and3A_192 = arith.andi %or3A, %ge3A_191 : vector<16xi1>
      %add3A_193 = arith.constant 3200 : i32
      %add3A_194 = arith.addi %min3A_34, %add3A_193 : i32
      %lt3A_195 = vector.broadcast %add3A_194 : i32 to vector<16xi32>
      %lt3A_196 = arith.cmpi slt, %shift_right_logical3A_180, %lt3A_195 : vector<16xi32>
      %and3A_197 = arith.andi %and3A_192, %lt3A_196 : vector<16xi1>
      %sub3A_198 = vector.broadcast %min3A_34 : i32 to vector<16xi32>
      %sub3A_199 = arith.subi %shift_right_logical3A_180, %sub3A_198 : vector<16xi32>
      %jit3A_200 = arith.constant 0 : i32
      %broadcast_in_dim3A_201 = vector.broadcast %jit3A_200 : i32 to vector<16xi32>
      %select_n3A_202 = arith.select %and3A_197, %sub3A_199, %broadcast_in_dim3A_201 : vector<16xi1>, vector<16xi32>
      tpu.vector_store_idx %arg8[%select_n3A_202], %masked_sort3A_177 masked %and3A_197 : memref<3200xi32, #tpu.memory_space<vmem>>[vector<16xi32>], vector<16xi32>, vector<16xi1>
      %mul3A_203 = arith.constant 2 : i32
      %mul3A_204 = arith.muli %scan3A_158, %mul3A_203 : i32
      %add3A_205 = arith.constant 1 : i32
      %add3A_206 = arith.addi %mul3A_204, %add3A_205 : i32
      %mul3A_207 = arith.constant 16 : i32
      %mul3A_208 = arith.muli %add3A_206, %mul3A_207 : i32
      %get3A_209 = arith.index_cast %mul3A_208 : i32 to index
      %get3A_210 = tpu.vector_load %arg7[%get3A_209] {strides = array<i32>} : memref<16384xi32, #tpu.memory_space<vmem>>, vector<16xi32>,
      %mul3A_211 = arith.constant 16 : i32
      %mul3A_212 = arith.muli %add3A_206, %mul3A_211 : i32
      %add3A_213 = vector.broadcast %mul3A_212 : i32 to vector<16xi32>
      %add3A_214 = arith.addi %iota3A, %add3A_213 : vector<16xi32>
      %mul3A_215 = arith.constant 16384 : i32
      %mul3A_216 = vector.broadcast %mul3A_215 : i32 to vector<16xi32>
      %mul3A_217 = arith.muli %get3A_210, %mul3A_216 : vector<16xi32>
      %add3A_218 = arith.addi %mul3A_217, %add3A_214 : vector<16xi32>
      %masked_sort3A_219 = arith.constant dense<true> : vector<16xi1>
      %masked_sort3A_220 = arith.constant -2147483648 : i32
      %masked_sort3A_221 = vector.broadcast %masked_sort3A_220 : i32 to vector<16xi32>
      %masked_sort3A_222 = arith.xori %add3A_218, %masked_sort3A_221 : vector<16xi32>
      %masked_sort3A_223, %masked_sort3A_224, %masked_sort3A_225 = tpu.sort %masked_sort3A_222, %add3A_214 masked %masked_sort3A_219 : (vector<16xi32>, vector<16xi32>, vector<16xi1>) -> (vector<16xi1>, vector<16xi32>, vector<16xi32>)
      %masked_sort3A_226 = arith.xori %masked_sort3A_224, %masked_sort3A_221 : vector<16xi32>
      %shift_right_logical3A_227 = arith.constant 14 : i32
      %shift_right_logical3A_228 = vector.broadcast %shift_right_logical3A_227 : i32 to vector<16xi32>
      %shift_right_logical3A_229 = arith.shrui %masked_sort3A_226, %shift_right_logical3A_228 : vector<16xi32>
      %lt3A_230 = arith.constant 0 : i32
      %lt3A_231 = vector.broadcast %lt3A_230 : i32 to vector<16xi32>
      %lt3A_232 = arith.cmpi slt, %min3A_40, %lt3A_231 : vector<16xi32>
      %add3A_233 = arith.constant 16 : i32
      %add3A_234 = vector.broadcast %add3A_233 : i32 to vector<16xi32>
      %add3A_235 = arith.addi %min3A_40, %add3A_234 : vector<16xi32>
      %select_n3A_236 = arith.select %lt3A_232, %add3A_235, %min3A_40 : vector<16xi1>, vector<16xi32>
      %broadcast_in_dim3A_237 = vector.shape_cast %select_n3A_236 : vector<16xi32> to vector<16x1xi32>
      %gather3A_238 = vector.shape_cast %broadcast_in_dim3A_237 : vector<16x1xi32> to vector<16xi32>
      %gather3A_239 = tpu.dynamic_gather %shift_right_logical3A_229[%gather3A_238] in [0] : vector<16xi32>, vector<16xi32> -> vector<16xi32>
      %eq3A_240 = arith.constant 15 : i32
      %eq3A_241 = vector.broadcast %eq3A_240 : i32 to vector<16xi32>
      %eq3A_242 = arith.cmpi eq, %iota3A, %eq3A_241 : vector<16xi32>
      %ne3A_243 = arith.cmpi ne, %gather3A_239, %shift_right_logical3A_229 : vector<16xi32>
      %or3A_244 = arith.ori %eq3A_242, %ne3A_243 : vector<16xi1>
      %ge3A_245 = vector.broadcast %min3A_34 : i32 to vector<16xi32>
      %ge3A_246 = arith.cmpi sge, %shift_right_logical3A_229, %ge3A_245 : vector<16xi32>
      %and3A_247 = arith.andi %or3A_244, %ge3A_246 : vector<16xi1>
      %add3A_248 = arith.constant 3200 : i32
      %add3A_249 = arith.addi %min3A_34, %add3A_248 : i32
      %lt3A_250 = vector.broadcast %add3A_249 : i32 to vector<16xi32>
      %lt3A_251 = arith.cmpi slt, %shift_right_logical3A_229, %lt3A_250 : vector<16xi32>
      %and3A_252 = arith.andi %and3A_247, %lt3A_251 : vector<16xi1>
      %sub3A_253 = vector.broadcast %min3A_34 : i32 to vector<16xi32>
      %sub3A_254 = arith.subi %shift_right_logical3A_229, %sub3A_253 : vector<16xi32>
      %jit3A_255 = arith.constant 0 : i32
      %broadcast_in_dim3A_256 = vector.broadcast %jit3A_255 : i32 to vector<16xi32>
      %select_n3A_257 = arith.select %and3A_252, %sub3A_254, %broadcast_in_dim3A_256 : vector<16xi1>, vector<16xi32>
      tpu.vector_store_idx %arg8[%select_n3A_257], %masked_sort3A_225 masked %and3A_252 : memref<3200xi32, #tpu.memory_space<vmem>>[vector<16xi32>], vector<16xi32>, vector<16xi1>
    }
    %scan3A_58 = arith.constant 128 : i32
    %dma_wait3A = arith.constant 0 : i32
    %dma_wait3A_59 = arith.constant 0 : i32
    %dma_wait3A_60 = tpu.memref_slice %arg6[%dma_wait3A, %dma_wait3A_59] : memref<4x128xi32, #tpu.memory_space<vmem>> -> memref<1x128xi32, #tpu.memory_space<vmem>>
    %dma_wait3A_61 = tpu.memref_squeeze %dma_wait3A_60 : memref<1x128xi32, #tpu.memory_space<vmem>> -> memref<128xi32, #tpu.memory_space<vmem>>
    %dma_wait3A_62 = arith.constant 0 : i32
    %dma_wait3A_63 = arith.constant 0 : i32
    %dma_wait3A_64 = tpu.memref_slice %arg2[%dma_wait3A_62, %dma_wait3A_63] : memref<100000x256xf32, #tpu.memory_space<hbm>> -> memref<100000x256xf32, #tpu.memory_space<hbm>>
    tpu.wait_indirect_dma semaphore(%arg11 : memref<!tpu.dma_semaphore, #tpu.memory_space<semaphore_mem>>) src(%dma_wait3A_64 : memref<100000x256xf32, #tpu.memory_space<hbm>>) dst(%arg9 : memref<128x256xf32, #tpu.memory_space<vmem>>)
    %add3A_65 = arith.constant 0 : i32
    %add3A_66 = arith.addi %mul3A_2, %add3A_65 : i32
    %dma_start3A_67 = arith.constant 0 : i32
    %dma_start3A_68 = tpu.memref_slice %arg4[%add3A_66, %dma_start3A_67] : memref<16384x256xf32, #tpu.memory_space<hbm>> -> memref<128x256xf32, #tpu.memory_space<hbm>>
    %dma_start3A_69 = arith.constant 0 : i32
    %dma_start3A_70 = tpu.memref_slice %arg4[%add3A_66, %dma_start3A_69] : memref<16384x256xf32, #tpu.memory_space<hbm>> -> memref<128x256xf32, #tpu.memory_space<hbm>>
    tpu.enqueue_dma source(%arg9 : memref<128x256xf32, #tpu.memory_space<vmem>>) target(%dma_start3A_70 : memref<128x256xf32, #tpu.memory_space<hbm>>) target_semaphore(%arg12 : memref<!tpu.dma_semaphore, #tpu.memory_space<semaphore_mem>>)
    %dma_wait3A_71 = arith.constant 0 : i32
    %dma_wait3A_72 = tpu.memref_slice %arg4[%add3A_66, %dma_wait3A_71] : memref<16384x256xf32, #tpu.memory_space<hbm>> -> memref<128x256xf32, #tpu.memory_space<hbm>>
    %dma_wait3A_73 = arith.constant 0 : i32
    %dma_wait3A_74 = tpu.memref_slice %arg4[%add3A_66, %dma_wait3A_73] : memref<16384x256xf32, #tpu.memory_space<hbm>> -> memref<128x256xf32, #tpu.memory_space<hbm>>
    tpu.wait_dma2 semaphore(%arg12 : memref<!tpu.dma_semaphore, #tpu.memory_space<semaphore_mem>>) src(%arg9 : memref<128x256xf32, #tpu.memory_space<vmem>>) dst(%dma_wait3A_74 : memref<128x256xf32, #tpu.memory_space<hbm>>)
    %dma_start3A_75 = arith.constant 2 : i32
    %dma_start3A_76 = arith.constant 0 : i32
    %dma_start3A_77 = tpu.memref_slice %arg6[%dma_start3A_75, %dma_start3A_76] : memref<4x128xi32, #tpu.memory_space<vmem>> -> memref<1x128xi32, #tpu.memory_space<vmem>>
    %dma_start3A_78 = tpu.memref_squeeze %dma_start3A_77 : memref<1x128xi32, #tpu.memory_space<vmem>> -> memref<128xi32, #tpu.memory_space<vmem>>
    %dma_start3A_79 = arith.constant 0 : i32
    %dma_start3A_80 = arith.constant 0 : i32
    %dma_start3A_81 = tpu.memref_slice %arg2[%dma_start3A_79, %dma_start3A_80] : memref<100000x256xf32, #tpu.memory_space<hbm>> -> memref<100000x256xf32, #tpu.memory_space<hbm>>
    tpu.enqueue_indirect_dma source(%dma_start3A_81 : memref<100000x256xf32, #tpu.memory_space<hbm>>) target(%arg9 : memref<128x256xf32, #tpu.memory_space<vmem>>) offsets(%dma_start3A_78 : memref<128xi32, #tpu.memory_space<vmem>>) semaphore(%arg11 : memref<!tpu.dma_semaphore, #tpu.memory_space<semaphore_mem>>)
    %scan3A_82 = arith.constant 0 : i32
    %scan3A_83 = arith.constant 128 : i32
    %scan3A_84 = arith.constant 128 : i32
    %scan3A_85 = arith.addi %scan3A_83, %scan3A_84 : i32
    %scan3A_86 = arith.constant 1 : i32
    scf.for %scan3A_158 = %scan3A_83 to %scan3A_85 step %scan3A_86  : i32 {
      %mul3A_159 = arith.constant 2 : i32
      %mul3A_160 = arith.muli %scan3A_158, %mul3A_159 : i32
      %mul3A_161 = arith.constant 16 : i32
      %mul3A_162 = arith.muli %mul3A_160, %mul3A_161 : i32
      %get3A = arith.index_cast %mul3A_162 : i32 to index
      %get3A_163 = tpu.vector_load %arg7[%get3A] {strides = array<i32>} : memref<16384xi32, #tpu.memory_space<vmem>>, vector<16xi32>,
      %mul3A_164 = arith.constant 16 : i32
      %mul3A_165 = arith.muli %mul3A_160, %mul3A_164 : i32
      %add3A_166 = vector.broadcast %mul3A_165 : i32 to vector<16xi32>
      %add3A_167 = arith.addi %iota3A, %add3A_166 : vector<16xi32>
      %mul3A_168 = arith.constant 16384 : i32
      %mul3A_169 = vector.broadcast %mul3A_168 : i32 to vector<16xi32>
      %mul3A_170 = arith.muli %get3A_163, %mul3A_169 : vector<16xi32>
      %add3A_171 = arith.addi %mul3A_170, %add3A_167 : vector<16xi32>
      %masked_sort3A = arith.constant dense<true> : vector<16xi1>
      %masked_sort3A_172 = arith.constant -2147483648 : i32
      %masked_sort3A_173 = vector.broadcast %masked_sort3A_172 : i32 to vector<16xi32>
      %masked_sort3A_174 = arith.xori %add3A_171, %masked_sort3A_173 : vector<16xi32>
      %masked_sort3A_175, %masked_sort3A_176, %masked_sort3A_177 = tpu.sort %masked_sort3A_174, %add3A_167 masked %masked_sort3A : (vector<16xi32>, vector<16xi32>, vector<16xi1>) -> (vector<16xi1>, vector<16xi32>, vector<16xi32>)
      %masked_sort3A_178 = arith.xori %masked_sort3A_176, %masked_sort3A_173 : vector<16xi32>
      %shift_right_logical3A = arith.constant 14 : i32
      %shift_right_logical3A_179 = vector.broadcast %shift_right_logical3A : i32 to vector<16xi32>
      %shift_right_logical3A_180 = arith.shrui %masked_sort3A_178, %shift_right_logical3A_179 : vector<16xi32>
      %lt3A = arith.constant 0 : i32
      %lt3A_181 = vector.broadcast %lt3A : i32 to vector<16xi32>
      %lt3A_182 = arith.cmpi slt, %min3A_40, %lt3A_181 : vector<16xi32>
      %add3A_183 = arith.constant 16 : i32
      %add3A_184 = vector.broadcast %add3A_183 : i32 to vector<16xi32>
      %add3A_185 = arith.addi %min3A_40, %add3A_184 : vector<16xi32>
      %select_n3A_186 = arith.select %lt3A_182, %add3A_185, %min3A_40 : vector<16xi1>, vector<16xi32>
      %broadcast_in_dim3A = vector.shape_cast %select_n3A_186 : vector<16xi32> to vector<16x1xi32>
      %gather3A = vector.shape_cast %broadcast_in_dim3A : vector<16x1xi32> to vector<16xi32>
      %gather3A_187 = tpu.dynamic_gather %shift_right_logical3A_180[%gather3A] in [0] : vector<16xi32>, vector<16xi32> -> vector<16xi32>
      %eq3A = arith.constant 15 : i32
      %eq3A_188 = vector.broadcast %eq3A : i32 to vector<16xi32>
      %eq3A_189 = arith.cmpi eq, %iota3A, %eq3A_188 : vector<16xi32>
      %ne3A_190 = arith.cmpi ne, %gather3A_187, %shift_right_logical3A_180 : vector<16xi32>
      %or3A = arith.ori %eq3A_189, %ne3A_190 : vector<16xi1>
      %ge3A = vector.broadcast %min3A_34 : i32 to vector<16xi32>
      %ge3A_191 = arith.cmpi sge, %shift_right_logical3A_180, %ge3A : vector<16xi32>
      %and3A_192 = arith.andi %or3A, %ge3A_191 : vector<16xi1>
      %add3A_193 = arith.constant 3200 : i32
      %add3A_194 = arith.addi %min3A_34, %add3A_193 : i32
      %lt3A_195 = vector.broadcast %add3A_194 : i32 to vector<16xi32>
      %lt3A_196 = arith.cmpi slt, %shift_right_logical3A_180, %lt3A_195 : vector<16xi32>
      %and3A_197 = arith.andi %and3A_192, %lt3A_196 : vector<16xi1>
      %sub3A_198 = vector.broadcast %min3A_34 : i32 to vector<16xi32>
      %sub3A_199 = arith.subi %shift_right_logical3A_180, %sub3A_198 : vector<16xi32>
      %jit3A_200 = arith.constant 0 : i32
      %broadcast_in_dim3A_201 = vector.broadcast %jit3A_200 : i32 to vector<16xi32>
      %select_n3A_202 = arith.select %and3A_197, %sub3A_199, %broadcast_in_dim3A_201 : vector<16xi1>, vector<16xi32>
      tpu.vector_store_idx %arg8[%select_n3A_202], %masked_sort3A_177 masked %and3A_197 : memref<3200xi32, #tpu.memory_space<vmem>>[vector<16xi32>], vector<16xi32>, vector<16xi1>
      %mul3A_203 = arith.constant 2 : i32
      %mul3A_204 = arith.muli %scan3A_158, %mul3A_203 : i32
      %add3A_205 = arith.constant 1 : i32
      %add3A_206 = arith.addi %mul3A_204, %add3A_205 : i32
      %mul3A_207 = arith.constant 16 : i32
      %mul3A_208 = arith.muli %add3A_206, %mul3A_207 : i32
      %get3A_209 = arith.index_cast %mul3A_208 : i32 to index
      %get3A_210 = tpu.vector_load %arg7[%get3A_209] {strides = array<i32>} : memref<16384xi32, #tpu.memory_space<vmem>>, vector<16xi32>,
      %mul3A_211 = arith.constant 16 : i32
      %mul3A_212 = arith.muli %add3A_206, %mul3A_211 : i32
      %add3A_213 = vector.broadcast %mul3A_212 : i32 to vector<16xi32>
      %add3A_214 = arith.addi %iota3A, %add3A_213 : vector<16xi32>
      %mul3A_215 = arith.constant 16384 : i32
      %mul3A_216 = vector.broadcast %mul3A_215 : i32 to vector<16xi32>
      %mul3A_217 = arith.muli %get3A_210, %mul3A_216 : vector<16xi32>
      %add3A_218 = arith.addi %mul3A_217, %add3A_214 : vector<16xi32>
      %masked_sort3A_219 = arith.constant dense<true> : vector<16xi1>
      %masked_sort3A_220 = arith.constant -2147483648 : i32
      %masked_sort3A_221 = vector.broadcast %masked_sort3A_220 : i32 to vector<16xi32>
      %masked_sort3A_222 = arith.xori %add3A_218, %masked_sort3A_221 : vector<16xi32>
      %masked_sort3A_223, %masked_sort3A_224, %masked_sort3A_225 = tpu.sort %masked_sort3A_222, %add3A_214 masked %masked_sort3A_219 : (vector<16xi32>, vector<16xi32>, vector<16xi1>) -> (vector<16xi1>, vector<16xi32>, vector<16xi32>)
      %masked_sort3A_226 = arith.xori %masked_sort3A_224, %masked_sort3A_221 : vector<16xi32>
      %shift_right_logical3A_227 = arith.constant 14 : i32
      %shift_right_logical3A_228 = vector.broadcast %shift_right_logical3A_227 : i32 to vector<16xi32>
      %shift_right_logical3A_229 = arith.shrui %masked_sort3A_226, %shift_right_logical3A_228 : vector<16xi32>
      %lt3A_230 = arith.constant 0 : i32
      %lt3A_231 = vector.broadcast %lt3A_230 : i32 to vector<16xi32>
      %lt3A_232 = arith.cmpi slt, %min3A_40, %lt3A_231 : vector<16xi32>
      %add3A_233 = arith.constant 16 : i32
      %add3A_234 = vector.broadcast %add3A_233 : i32 to vector<16xi32>
      %add3A_235 = arith.addi %min3A_40, %add3A_234 : vector<16xi32>
      %select_n3A_236 = arith.select %lt3A_232, %add3A_235, %min3A_40 : vector<16xi1>, vector<16xi32>
      %broadcast_in_dim3A_237 = vector.shape_cast %select_n3A_236 : vector<16xi32> to vector<16x1xi32>
      %gather3A_238 = vector.shape_cast %broadcast_in_dim3A_237 : vector<16x1xi32> to vector<16xi32>
      %gather3A_239 = tpu.dynamic_gather %shift_right_logical3A_229[%gather3A_238] in [0] : vector<16xi32>, vector<16xi32> -> vector<16xi32>
      %eq3A_240 = arith.constant 15 : i32
      %eq3A_241 = vector.broadcast %eq3A_240 : i32 to vector<16xi32>
      %eq3A_242 = arith.cmpi eq, %iota3A, %eq3A_241 : vector<16xi32>
      %ne3A_243 = arith.cmpi ne, %gather3A_239, %shift_right_logical3A_229 : vector<16xi32>
      %or3A_244 = arith.ori %eq3A_242, %ne3A_243 : vector<16xi1>
      %ge3A_245 = vector.broadcast %min3A_34 : i32 to vector<16xi32>
      %ge3A_246 = arith.cmpi sge, %shift_right_logical3A_229, %ge3A_245 : vector<16xi32>
      %and3A_247 = arith.andi %or3A_244, %ge3A_246 : vector<16xi1>
      %add3A_248 = arith.constant 3200 : i32
      %add3A_249 = arith.addi %min3A_34, %add3A_248 : i32
      %lt3A_250 = vector.broadcast %add3A_249 : i32 to vector<16xi32>
      %lt3A_251 = arith.cmpi slt, %shift_right_logical3A_229, %lt3A_250 : vector<16xi32>
      %and3A_252 = arith.andi %and3A_247, %lt3A_251 : vector<16xi1>
      %sub3A_253 = vector.broadcast %min3A_34 : i32 to vector<16xi32>
      %sub3A_254 = arith.subi %shift_right_logical3A_229, %sub3A_253 : vector<16xi32>
      %jit3A_255 = arith.constant 0 : i32
      %broadcast_in_dim3A_256 = vector.broadcast %jit3A_255 : i32 to vector<16xi32>
      %select_n3A_257 = arith.select %and3A_252, %sub3A_254, %broadcast_in_dim3A_256 : vector<16xi1>, vector<16xi32>
      tpu.vector_store_idx %arg8[%select_n3A_257], %masked_sort3A_225 masked %and3A_252 : memref<3200xi32, #tpu.memory_space<vmem>>[vector<16xi32>], vector<16xi32>, vector<16xi1>
    }
    %scan3A_87 = arith.constant 128 : i32
    %dma_wait3A_88 = arith.constant 1 : i32
    %dma_wait3A_89 = arith.constant 0 : i32
    %dma_wait3A_90 = tpu.memref_slice %arg6[%dma_wait3A_88, %dma_wait3A_89] : memref<4x128xi32, #tpu.memory_space<vmem>> -> memref<1x128xi32, #tpu.memory_space<vmem>>
    %dma_wait3A_91 = tpu.memref_squeeze %dma_wait3A_90 : memref<1x128xi32, #tpu.memory_space<vmem>> -> memref<128xi32, #tpu.memory_space<vmem>>
    %dma_wait3A_92 = arith.constant 0 : i32
    %dma_wait3A_93 = arith.constant 0 : i32
    %dma_wait3A_94 = tpu.memref_slice %arg2[%dma_wait3A_92, %dma_wait3A_93] : memref<100000x256xf32, #tpu.memory_space<hbm>> -> memref<100000x256xf32, #tpu.memory_space<hbm>>
    tpu.wait_indirect_dma semaphore(%arg11 : memref<!tpu.dma_semaphore, #tpu.memory_space<semaphore_mem>>) src(%dma_wait3A_94 : memref<100000x256xf32, #tpu.memory_space<hbm>>) dst(%arg10 : memref<128x256xf32, #tpu.memory_space<vmem>>)
    %add3A_95 = arith.constant 128 : i32
    %add3A_96 = arith.addi %mul3A_2, %add3A_95 : i32
    %dma_start3A_97 = arith.constant 0 : i32
    %dma_start3A_98 = tpu.memref_slice %arg4[%add3A_96, %dma_start3A_97] : memref<16384x256xf32, #tpu.memory_space<hbm>> -> memref<128x256xf32, #tpu.memory_space<hbm>>
    %dma_start3A_99 = arith.constant 0 : i32
    %dma_start3A_100 = tpu.memref_slice %arg4[%add3A_96, %dma_start3A_99] : memref<16384x256xf32, #tpu.memory_space<hbm>> -> memref<128x256xf32, #tpu.memory_space<hbm>>
    tpu.enqueue_dma source(%arg10 : memref<128x256xf32, #tpu.memory_space<vmem>>) target(%dma_start3A_100 : memref<128x256xf32, #tpu.memory_space<hbm>>) target_semaphore(%arg12 : memref<!tpu.dma_semaphore, #tpu.memory_space<semaphore_mem>>)
    %dma_wait3A_101 = arith.constant 0 : i32
    %dma_wait3A_102 = tpu.memref_slice %arg4[%add3A_96, %dma_wait3A_101] : memref<16384x256xf32, #tpu.memory_space<hbm>> -> memref<128x256xf32, #tpu.memory_space<hbm>>
    %dma_wait3A_103 = arith.constant 0 : i32
    %dma_wait3A_104 = tpu.memref_slice %arg4[%add3A_96, %dma_wait3A_103] : memref<16384x256xf32, #tpu.memory_space<hbm>> -> memref<128x256xf32, #tpu.memory_space<hbm>>
    tpu.wait_dma2 semaphore(%arg12 : memref<!tpu.dma_semaphore, #tpu.memory_space<semaphore_mem>>) src(%arg10 : memref<128x256xf32, #tpu.memory_space<vmem>>) dst(%dma_wait3A_104 : memref<128x256xf32, #tpu.memory_space<hbm>>)
    %dma_start3A_105 = arith.constant 3 : i32
    %dma_start3A_106 = arith.constant 0 : i32
    %dma_start3A_107 = tpu.memref_slice %arg6[%dma_start3A_105, %dma_start3A_106] : memref<4x128xi32, #tpu.memory_space<vmem>> -> memref<1x128xi32, #tpu.memory_space<vmem>>
    %dma_start3A_108 = tpu.memref_squeeze %dma_start3A_107 : memref<1x128xi32, #tpu.memory_space<vmem>> -> memref<128xi32, #tpu.memory_space<vmem>>
    %dma_start3A_109 = arith.constant 0 : i32
    %dma_start3A_110 = arith.constant 0 : i32
    %dma_start3A_111 = tpu.memref_slice %arg2[%dma_start3A_109, %dma_start3A_110] : memref<100000x256xf32, #tpu.memory_space<hbm>> -> memref<100000x256xf32, #tpu.memory_space<hbm>>
    tpu.enqueue_indirect_dma source(%dma_start3A_111 : memref<100000x256xf32, #tpu.memory_space<hbm>>) target(%arg10 : memref<128x256xf32, #tpu.memory_space<vmem>>) offsets(%dma_start3A_108 : memref<128xi32, #tpu.memory_space<vmem>>) semaphore(%arg11 : memref<!tpu.dma_semaphore, #tpu.memory_space<semaphore_mem>>)
    %scan3A_112 = arith.constant 0 : i32
    %scan3A_113 = arith.constant 256 : i32
    %scan3A_114 = arith.constant 128 : i32
    %scan3A_115 = arith.addi %scan3A_113, %scan3A_114 : i32
    %scan3A_116 = arith.constant 1 : i32
    scf.for %scan3A_158 = %scan3A_113 to %scan3A_115 step %scan3A_116  : i32 {
      %mul3A_159 = arith.constant 2 : i32
      %mul3A_160 = arith.muli %scan3A_158, %mul3A_159 : i32
      %mul3A_161 = arith.constant 16 : i32
      %mul3A_162 = arith.muli %mul3A_160, %mul3A_161 : i32
      %get3A = arith.index_cast %mul3A_162 : i32 to index
      %get3A_163 = tpu.vector_load %arg7[%get3A] {strides = array<i32>} : memref<16384xi32, #tpu.memory_space<vmem>>, vector<16xi32>,
      %mul3A_164 = arith.constant 16 : i32
      %mul3A_165 = arith.muli %mul3A_160, %mul3A_164 : i32
      %add3A_166 = vector.broadcast %mul3A_165 : i32 to vector<16xi32>
      %add3A_167 = arith.addi %iota3A, %add3A_166 : vector<16xi32>
      %mul3A_168 = arith.constant 16384 : i32
      %mul3A_169 = vector.broadcast %mul3A_168 : i32 to vector<16xi32>
      %mul3A_170 = arith.muli %get3A_163, %mul3A_169 : vector<16xi32>
      %add3A_171 = arith.addi %mul3A_170, %add3A_167 : vector<16xi32>
      %masked_sort3A = arith.constant dense<true> : vector<16xi1>
      %masked_sort3A_172 = arith.constant -2147483648 : i32
      %masked_sort3A_173 = vector.broadcast %masked_sort3A_172 : i32 to vector<16xi32>
      %masked_sort3A_174 = arith.xori %add3A_171, %masked_sort3A_173 : vector<16xi32>
      %masked_sort3A_175, %masked_sort3A_176, %masked_sort3A_177 = tpu.sort %masked_sort3A_174, %add3A_167 masked %masked_sort3A : (vector<16xi32>, vector<16xi32>, vector<16xi1>) -> (vector<16xi1>, vector<16xi32>, vector<16xi32>)
      %masked_sort3A_178 = arith.xori %masked_sort3A_176, %masked_sort3A_173 : vector<16xi32>
      %shift_right_logical3A = arith.constant 14 : i32
      %shift_right_logical3A_179 = vector.broadcast %shift_right_logical3A : i32 to vector<16xi32>
      %shift_right_logical3A_180 = arith.shrui %masked_sort3A_178, %shift_right_logical3A_179 : vector<16xi32>
      %lt3A = arith.constant 0 : i32
      %lt3A_181 = vector.broadcast %lt3A : i32 to vector<16xi32>
      %lt3A_182 = arith.cmpi slt, %min3A_40, %lt3A_181 : vector<16xi32>
      %add3A_183 = arith.constant 16 : i32
      %add3A_184 = vector.broadcast %add3A_183 : i32 to vector<16xi32>
      %add3A_185 = arith.addi %min3A_40, %add3A_184 : vector<16xi32>
      %select_n3A_186 = arith.select %lt3A_182, %add3A_185, %min3A_40 : vector<16xi1>, vector<16xi32>
      %broadcast_in_dim3A = vector.shape_cast %select_n3A_186 : vector<16xi32> to vector<16x1xi32>
      %gather3A = vector.shape_cast %broadcast_in_dim3A : vector<16x1xi32> to vector<16xi32>
      %gather3A_187 = tpu.dynamic_gather %shift_right_logical3A_180[%gather3A] in [0] : vector<16xi32>, vector<16xi32> -> vector<16xi32>
      %eq3A = arith.constant 15 : i32
      %eq3A_188 = vector.broadcast %eq3A : i32 to vector<16xi32>
      %eq3A_189 = arith.cmpi eq, %iota3A, %eq3A_188 : vector<16xi32>
      %ne3A_190 = arith.cmpi ne, %gather3A_187, %shift_right_logical3A_180 : vector<16xi32>
      %or3A = arith.ori %eq3A_189, %ne3A_190 : vector<16xi1>
      %ge3A = vector.broadcast %min3A_34 : i32 to vector<16xi32>
      %ge3A_191 = arith.cmpi sge, %shift_right_logical3A_180, %ge3A : vector<16xi32>
      %and3A_192 = arith.andi %or3A, %ge3A_191 : vector<16xi1>
      %add3A_193 = arith.constant 3200 : i32
      %add3A_194 = arith.addi %min3A_34, %add3A_193 : i32
      %lt3A_195 = vector.broadcast %add3A_194 : i32 to vector<16xi32>
      %lt3A_196 = arith.cmpi slt, %shift_right_logical3A_180, %lt3A_195 : vector<16xi32>
      %and3A_197 = arith.andi %and3A_192, %lt3A_196 : vector<16xi1>
      %sub3A_198 = vector.broadcast %min3A_34 : i32 to vector<16xi32>
      %sub3A_199 = arith.subi %shift_right_logical3A_180, %sub3A_198 : vector<16xi32>
      %jit3A_200 = arith.constant 0 : i32
      %broadcast_in_dim3A_201 = vector.broadcast %jit3A_200 : i32 to vector<16xi32>
      %select_n3A_202 = arith.select %and3A_197, %sub3A_199, %broadcast_in_dim3A_201 : vector<16xi1>, vector<16xi32>
      tpu.vector_store_idx %arg8[%select_n3A_202], %masked_sort3A_177 masked %and3A_197 : memref<3200xi32, #tpu.memory_space<vmem>>[vector<16xi32>], vector<16xi32>, vector<16xi1>
      %mul3A_203 = arith.constant 2 : i32
      %mul3A_204 = arith.muli %scan3A_158, %mul3A_203 : i32
      %add3A_205 = arith.constant 1 : i32
      %add3A_206 = arith.addi %mul3A_204, %add3A_205 : i32
      %mul3A_207 = arith.constant 16 : i32
      %mul3A_208 = arith.muli %add3A_206, %mul3A_207 : i32
      %get3A_209 = arith.index_cast %mul3A_208 : i32 to index
      %get3A_210 = tpu.vector_load %arg7[%get3A_209] {strides = array<i32>} : memref<16384xi32, #tpu.memory_space<vmem>>, vector<16xi32>,
      %mul3A_211 = arith.constant 16 : i32
      %mul3A_212 = arith.muli %add3A_206, %mul3A_211 : i32
      %add3A_213 = vector.broadcast %mul3A_212 : i32 to vector<16xi32>
      %add3A_214 = arith.addi %iota3A, %add3A_213 : vector<16xi32>
      %mul3A_215 = arith.constant 16384 : i32
      %mul3A_216 = vector.broadcast %mul3A_215 : i32 to vector<16xi32>
      %mul3A_217 = arith.muli %get3A_210, %mul3A_216 : vector<16xi32>
      %add3A_218 = arith.addi %mul3A_217, %add3A_214 : vector<16xi32>
      %masked_sort3A_219 = arith.constant dense<true> : vector<16xi1>
      %masked_sort3A_220 = arith.constant -2147483648 : i32
      %masked_sort3A_221 = vector.broadcast %masked_sort3A_220 : i32 to vector<16xi32>
      %masked_sort3A_222 = arith.xori %add3A_218, %masked_sort3A_221 : vector<16xi32>
      %masked_sort3A_223, %masked_sort3A_224, %masked_sort3A_225 = tpu.sort %masked_sort3A_222, %add3A_214 masked %masked_sort3A_219 : (vector<16xi32>, vector<16xi32>, vector<16xi1>) -> (vector<16xi1>, vector<16xi32>, vector<16xi32>)
      %masked_sort3A_226 = arith.xori %masked_sort3A_224, %masked_sort3A_221 : vector<16xi32>
      %shift_right_logical3A_227 = arith.constant 14 : i32
      %shift_right_logical3A_228 = vector.broadcast %shift_right_logical3A_227 : i32 to vector<16xi32>
      %shift_right_logical3A_229 = arith.shrui %masked_sort3A_226, %shift_right_logical3A_228 : vector<16xi32>
      %lt3A_230 = arith.constant 0 : i32
      %lt3A_231 = vector.broadcast %lt3A_230 : i32 to vector<16xi32>
      %lt3A_232 = arith.cmpi slt, %min3A_40, %lt3A_231 : vector<16xi32>
      %add3A_233 = arith.constant 16 : i32
      %add3A_234 = vector.broadcast %add3A_233 : i32 to vector<16xi32>
      %add3A_235 = arith.addi %min3A_40, %add3A_234 : vector<16xi32>
      %select_n3A_236 = arith.select %lt3A_232, %add3A_235, %min3A_40 : vector<16xi1>, vector<16xi32>
      %broadcast_in_dim3A_237 = vector.shape_cast %select_n3A_236 : vector<16xi32> to vector<16x1xi32>
      %gather3A_238 = vector.shape_cast %broadcast_in_dim3A_237 : vector<16x1xi32> to vector<16xi32>
      %gather3A_239 = tpu.dynamic_gather %shift_right_logical3A_229[%gather3A_238] in [0] : vector<16xi32>, vector<16xi32> -> vector<16xi32>
      %eq3A_240 = arith.constant 15 : i32
      %eq3A_241 = vector.broadcast %eq3A_240 : i32 to vector<16xi32>
      %eq3A_242 = arith.cmpi eq, %iota3A, %eq3A_241 : vector<16xi32>
      %ne3A_243 = arith.cmpi ne, %gather3A_239, %shift_right_logical3A_229 : vector<16xi32>
      %or3A_244 = arith.ori %eq3A_242, %ne3A_243 : vector<16xi1>
      %ge3A_245 = vector.broadcast %min3A_34 : i32 to vector<16xi32>
      %ge3A_246 = arith.cmpi sge, %shift_right_logical3A_229, %ge3A_245 : vector<16xi32>
      %and3A_247 = arith.andi %or3A_244, %ge3A_246 : vector<16xi1>
      %add3A_248 = arith.constant 3200 : i32
      %add3A_249 = arith.addi %min3A_34, %add3A_248 : i32
      %lt3A_250 = vector.broadcast %add3A_249 : i32 to vector<16xi32>
      %lt3A_251 = arith.cmpi slt, %shift_right_logical3A_229, %lt3A_250 : vector<16xi32>
      %and3A_252 = arith.andi %and3A_247, %lt3A_251 : vector<16xi1>
      %sub3A_253 = vector.broadcast %min3A_34 : i32 to vector<16xi32>
      %sub3A_254 = arith.subi %shift_right_logical3A_229, %sub3A_253 : vector<16xi32>
      %jit3A_255 = arith.constant 0 : i32
      %broadcast_in_dim3A_256 = vector.broadcast %jit3A_255 : i32 to vector<16xi32>
      %select_n3A_257 = arith.select %and3A_252, %sub3A_254, %broadcast_in_dim3A_256 : vector<16xi1>, vector<16xi32>
      tpu.vector_store_idx %arg8[%select_n3A_257], %masked_sort3A_225 masked %and3A_252 : memref<3200xi32, #tpu.memory_space<vmem>>[vector<16xi32>], vector<16xi32>, vector<16xi1>
    }
    %scan3A_117 = arith.constant 128 : i32
    %dma_wait3A_118 = arith.constant 2 : i32
    %dma_wait3A_119 = arith.constant 0 : i32
    %dma_wait3A_120 = tpu.memref_slice %arg6[%dma_wait3A_118, %dma_wait3A_119] : memref<4x128xi32, #tpu.memory_space<vmem>> -> memref<1x128xi32, #tpu.memory_space<vmem>>
    %dma_wait3A_121 = tpu.memref_squeeze %dma_wait3A_120 : memref<1x128xi32, #tpu.memory_space<vmem>> -> memref<128xi32, #tpu.memory_space<vmem>>
    %dma_wait3A_122 = arith.constant 0 : i32
    %dma_wait3A_123 = arith.constant 0 : i32
    %dma_wait3A_124 = tpu.memref_slice %arg2[%dma_wait3A_122, %dma_wait3A_123] : memref<100000x256xf32, #tpu.memory_space<hbm>> -> memref<100000x256xf32, #tpu.memory_space<hbm>>
    tpu.wait_indirect_dma semaphore(%arg11 : memref<!tpu.dma_semaphore, #tpu.memory_space<semaphore_mem>>) src(%dma_wait3A_124 : memref<100000x256xf32, #tpu.memory_space<hbm>>) dst(%arg9 : memref<128x256xf32, #tpu.memory_space<vmem>>)
    %add3A_125 = arith.constant 256 : i32
    %add3A_126 = arith.addi %mul3A_2, %add3A_125 : i32
    %dma_start3A_127 = arith.constant 0 : i32
    %dma_start3A_128 = tpu.memref_slice %arg4[%add3A_126, %dma_start3A_127] : memref<16384x256xf32, #tpu.memory_space<hbm>> -> memref<128x256xf32, #tpu.memory_space<hbm>>
    %dma_start3A_129 = arith.constant 0 : i32
    %dma_start3A_130 = tpu.memref_slice %arg4[%add3A_126, %dma_start3A_129] : memref<16384x256xf32, #tpu.memory_space<hbm>> -> memref<128x256xf32, #tpu.memory_space<hbm>>
    tpu.enqueue_dma source(%arg9 : memref<128x256xf32, #tpu.memory_space<vmem>>) target(%dma_start3A_130 : memref<128x256xf32, #tpu.memory_space<hbm>>) target_semaphore(%arg12 : memref<!tpu.dma_semaphore, #tpu.memory_space<semaphore_mem>>)
    %scan3A_131 = arith.constant 0 : i32
    %scan3A_132 = arith.constant 384 : i32
    %scan3A_133 = arith.constant 128 : i32
    %scan3A_134 = arith.addi %scan3A_132, %scan3A_133 : i32
    %scan3A_135 = arith.constant 1 : i32
    scf.for %scan3A_158 = %scan3A_132 to %scan3A_134 step %scan3A_135  : i32 {
      %mul3A_159 = arith.constant 2 : i32
      %mul3A_160 = arith.muli %scan3A_158, %mul3A_159 : i32
      %mul3A_161 = arith.constant 16 : i32
      %mul3A_162 = arith.muli %mul3A_160, %mul3A_161 : i32
      %get3A = arith.index_cast %mul3A_162 : i32 to index
      %get3A_163 = tpu.vector_load %arg7[%get3A] {strides = array<i32>} : memref<16384xi32, #tpu.memory_space<vmem>>, vector<16xi32>,
      %mul3A_164 = arith.constant 16 : i32
      %mul3A_165 = arith.muli %mul3A_160, %mul3A_164 : i32
      %add3A_166 = vector.broadcast %mul3A_165 : i32 to vector<16xi32>
      %add3A_167 = arith.addi %iota3A, %add3A_166 : vector<16xi32>
      %mul3A_168 = arith.constant 16384 : i32
      %mul3A_169 = vector.broadcast %mul3A_168 : i32 to vector<16xi32>
      %mul3A_170 = arith.muli %get3A_163, %mul3A_169 : vector<16xi32>
      %add3A_171 = arith.addi %mul3A_170, %add3A_167 : vector<16xi32>
      %masked_sort3A = arith.constant dense<true> : vector<16xi1>
      %masked_sort3A_172 = arith.constant -2147483648 : i32
      %masked_sort3A_173 = vector.broadcast %masked_sort3A_172 : i32 to vector<16xi32>
      %masked_sort3A_174 = arith.xori %add3A_171, %masked_sort3A_173 : vector<16xi32>
      %masked_sort3A_175, %masked_sort3A_176, %masked_sort3A_177 = tpu.sort %masked_sort3A_174, %add3A_167 masked %masked_sort3A : (vector<16xi32>, vector<16xi32>, vector<16xi1>) -> (vector<16xi1>, vector<16xi32>, vector<16xi32>)
      %masked_sort3A_178 = arith.xori %masked_sort3A_176, %masked_sort3A_173 : vector<16xi32>
      %shift_right_logical3A = arith.constant 14 : i32
      %shift_right_logical3A_179 = vector.broadcast %shift_right_logical3A : i32 to vector<16xi32>
      %shift_right_logical3A_180 = arith.shrui %masked_sort3A_178, %shift_right_logical3A_179 : vector<16xi32>
      %lt3A = arith.constant 0 : i32
      %lt3A_181 = vector.broadcast %lt3A : i32 to vector<16xi32>
      %lt3A_182 = arith.cmpi slt, %min3A_40, %lt3A_181 : vector<16xi32>
      %add3A_183 = arith.constant 16 : i32
      %add3A_184 = vector.broadcast %add3A_183 : i32 to vector<16xi32>
      %add3A_185 = arith.addi %min3A_40, %add3A_184 : vector<16xi32>
      %select_n3A_186 = arith.select %lt3A_182, %add3A_185, %min3A_40 : vector<16xi1>, vector<16xi32>
      %broadcast_in_dim3A = vector.shape_cast %select_n3A_186 : vector<16xi32> to vector<16x1xi32>
      %gather3A = vector.shape_cast %broadcast_in_dim3A : vector<16x1xi32> to vector<16xi32>
      %gather3A_187 = tpu.dynamic_gather %shift_right_logical3A_180[%gather3A] in [0] : vector<16xi32>, vector<16xi32> -> vector<16xi32>
      %eq3A = arith.constant 15 : i32
      %eq3A_188 = vector.broadcast %eq3A : i32 to vector<16xi32>
      %eq3A_189 = arith.cmpi eq, %iota3A, %eq3A_188 : vector<16xi32>
      %ne3A_190 = arith.cmpi ne, %gather3A_187, %shift_right_logical3A_180 : vector<16xi32>
      %or3A = arith.ori %eq3A_189, %ne3A_190 : vector<16xi1>
      %ge3A = vector.broadcast %min3A_34 : i32 to vector<16xi32>
      %ge3A_191 = arith.cmpi sge, %shift_right_logical3A_180, %ge3A : vector<16xi32>
      %and3A_192 = arith.andi %or3A, %ge3A_191 : vector<16xi1>
      %add3A_193 = arith.constant 3200 : i32
      %add3A_194 = arith.addi %min3A_34, %add3A_193 : i32
      %lt3A_195 = vector.broadcast %add3A_194 : i32 to vector<16xi32>
      %lt3A_196 = arith.cmpi slt, %shift_right_logical3A_180, %lt3A_195 : vector<16xi32>
      %and3A_197 = arith.andi %and3A_192, %lt3A_196 : vector<16xi1>
      %sub3A_198 = vector.broadcast %min3A_34 : i32 to vector<16xi32>
      %sub3A_199 = arith.subi %shift_right_logical3A_180, %sub3A_198 : vector<16xi32>
      %jit3A_200 = arith.constant 0 : i32
      %broadcast_in_dim3A_201 = vector.broadcast %jit3A_200 : i32 to vector<16xi32>
      %select_n3A_202 = arith.select %and3A_197, %sub3A_199, %broadcast_in_dim3A_201 : vector<16xi1>, vector<16xi32>
      tpu.vector_store_idx %arg8[%select_n3A_202], %masked_sort3A_177 masked %and3A_197 : memref<3200xi32, #tpu.memory_space<vmem>>[vector<16xi32>], vector<16xi32>, vector<16xi1>
      %mul3A_203 = arith.constant 2 : i32
      %mul3A_204 = arith.muli %scan3A_158, %mul3A_203 : i32
      %add3A_205 = arith.constant 1 : i32
      %add3A_206 = arith.addi %mul3A_204, %add3A_205 : i32
      %mul3A_207 = arith.constant 16 : i32
      %mul3A_208 = arith.muli %add3A_206, %mul3A_207 : i32
      %get3A_209 = arith.index_cast %mul3A_208 : i32 to index
      %get3A_210 = tpu.vector_load %arg7[%get3A_209] {strides = array<i32>} : memref<16384xi32, #tpu.memory_space<vmem>>, vector<16xi32>,
      %mul3A_211 = arith.constant 16 : i32
      %mul3A_212 = arith.muli %add3A_206, %mul3A_211 : i32
      %add3A_213 = vector.broadcast %mul3A_212 : i32 to vector<16xi32>
      %add3A_214 = arith.addi %iota3A, %add3A_213 : vector<16xi32>
      %mul3A_215 = arith.constant 16384 : i32
      %mul3A_216 = vector.broadcast %mul3A_215 : i32 to vector<16xi32>
      %mul3A_217 = arith.muli %get3A_210, %mul3A_216 : vector<16xi32>
      %add3A_218 = arith.addi %mul3A_217, %add3A_214 : vector<16xi32>
      %masked_sort3A_219 = arith.constant dense<true> : vector<16xi1>
      %masked_sort3A_220 = arith.constant -2147483648 : i32
      %masked_sort3A_221 = vector.broadcast %masked_sort3A_220 : i32 to vector<16xi32>
      %masked_sort3A_222 = arith.xori %add3A_218, %masked_sort3A_221 : vector<16xi32>
      %masked_sort3A_223, %masked_sort3A_224, %masked_sort3A_225 = tpu.sort %masked_sort3A_222, %add3A_214 masked %masked_sort3A_219 : (vector<16xi32>, vector<16xi32>, vector<16xi1>) -> (vector<16xi1>, vector<16xi32>, vector<16xi32>)
      %masked_sort3A_226 = arith.xori %masked_sort3A_224, %masked_sort3A_221 : vector<16xi32>
      %shift_right_logical3A_227 = arith.constant 14 : i32
      %shift_right_logical3A_228 = vector.broadcast %shift_right_logical3A_227 : i32 to vector<16xi32>
      %shift_right_logical3A_229 = arith.shrui %masked_sort3A_226, %shift_right_logical3A_228 : vector<16xi32>
      %lt3A_230 = arith.constant 0 : i32
      %lt3A_231 = vector.broadcast %lt3A_230 : i32 to vector<16xi32>
      %lt3A_232 = arith.cmpi slt, %min3A_40, %lt3A_231 : vector<16xi32>
      %add3A_233 = arith.constant 16 : i32
      %add3A_234 = vector.broadcast %add3A_233 : i32 to vector<16xi32>
      %add3A_235 = arith.addi %min3A_40, %add3A_234 : vector<16xi32>
      %select_n3A_236 = arith.select %lt3A_232, %add3A_235, %min3A_40 : vector<16xi1>, vector<16xi32>
      %broadcast_in_dim3A_237 = vector.shape_cast %select_n3A_236 : vector<16xi32> to vector<16x1xi32>
      %gather3A_238 = vector.shape_cast %broadcast_in_dim3A_237 : vector<16x1xi32> to vector<16xi32>
      %gather3A_239 = tpu.dynamic_gather %shift_right_logical3A_229[%gather3A_238] in [0] : vector<16xi32>, vector<16xi32> -> vector<16xi32>
      %eq3A_240 = arith.constant 15 : i32
      %eq3A_241 = vector.broadcast %eq3A_240 : i32 to vector<16xi32>
      %eq3A_242 = arith.cmpi eq, %iota3A, %eq3A_241 : vector<16xi32>
      %ne3A_243 = arith.cmpi ne, %gather3A_239, %shift_right_logical3A_229 : vector<16xi32>
      %or3A_244 = arith.ori %eq3A_242, %ne3A_243 : vector<16xi1>
      %ge3A_245 = vector.broadcast %min3A_34 : i32 to vector<16xi32>
      %ge3A_246 = arith.cmpi sge, %shift_right_logical3A_229, %ge3A_245 : vector<16xi32>
      %and3A_247 = arith.andi %or3A_244, %ge3A_246 : vector<16xi1>
      %add3A_248 = arith.constant 3200 : i32
      %add3A_249 = arith.addi %min3A_34, %add3A_248 : i32
      %lt3A_250 = vector.broadcast %add3A_249 : i32 to vector<16xi32>
      %lt3A_251 = arith.cmpi slt, %shift_right_logical3A_229, %lt3A_250 : vector<16xi32>
      %and3A_252 = arith.andi %and3A_247, %lt3A_251 : vector<16xi1>
      %sub3A_253 = vector.broadcast %min3A_34 : i32 to vector<16xi32>
      %sub3A_254 = arith.subi %shift_right_logical3A_229, %sub3A_253 : vector<16xi32>
      %jit3A_255 = arith.constant 0 : i32
      %broadcast_in_dim3A_256 = vector.broadcast %jit3A_255 : i32 to vector<16xi32>
      %select_n3A_257 = arith.select %and3A_252, %sub3A_254, %broadcast_in_dim3A_256 : vector<16xi1>, vector<16xi32>
      tpu.vector_store_idx %arg8[%select_n3A_257], %masked_sort3A_225 masked %and3A_252 : memref<3200xi32, #tpu.memory_space<vmem>>[vector<16xi32>], vector<16xi32>, vector<16xi1>
    }
    %scan3A_136 = arith.constant 128 : i32
    %dma_wait3A_137 = arith.constant 3 : i32
    %dma_wait3A_138 = arith.constant 0 : i32
    %dma_wait3A_139 = tpu.memref_slice %arg6[%dma_wait3A_137, %dma_wait3A_138] : memref<4x128xi32, #tpu.memory_space<vmem>> -> memref<1x128xi32, #tpu.memory_space<vmem>>
    %dma_wait3A_140 = tpu.memref_squeeze %dma_wait3A_139 : memref<1x128xi32, #tpu.memory_space<vmem>> -> memref<128xi32, #tpu.memory_space<vmem>>
    %dma_wait3A_141 = arith.constant 0 : i32
    %dma_wait3A_142 = arith.constant 0 : i32
    %dma_wait3A_143 = tpu.memref_slice %arg2[%dma_wait3A_141, %dma_wait3A_142] : memref<100000x256xf32, #tpu.memory_space<hbm>> -> memref<100000x256xf32, #tpu.memory_space<hbm>>
    tpu.wait_indirect_dma semaphore(%arg11 : memref<!tpu.dma_semaphore, #tpu.memory_space<semaphore_mem>>) src(%dma_wait3A_143 : memref<100000x256xf32, #tpu.memory_space<hbm>>) dst(%arg10 : memref<128x256xf32, #tpu.memory_space<vmem>>)
    %add3A_144 = arith.constant 384 : i32
    %add3A_145 = arith.addi %mul3A_2, %add3A_144 : i32
    %dma_start3A_146 = arith.constant 0 : i32
    %dma_start3A_147 = tpu.memref_slice %arg4[%add3A_145, %dma_start3A_146] : memref<16384x256xf32, #tpu.memory_space<hbm>> -> memref<128x256xf32, #tpu.memory_space<hbm>>
    %dma_start3A_148 = arith.constant 0 : i32
    %dma_start3A_149 = tpu.memref_slice %arg4[%add3A_145, %dma_start3A_148] : memref<16384x256xf32, #tpu.memory_space<hbm>> -> memref<128x256xf32, #tpu.memory_space<hbm>>
    tpu.enqueue_dma source(%arg10 : memref<128x256xf32, #tpu.memory_space<vmem>>) target(%dma_start3A_149 : memref<128x256xf32, #tpu.memory_space<hbm>>) target_semaphore(%arg12 : memref<!tpu.dma_semaphore, #tpu.memory_space<semaphore_mem>>)
    %dma_wait3A_150 = arith.constant 0 : i32
    %dma_wait3A_151 = tpu.memref_slice %arg4[%add3A_145, %dma_wait3A_150] : memref<16384x256xf32, #tpu.memory_space<hbm>> -> memref<128x256xf32, #tpu.memory_space<hbm>>
    %dma_wait3A_152 = arith.constant 0 : i32
    %dma_wait3A_153 = tpu.memref_slice %arg4[%add3A_145, %dma_wait3A_152] : memref<16384x256xf32, #tpu.memory_space<hbm>> -> memref<128x256xf32, #tpu.memory_space<hbm>>
    tpu.wait_dma2 semaphore(%arg12 : memref<!tpu.dma_semaphore, #tpu.memory_space<semaphore_mem>>) src(%arg10 : memref<128x256xf32, #tpu.memory_space<vmem>>) dst(%dma_wait3A_153 : memref<128x256xf32, #tpu.memory_space<hbm>>)
    %dma_wait3A_154 = arith.constant 0 : i32
    %dma_wait3A_155 = tpu.memref_slice %arg4[%add3A_126, %dma_wait3A_154] : memref<16384x256xf32, #tpu.memory_space<hbm>> -> memref<128x256xf32, #tpu.memory_space<hbm>>
    %dma_wait3A_156 = arith.constant 0 : i32
    %dma_wait3A_157 = tpu.memref_slice %arg4[%add3A_126, %dma_wait3A_156] : memref<16384x256xf32, #tpu.memory_space<hbm>> -> memref<128x256xf32, #tpu.memory_space<hbm>>
    tpu.wait_dma2 semaphore(%arg12 : memref<!tpu.dma_semaphore, #tpu.memory_space<semaphore_mem>>) src(%arg9 : memref<128x256xf32, #tpu.memory_space<vmem>>) dst(%dma_wait3A_157 : memref<128x256xf32, #tpu.memory_space<hbm>>)
    "tpu.region"() ({
      %run_scoped3A_158 = tpu.sem_alloc : memref<!tpu.dma_semaphore, #tpu.memory_space<semaphore_mem>>
      %dma_start3A_159 = tpu.memref_slice %arg5[%min3A_34] : memref<100000xi32, #tpu.memory_space<hbm>> -> memref<3200xi32, #tpu.memory_space<hbm>>
      %dma_start3A_160 = tpu.memref_slice %arg5[%min3A_34] : memref<100000xi32, #tpu.memory_space<hbm>> -> memref<3200xi32, #tpu.memory_space<hbm>>
      tpu.enqueue_dma source(%arg8 : memref<3200xi32, #tpu.memory_space<vmem>>) target(%dma_start3A_160 : memref<3200xi32, #tpu.memory_space<hbm>>) target_semaphore(%run_scoped3A_158 : memref<!tpu.dma_semaphore, #tpu.memory_space<semaphore_mem>>)
      %dma_wait3A_161 = tpu.memref_slice %arg5[%min3A_34] : memref<100000xi32, #tpu.memory_space<hbm>> -> memref<3200xi32, #tpu.memory_space<hbm>>
      %dma_wait3A_162 = tpu.memref_slice %arg5[%min3A_34] : memref<100000xi32, #tpu.memory_space<hbm>> -> memref<3200xi32, #tpu.memory_space<hbm>>
      tpu.wait_dma2 semaphore(%run_scoped3A_158 : memref<!tpu.dma_semaphore, #tpu.memory_space<semaphore_mem>>) src(%arg8 : memref<3200xi32, #tpu.memory_space<vmem>>) dst(%dma_wait3A_162 : memref<3200xi32, #tpu.memory_space<hbm>>)
      tpu.yield
    }) : () -> ()
    return
  }
}

module attributes {stable_mosaic.version = 14 : i64} {
  func.func @_gru_body(%arg0: i32, %arg1: memref<1024x256xf32, #tpu.memory_space<vmem>>, %arg2: memref<1024x256xf32, #tpu.memory_space<vmem>>, %arg3: memref<256x768xf32, #tpu.memory_space<vmem>>, %arg4: memref<256x768xf32, #tpu.memory_space<vmem>>, %arg5: memref<1x768xf32, #tpu.memory_space<vmem>>, %arg6: memref<1x768xf32, #tpu.memory_space<vmem>>, %arg7: memref<1024x256xf32, #tpu.memory_space<vmem>>) attributes {dimension_semantics = [#tpu.dimension_semantics<arbitrary>], iteration_bounds = array<i64: 16>, scalar_prefetch = 0 : i64, scratch_operands = 0 : i64, tpu.core_type = #tpu.core_type<tc>, window_params = [{transform_indices = @transform_0, window_bounds = array<i64: 1024, 256>}, {transform_indices = @transform_1, window_bounds = array<i64: 1024, 256>}, {pipeline_mode = #tpu.pipeline_mode<synchronous>, transform_indices = @transform_2, window_bounds = array<i64: 256, 768>}, {pipeline_mode = #tpu.pipeline_mode<synchronous>, transform_indices = @transform_3, window_bounds = array<i64: 256, 768>}, {pipeline_mode = #tpu.pipeline_mode<synchronous>, transform_indices = @transform_4, window_bounds = array<i64: 1, 768>}, {pipeline_mode = #tpu.pipeline_mode<synchronous>, transform_indices = @transform_5, window_bounds = array<i64: 1, 768>}, {transform_indices = @transform_6, window_bounds = array<i64: 1024, 256>}]} {
    %get3A = arith.constant 0 : index
    %get3A_0 = arith.constant 0 : index
    %get3A_1 = vector.load %arg2[%get3A, %get3A_0] : memref<1024x256xf32, #tpu.memory_space<vmem>>, vector<1024x256xf32>
    %get3A_2 = arith.constant 0 : index
    %get3A_3 = arith.constant 0 : index
    %get3A_4 = vector.load %arg1[%get3A_2, %get3A_3] : memref<1024x256xf32, #tpu.memory_space<vmem>>, vector<1024x256xf32>
    %get3A_5 = arith.constant 0 : index
    %get3A_6 = arith.constant 0 : index
    %get3A_7 = vector.load %arg3[%get3A_5, %get3A_6] : memref<256x768xf32, #tpu.memory_space<vmem>>, vector<256x768xf32>
    %dot_general3A = arith.constant dense<0.000000e+00> : vector<1024x768xf32>
    %dot_general3A_8 = tpu.matmul %get3A_4, %get3A_7, %dot_general3A {dimension_numbers = #tpu.dot_dimension_numbers<[1], [0], [0], [1], [0, 0, 1, 1], [], []>, transpose_lhs_hint = false} : vector<1024x256xf32>, vector<256x768xf32>, vector<1024x768xf32> -> vector<1024x768xf32>
    %get3A_9 = arith.constant 0 : index
    %get3A_10 = arith.constant 0 : index
    %get3A_11 = vector.load %arg5[%get3A_9, %get3A_10] : memref<1x768xf32, #tpu.memory_space<vmem>>, vector<1x768xf32>
    %add3A = vector.broadcast %get3A_11 : vector<1x768xf32> to vector<1024x768xf32>
    %add3A_12 = arith.addf %dot_general3A_8, %add3A : vector<1024x768xf32>
    %get3A_13 = arith.constant 0 : index
    %get3A_14 = arith.constant 0 : index
    %get3A_15 = vector.load %arg4[%get3A_13, %get3A_14] : memref<256x768xf32, #tpu.memory_space<vmem>>, vector<256x768xf32>
    %dot_general3A_16 = arith.constant dense<0.000000e+00> : vector<1024x768xf32>
    %dot_general3A_17 = tpu.matmul %get3A_1, %get3A_15, %dot_general3A_16 {dimension_numbers = #tpu.dot_dimension_numbers<[1], [0], [0], [1], [0, 0, 1, 1], [], []>, transpose_lhs_hint = false} : vector<1024x256xf32>, vector<256x768xf32>, vector<1024x768xf32> -> vector<1024x768xf32>
    %get3A_18 = arith.constant 0 : index
    %get3A_19 = arith.constant 0 : index
    %get3A_20 = vector.load %arg6[%get3A_18, %get3A_19] : memref<1x768xf32, #tpu.memory_space<vmem>>, vector<1x768xf32>
    %add3A_21 = vector.broadcast %get3A_20 : vector<1x768xf32> to vector<1024x768xf32>
    %add3A_22 = arith.addf %dot_general3A_17, %add3A_21 : vector<1024x768xf32>
    %slice3A = vector.extract_strided_slice %add3A_12 {offsets = [0, 0], sizes = [1024, 256], strides = [1, 1]} : vector<1024x768xf32> to vector<1024x256xf32>
    %slice3A_23 = vector.extract_strided_slice %add3A_22 {offsets = [0, 0], sizes = [1024, 256], strides = [1, 1]} : vector<1024x768xf32> to vector<1024x256xf32>
    %add3A_24 = arith.addf %slice3A, %slice3A_23 : vector<1024x256xf32>
    %logistic3A = arith.negf %add3A_24 : vector<1024x256xf32>
    %logistic3A_25 = math.exp %logistic3A : vector<1024x256xf32>
    %logistic3A_26 = arith.constant 1.000000e+00 : f32
    %logistic3A_27 = vector.broadcast %logistic3A_26 : f32 to vector<1024x256xf32>
    %logistic3A_28 = arith.addf %logistic3A_27, %logistic3A_25 : vector<1024x256xf32>
    %logistic3A_29 = arith.divf %logistic3A_27, %logistic3A_28 : vector<1024x256xf32>
    %slice3A_30 = vector.extract_strided_slice %add3A_12 {offsets = [0, 256], sizes = [1024, 256], strides = [1, 1]} : vector<1024x768xf32> to vector<1024x256xf32>
    %slice3A_31 = vector.extract_strided_slice %add3A_22 {offsets = [0, 256], sizes = [1024, 256], strides = [1, 1]} : vector<1024x768xf32> to vector<1024x256xf32>
    %add3A_32 = arith.addf %slice3A_30, %slice3A_31 : vector<1024x256xf32>
    %logistic3A_33 = arith.negf %add3A_32 : vector<1024x256xf32>
    %logistic3A_34 = math.exp %logistic3A_33 : vector<1024x256xf32>
    %logistic3A_35 = arith.constant 1.000000e+00 : f32
    %logistic3A_36 = vector.broadcast %logistic3A_35 : f32 to vector<1024x256xf32>
    %logistic3A_37 = arith.addf %logistic3A_36, %logistic3A_34 : vector<1024x256xf32>
    %logistic3A_38 = arith.divf %logistic3A_36, %logistic3A_37 : vector<1024x256xf32>
    %slice3A_39 = vector.extract_strided_slice %add3A_12 {offsets = [0, 512], sizes = [1024, 256], strides = [1, 1]} : vector<1024x768xf32> to vector<1024x256xf32>
    %slice3A_40 = vector.extract_strided_slice %add3A_22 {offsets = [0, 512], sizes = [1024, 256], strides = [1, 1]} : vector<1024x768xf32> to vector<1024x256xf32>
    %mul3A = arith.mulf %logistic3A_29, %slice3A_40 : vector<1024x256xf32>
    %add3A_41 = arith.addf %slice3A_39, %mul3A : vector<1024x256xf32>
    %tanh3A = math.tanh %add3A_41 : vector<1024x256xf32>
    %sub3A = arith.constant 1.000000e+00 : f32
    %sub3A_42 = vector.broadcast %sub3A : f32 to vector<1024x256xf32>
    %sub3A_43 = arith.subf %sub3A_42, %logistic3A_38 : vector<1024x256xf32>
    %mul3A_44 = arith.mulf %sub3A_43, %tanh3A : vector<1024x256xf32>
    %mul3A_45 = arith.mulf %logistic3A_38, %get3A_1 : vector<1024x256xf32>
    %add3A_46 = arith.addf %mul3A_44, %mul3A_45 : vector<1024x256xf32>
    %swap3A = arith.constant 0 : index
    %swap3A_47 = arith.constant 0 : index
    %swap3A_48 = vector.load %arg7[%swap3A, %swap3A_47] : memref<1024x256xf32, #tpu.memory_space<vmem>>, vector<1024x256xf32>
    tpu.vector_store %arg7[%swap3A, %swap3A_47], %add3A_46 {strides = array<i32>} : memref<1024x256xf32, #tpu.memory_space<vmem>>, vector<1024x256xf32>,
    return
  }
  func.func @transform_0(%arg0: i32) -> (i32, i32) {
    %c0_i32 = arith.constant 0 : i32
    %c0_i32_0 = arith.constant 0 : i32
    return %arg0, %c0_i32 : i32, i32
  }
  func.func @transform_1(%arg0: i32) -> (i32, i32) {
    %c0_i32 = arith.constant 0 : i32
    %c0_i32_0 = arith.constant 0 : i32
    return %arg0, %c0_i32 : i32, i32
  }
  func.func @transform_2(%arg0: i32) -> (i32, i32) {
    %c0_i32 = arith.constant 0 : i32
    %c0_i32_0 = arith.constant 0 : i32
    %c0_i32_1 = arith.constant 0 : i32
    return %c0_i32, %c0_i32_0 : i32, i32
  }
  func.func @transform_3(%arg0: i32) -> (i32, i32) {
    %c0_i32 = arith.constant 0 : i32
    %c0_i32_0 = arith.constant 0 : i32
    %c0_i32_1 = arith.constant 0 : i32
    return %c0_i32, %c0_i32_0 : i32, i32
  }
  func.func @transform_4(%arg0: i32) -> (i32, i32) {
    %c0_i32 = arith.constant 0 : i32
    %c0_i32_0 = arith.constant 0 : i32
    %c0_i32_1 = arith.constant 0 : i32
    return %c0_i32, %c0_i32_0 : i32, i32
  }
  func.func @transform_5(%arg0: i32) -> (i32, i32) {
    %c0_i32 = arith.constant 0 : i32
    %c0_i32_0 = arith.constant 0 : i32
    %c0_i32_1 = arith.constant 0 : i32
    return %c0_i32, %c0_i32_0 : i32, i32
  }
  func.func @transform_6(%arg0: i32) -> (i32, i32) {
    %c0_i32 = arith.constant 0 : i32
    %c0_i32_0 = arith.constant 0 : i32
    return %arg0, %c0_i32 : i32, i32
  }
}

</mosaic_0001>

<sc_bundles>
// kernel: kernel.5.cloned.1.call-start
scs
__scs_entry_jumppad:
0x0: {  	(pc) =	sbr.rel $0x88, $3  }
0x1: {  	(tag) =	ssettag $0x0;
	lr =	simm.s32 $0x1  }
0x2: {  	[smem:$0x3F98] =	sst lr;
	_ =	strace $0xD0000000  }
0x3: {  	_ = 	snop  }
0x4: {  	_ = 	snop  }
0x5: {  	_ = 	snop  }
0x6: {  	_ = 	snop  }
0x7: {  	_ = 	snop  }
__scs_overlays_trampoline_lowered:
0x8: {  	[smem:$0x3FA7] =	sst s0  }
0x9: {  	[smem:$0x3FA8] =	sst s1  }
0xa: {  	[smem:$0x3FA9] =	sst s2  }
0xb: {  	[smem:$0x3FAA] =	sst s3  }
0xc: {  	[smem:$0x3FAB] =	sst s4  }
0xd: {  	[smem:$0x3FAC] =	sst s5  }
0xe: {  	[smem:$0x3FAD] =	sst s6  }
0xf: {  	[smem:$0x3FAE] =	sst s7  }
0x10: {  	[smem:$0x3FAF] =	sst s8  }
0x11: {  	[smem:$0x3FB0] =	sst s9;
	s0 =	simm.s32 @!p0 $0x0  }
0x12: {  	s1 =	sld [smem:$0x3F96];
	s0 =	simm.s32 @p0 $0x1  }
0x13: {  	[smem:$0x3FB1] =	sst s0;
	s0 =	simm.s32 @!p1 $0x0  }
0x14: {  	s2 =	sld [smem:$0x3F95];
	s0 =	simm.s32 @p1 $0x1  }
0x15: {  	[smem:$0x3FB2] =	sst s0;
	s0 =	simm.s32 @!p2 $0x0  }
0x16: {  	s3 =	sld [smem:$0x3FDB];
	s0 =	simm.s32 @p2 $0x1  }
0x17: {  	s4 =	simm.s32 $0x1BF5;
	[smem:$0x3FB4] =	sst s0  }
0x18: {  	s0 =	sld [smem:$0x3F97];
	_ =	swait.ge [sflag:s4], $0x0  }
0x19: {  	s7 =	sld [smem:$0x3F98]  }
0x1a: {  	s8 =	sadd.s32 $0xFFFFE003, lr  }
0x1b: {  	s9 =	sadd.s32 $0xFFFFFEF7, lr;
	s5 =	simm.s32 $0xFFFFFFFF;
	p2 =	slt.u32 s8, $0xFFFFF086  }
0x1c: {  	p1 =	slt.u32 s9, $0xF7A;
	s5 =	simm.s32 @!p2 $0x0  }
0x1d: {  	s5 =	simm.s32 @p1 $0x1;
	p0 =	seq.s32 s7, s2  }
0x1e: {  	s7 =	smul.u32 @!p0 $0xF7A, s2;
	p2 =	seq.s32 @!p0 s5, $0x0  }
0x1f: {  	s9 =	smul.u32 $0xF7A, s1;
	s8 =	simm.s32 @!p0 $0x1BF5;
	p2 =	por !p2, p0  }
0x20: {  	[sflag:s8] =	ssyncset.s32 @!p0 $0xFFFFF086;
	s6 =	sadd.s32 @!p0 s3, s7;
	s7 =	simm.s32 @!p0 $0x108  }
0x21: {  	s3 =	sadd.s32 s3, s9;
	s6 =	sadd.s32 @!p0 $0x88, s6;
	s7 =	simm.s32 @p2 $0x1082  }
0x22: {  	[simem:s7], [sflag:s8] =	dma.local @!p0 [hbm:s6], $0xF7A  }
0x23: {  	s9 =	sor.u32 $0xD0000000, s2;
	s6 =	simm.s32 $0x108;
	_ =	swait.ge @!p0 [sflag:s8], $0x0  }
0x24: {  	s3 =	sadd.s32 $0x88, s3;
	s6 =	simm.s32 @!p1 $0x1082;
	[sflag:s4] =	ssyncset.s32 $0xFFFFF086  }
0x25: {  	[simem:s6], [sflag:s4] =	dma.local [hbm:s3], $0xF7A  }
0x26: {  	[smem:$0x3F98] =	sst s1;
	(tag) =	ssettag s2;
	_ =	strace s9  }
0x27: {  	s1 =	sld [smem:$0x3FA8]  }
0x28: {  	s2 =	sld [smem:$0x3FA9]  }
0x29: {  	s4 =	sld [smem:$0x3FAB]  }
0x2a: {  	p0 =	seq.s32 s5, $0x0;
	s5 =	sld [smem:$0x3FAC]  }
0x2b: {  	s6 =	sld [smem:$0x3FAD]  }
0x2c: {  	s7 =	sld [smem:$0x3FAE]  }
0x2d: {  	s3 =	simm.s32 $0x108;
	s8 =	sld [smem:$0x3FAF]  }
0x2e: {  	s3 =	simm.s32 @!p0 $0x1082;
	s9 =	sld [smem:$0x3FB0]  }
0x2f: {  	lr =	sadd.s32 s0, s3;
	s0 =	sld [smem:$0x3FA7]  }
0x30: {  	s3 =	sld [smem:$0x3FAA]  }
0x31: {  	[smem:$0x3FB3] =	sst s10  }
0x32: {  	s10 =	sld [smem:$0x3FB1];
	_ =	sdelay $0x3  }
0x33: {  	p0 =	seq.s32 s10, $0x1;
	s10 =	sld [smem:$0x3FB3];
	_ =	sdelay $0x3  }
0x34: {  	[smem:$0x3FB3] =	sst s10  }
0x35: {  	s10 =	sld [smem:$0x3FB2];
	_ =	sdelay $0x3  }
0x36: {  	p1 =	seq.s32 s10, $0x1;
	s10 =	sld [smem:$0x3FB3];
	_ =	sdelay $0x3  }
0x37: {  	[smem:$0x3FB3] =	sst s10  }
0x38: {  	s10 =	sld [smem:$0x3FB4]  }
0x39: {  	_ = 	snop;
	(pc) =	sbr.ind lr, $3  }
0x3a: {  	_ = 	snop  }
0x3b: {  	_ = 	snop  }
0x3c: {  	p2 =	seq.s32 s10, $0x1;
	s10 =	sld [smem:$0x3FB3]  }
0x3d: {  	_ =	shalt  }
0x3e: {  	_ =	shalt  }
0x3f: {  	_ =	shalt  }
0x40: {  	_ =	shalt  }
0x41: {  	_ =	shalt  }
0x42: {  	_ =	shalt  }
0x43: {  	_ =	shalt  }
0x44: {  	_ =	shalt  }
0x45: {  	_ =	shalt  }
0x46: {  	_ =	shalt  }
0x47: {  	_ =	shalt  }
0x48: {  	_ =	shalt  }
0x49: {  	_ =	shalt  }
0x4a: {  	_ =	shalt  }
0x4b: {  	_ =	shalt  }
0x4c: {  	_ =	shalt  }
0x4d: {  	_ =	shalt  }
0x4e: {  	_ =	shalt  }
0x4f: {  	_ =	shalt  }
0x50: {  	_ =	shalt  }
0x51: {  	_ =	shalt  }
0x52: {  	_ =	shalt  }
0x53: {  	_ =	shalt  }
0x54: {  	_ =	shalt  }
0x55: {  	_ =	shalt  }
0x56: {  	_ =	shalt  }
0x57: {  	_ =	shalt  }
0x58: {  	_ =	shalt  }
0x59: {  	_ =	shalt  }
0x5a: {  	_ =	shalt  }
0x5b: {  	_ =	shalt  }
0x5c: {  	_ =	shalt  }
0x5d: {  	_ =	shalt  }
0x5e: {  	_ =	shalt  }
0x5f: {  	_ =	shalt  }
0x60: {  	_ =	shalt  }
0x61: {  	_ =	shalt  }
0x62: {  	_ =	shalt  }
0x63: {  	_ =	shalt  }
0x64: {  	_ =	shalt  }
0x65: {  	_ =	shalt  }
0x66: {  	_ =	shalt  }
0x67: {  	_ =	shalt  }
0x68: {  	_ =	shalt  }
0x69: {  	_ =	shalt  }
0x6a: {  	_ =	shalt  }
0x6b: {  	_ =	shalt  }
0x6c: {  	_ =	shalt  }
0x6d: {  	_ =	shalt  }
0x6e: {  	_ =	shalt  }
0x6f: {  	_ =	shalt  }
0x70: {  	_ =	shalt  }
0x71: {  	_ =	shalt  }
0x72: {  	_ =	shalt  }
0x73: {  	_ =	shalt  }
0x74: {  	_ =	shalt  }
0x75: {  	_ =	shalt  }
0x76: {  	_ =	shalt  }
0x77: {  	_ =	shalt  }
0x78: {  	_ =	shalt  }
0x79: {  	_ =	shalt  }
0x7a: {  	_ =	shalt  }
0x7b: {  	_ =	shalt  }
0x7c: {  	_ =	shalt  }
0x7d: {  	_ =	shalt  }
0x7e: {  	_ =	shalt  }
0x7f: {  	_ =	shalt  }
0x80: {  	_ =	shalt  }
0x81: {  	_ =	shalt  }
0x82: {  	_ =	shalt  }
0x83: {  	_ =	shalt  }
0x84: {  	_ =	shalt  }
0x85: {  	_ =	shalt  }
0x86: {  	_ =	shalt  }
0x87: {  	_ =	shalt  }
.Lfunc_end0:
.L_simem_size_0:
called_computation_lowered:
.L_overlay_start_0:
0x88: {  	s2 =	sld [smem:$0x3FD9]  }
0x89: {  	s3 =	sld [smem:$0x3FFE];
	_ =	sdelay $0x1  }
0x8a: {  	s1 =	srdreg.scid  }
0x8b: {  	s0 =	sand.u32 $0x1, s1  }
0x8c: {  	s14 =	sshll.u32 s0, $0xA;
	s2 =	sadd.s32 s3, s2  }
0x8d: {  	s2 =	sadd.s32 s2, s14  }
0x8e: {  	[smem:$0x3FBF] =	sst s2  }
0x8f: {  	_ = 	snop  }
0x90: {  	s2 =	sld [smem:$0x3FD0];
	_ =	sdelay $0x2  }
0x91: {  	s4 =	simm.s32 $0xA;
	s5 =	simm.s32 $0x10;
	s15 =	sld [smem:$0x3FC9]  }
0x92: {  	[smem:s5], [sflag:s4] =	dma.local [hbm:s2], $0x1  }
0x93: {  	_ =	swait.eq [sflag:s4], $0x1  }
0x94: {  	[sflag:s4] =	ssyncset.done $0x0  }
0x95: {  	[sflag:s4] =	ssyncadd.s32 $0xFFFFFFFF  }
0x96: {  	s16 =	sld [smem:$0x10];
	(tm) =	ssettm $0x1  }
0x97: {  	s17 =	sld [smem:$0x3FFB];
	_ =	sdelay $0x3  }
0x98: {  	_ =	strace s17  }
0x99: {  	s4 =	sld [smem:$0x3FFC];
	_ =	sdelay $0x3  }
0x9a: {  	_ =	strace s4  }
0x9b: {  	s4 =	sld [smem:$0x3FFD];
	_ =	sdelay $0x3  }
0x9c: {  	_ =	strace s4  }
0x9d: {  	_ =	strace $0x8FFFFFFF  }
0x9e: {  	s18 =	sld [smem:$0x3FDB];
	_ =	sdelay $0x1  }
0x9f: {  	s19 =	simm.s32 $_scs_section_size  }
0xa0: {  	s6 =	simm.s32 $_size__tile_overlayer_lowered;
	s7 =	simm.s32 $_tile_overlayer_lowered  }
0xa1: {  	s22 =	simm.s32 $0x1BFF;
	s21 =	sshll.u32 s7, $0x1;
	s4 =	sadd.s32 s19, s18  }
0xa2: {  	s8 =	simm.s32 $0x0;
	s20 =	sshll.u32 s6, $0x1;
	s6 =	sadd.s32 s21, s4  }
0xa3: {  	[timem:s8], [sflag:s22] =	dma.local [hbm:s6], s20  }
0xa4: {  	_ =	swait.ge [sflag:s22], s20  }
0xa5: {  	s5 =	ssub.s32 $0x0, s20;
	[sflag:s22] =	ssyncset.done $0x0  }
0xa6: {  	[sflag:s22] =	ssyncadd.s32 s5;
	_ =	sdelay $0x1  }
0xa7: {  	s23 =	simm.s32 $0x1B8B  }
0xa8: {  	_ =	swait.ge [sflag:s23], $0x1  }
0xa9: {  	[sflag:s23] =	ssyncset.done $0x0  }
0xaa: {  	s25 =	simm.s32 $0x1B8E;
	s24 =	sld [smem:$0x3FFE];
	[sflag:s23] =	ssyncadd.s32 $0xFFFFFFFF  }
0xab: {  	s26 =	simm.s32 $execute0_lowered;
	[smem:$0x3FD2] =	sst s25  }
0xac: {  	s6 =	sshll.u32 s26, $0x1;
	_ =	strace $0x80000046;
	[dreg:$0x1] =	wrdreg $0xFFFFFFFF  }
0xad: {  	s28 =	simm.s32 $_size_execute0_lowered;
	s4 =	sadd.s32 s4, s6;
	[dreg:$0x0] =	wrdreg $0x0  }
0xae: {  	s6 =	sshll.u32 s28, $0x1;
	[dreg:$0x2] =	wrdreg s4  }
0xaf: {  	[dreg:$0x3] =	wrdreg s6  }
0xb0: {  	[dreg:$0x4] =	wrdreg $0xC0  }
0xb1: {  	_ =	task [dreg:s8], $0x5FFFF  }
0xb2: {  	[dreg:$0x1] =	wrdreg $0xFFFFFFFF  }
0xb3: {  	[dreg:$0x0] =	wrdreg $0x60  }
0xb4: {  	[dreg:$0x2] =	wrdreg s16  }
0xb5: {  	[dreg:$0x3] =	wrdreg s15  }
0xb6: {  	[dreg:$0x4] =	wrdreg s24  }
0xb7: {  	[dreg:$0x5] =	wrdreg $0x9  }
0xb8: {  	_ =	task.clear_ibuf [dreg:s8], $0x6FFFF;
	_ =	strace $0x90000046  }
0xb9: {  	s29 =	simm.s32 $0x9;
	_ =	strace $0x80000048  }
0xba: {  	_ =	swait.ge [sflag:s29], $0x1  }
0xbb: {  	[sflag:s29] =	ssyncadd.s32 $0xFFFFFFFF  }
0xbc: {  	_ =	strace $0x90000048  }
0xbd: {  	_ =	sfence  }
0xbe: {  	s30 =	sld [smem:$0x0];
	_ =	sdelay $0x2  }
0xbf: {  	s31 =	sshll.u32 s1, $0xD;
	s1 =	sshrl.u32 s1, $0x2  }
0xc0: {  	s3 =	sand.u32 $0x4000, s31;
	s1 =	sadd.s32 s1, s30  }
0xc1: {  	s0 =	sor.u32 s3, s0;
	s1 =	sshll.u32 s1, $0x11  }
0xc2: {  	s0 =	sor.u32 s1, s0  }
0xc3: {  	s0 =	sadd.s32 $0x8F2B, s0  }
0xc4: {  	[sflag:s0] =	ssyncadd.remote.s32 $0x1  }
0xc5: {  	_ =	sfence.sel $0xFFFF  }
0xc6: {  	[dreg:$0x0] =	wrdreg $0xFFFFFFFF;
	(pc) =	sbr.abs _section_cstart, $3  }
0xc7: {  	[dreg:$0x1] =	wrdreg $0xFFFFFFFF  }
0xc8: {  	_ =	task.clear_ibuf [dreg:s8], $0x2FFFF;
	_ =	strace $0x9FFFFFFF  }
0xc9: {  	(tm) =	ssettm $0x7FFFFFFF  }
tec
execute0_lowered:
.L_overlay_start_1:
0x0: {  	(tag) =	ssettag $0x1  }
0x1: {  	s0 =	srdreg.scid;
	s2 =	rddreg [dreg:$0x0]  }
0x2: {  	s1 =	stileid.u32;
	s12 =	rddreg [dreg:$0x1]  }
0x3: {  	s5 =	rddreg [dreg:$0x2];
	s4 =	simm.s32 $0x0;
	s15 =	simm.s32 $0x3  }
0x4: {  	s16 =	simm.s32 $0xB680;
	s13 =	simm.s32 $0x13680;
	s14 =	simm.s32 $0x14680  }
0x5: {  	s28 =	simm.s32 $0x2;
	s29 =	simm.s32 $0x0;
	s0 =	sand.u32 $0x1, s0  }
0x6: {  	s1 =	sshll.u32 s1, $0x1;
	[smem:$0x7FF] =	sst s4;
	s6 =	sadd.s32 $0x1A00, s5  }
0x7: {  	s1 =	sor.u32 s0, s1;
	_ =	strace $0x80000047;
	s0 =	ssub.s32 $0x2, s0  }
0x8: {  	s3 =	smul.u32 $0xC35, s1;
	s17 =	sshrl.u32 s0, $0x1;
	s7 =	sshll.u32 s1, $0x9  }
0x9: {  	s8 =	sshll.u32 s1, $0x6;
	s1 =	sshll.u32 s1, $0xE;
	s0 =	ssub.s32 s0, s17  }
0xa: {  	s18 =	sadd.s32 s12, s8;
	s19 =	sor.u32 $0x80, s7;
	s9 =	sor.u32 $0x100, s7  }
0xb: {  	s7 =	sor.u32 $0x180, s7;
	s1 =	sadd.s32 s6, s1;
	s17 =	simm.s32 $0xBE80  }
0xc: {  	s3 =	sand.u32 $0x1FFF8, s3;
	[dreg:$0x4] =	wrdreg s18;
	s20 =	sshrl.u32 s19, $0x3  }
0xd: {  	s21 =	sshrl.u32 s9, $0x3;
	s10 =	sshrl.u32 s7, $0x3;
	[dreg:$0x8] =	wrdreg s1  }
0xe: {  	s24 =	sshll.u32 s19, $0x5;
	s25 =	sshll.u32 s9, $0x5;
	s26 =	sshll.u32 s7, $0x5  }
0xf: {  	s0 =	smax.u32 s0, $0x1;
	s18 =	simm.s32 $0xC680;
	s19 =	simm.s32 $0xCE80  }
0x10: {  	s7 =	simm.s32 $0xEE80;
	s9 =	simm.s32 $0xFE80;
	s11 =	smin.u32 s3, $0x17A20  }
0x11: {  	s8 =	sadd.s32 s12, s20;
	s22 =	sadd.s32 s12, s10;
	s1 =	sadd.s32 s6, s24  }
0x12: {  	s30 =	sadd.s32 s6, s26;
	[dreg:$0xd] =	wrdreg s0;
	s20 =	simm.s32 $0x4E80  }
0x13: {  	s0 =	simm.s32 $0xAE80;
	s10 =	simm.s32 $0x10680;
	[dreg:$0x5] =	wrdreg s8  }
0x14: {  	v0 =	vimm.s32 $0xFFEDCBA9;
	v1 =	vimm.s32 $0x87654321;
	s24 =	simm.s32 $0x13E80;
	s26 =	simm.s32 $0x1;
	[dreg:$0x7] =	wrdreg s22  }
0x15: {  	v0 =	vunpack.c.l.s4.s8 v0;
	v1 =	vunpack.c.l.s4.s8 v1;
	s3 =	sshrl.u32 s11, $0x3;
	s8 =	sadd.s32 s12, s21;
	[dreg:$0x9] =	wrdreg s1  }
0x16: {  	s23 =	sadd.s32 $0xC80, s11;
	s1 =	sadd.s32 s6, s25;
	[dreg:$0xb] =	wrdreg s30  }
0x17: {  	v3 =	vunpack.c.0.s8.s32 v0;
	v4 =	vunpack.c.0.s8.s32 v1;
	s6 =	simm.s32 $0xE680;
	v0 =	vmov s11;
	s21 =	simm.s32 $0x10E80;
	s11 =	simm.s32 $0x11680  }
0x18: {  	v1 =	vlaneseq.u32;
	s22 =	simm.s32 $0x11E80;
	s12 =	simm.s32 $0x12680;
	[dreg:$0x6] =	wrdreg s8  }
0x19: {  	vm0 =	vmmov $0xffff;
	v5 =	vshrl.u32 v1, $0x3;
	v6 =	vcombine.low v4, v3;
	s25 =	simm.s32 $0x4200;
	s3 =	sadd.s32 s3, s5;
	[dreg:$0xa] =	wrdreg s1  }
0x1a: {  	vm1 =	vcmask $0x3F3C;
	v3 =	vand.u32 $0x7, v1;
	v4 =	vmul.u32 $0x8, v5;
	s5 =	simm.s32 $0xDE80;
	s8 =	simm.s32 $0xF680;
	s31 =	sadd.s32 $0x81A00, s3  }
0x1b: {  	v5 =	vor.u32 $0x8, v1;
	v6 =	vand.u32 $0xF, v6;
	v2 =	vmov s23;
	s23 =	simm.s32 $0x12E80;
	s3 =	simm.s32 $0xD680;
	[dreg:$0xc] =	wrdreg s31  }
.LBB2_1:
0x1c: {  	s1 =	rddreg [dreg:$0x4]  }
0x1d: {  	[tilespmem:s4], [sflag:$0x3] =	stream.linear.gather [hbm4b:s1+s4], $0x80, $0x38;
	[tilespmem:$0x14E80] =	vst v63  }
0x1e: {  	_ =	swait.ge [sflag:s15], $0x80  }
0x1f: {  	[sflag:s15] =	ssyncset.done $0x0  }
0x20: {  	s30 =	simm.s32 $0x80;
	s1 =	rddreg [dreg:$0x5];
	[sflag:s15] =	ssyncadd.s32 $0xFFFFFF80  }
0x21: {  	[tilespmem:s30], [sflag:$0x3] =	stream.linear.gather [hbm4b:s1+s4], $0x80, $0x38;
	[tilespmem:$0x14E80] =	vst v63  }
0x22: {  	_ =	swait.ge [sflag:s15], $0x80  }
0x23: {  	[sflag:s15] =	ssyncset.done $0x0  }
0x24: {  	s30 =	simm.s32 $0x100;
	s1 =	rddreg [dreg:$0x6];
	[sflag:s15] =	ssyncadd.s32 $0xFFFFFF80  }
0x25: {  	[tilespmem:s30], [sflag:$0x3] =	stream.linear.gather [hbm4b:s1+s4], $0x80, $0x38;
	[tilespmem:$0x14E80] =	vst v63  }
0x26: {  	_ =	swait.ge [sflag:s15], $0x80  }
0x27: {  	[sflag:s15] =	ssyncset.done $0x0  }
0x28: {  	s30 =	simm.s32 $0x180;
	s1 =	rddreg [dreg:$0x7];
	[sflag:s15] =	ssyncadd.s32 $0xFFFFFF80  }
0x29: {  	[tilespmem:s30], [sflag:$0x3] =	stream.linear.gather [hbm4b:s1+s4], $0x80, $0x38;
	[tilespmem:$0x14E80] =	vst v63  }
0x2a: {  	_ =	swait.ge [sflag:s15], $0x80  }
0x2b: {  	[sflag:s15] =	ssyncset.done $0x0  }
0x2c: {  	[sflag:s15] =	ssyncadd.s32 $0xFFFFFF80  }
0x2d: {  	s30 =	simm.s32 $0x200;
	s1 =	rddreg [dreg:$0x1]  }
0x2e: {  	[tilespmem:s30], [sflag:$0x3] =	stream.linear.gather [hbm4b:s1+s4], $0x4000, $0x38;
	[tilespmem:$0x14E80] =	vst v63  }
0x2f: {  	_ =	swait.ge [sflag:s15], $0x4000  }
0x30: {  	[sflag:s15] =	ssyncset.done $0x0  }
0x31: {  	[sflag:s15] =	ssyncadd.s32 $0xFFFFC000  }
0x32: {  	v7 =	vld [tilespmem:$0x0];
	_ =	sdelay $0x4  }
0x33: {  	v8 =	vshll.u32 v7, $0x1  }
0x34: {  	v7 =	vand.u32 $0x7, v7;
	v8 =	vand.u32 $0xFFFFFFF0, v8  }
0x35: {  	v7 =	vor.u32 v7, v8  }
0x36: {  	v8 =	vperm.xlane v7, v3;
	_ =	sdelay $0x1  }
0x37: {  	v7 =	vperm.xlane v7, v5;
	v8 =	vadd.s32 v4, v8;
	_ =	sdelay $0x1  }
0x38: {  	v7 =	vadd.s32 v4, v7;
	_ =	sdelay $0x2  }
0x39: {  	[tilespmem:s20], [sflag:$0x1] =	stream.indirect_vreg.gather [hbm4b:s2+s4], $0x80, v8, vm0, $0xb8;
	[tilespmem:$0x14E80] =	vst v63  }
0x3a: {  	s1 =	simm.s32 $0x5680  }
0x3b: {  	[tilespmem:s1], [sflag:$0x1] =	stream.indirect_vreg.gather [hbm4b:s2+s4], $0x80, v7, vm0, $0xb8;
	[tilespmem:$0x14E80] =	vst v63  }
0x3c: {  	v7 =	vld [tilespmem:$0x10];
	_ =	sdelay $0x4  }
0x3d: {  	v8 =	vshll.u32 v7, $0x1  }
0x3e: {  	v7 =	vand.u32 $0x7, v7;
	v8 =	vand.u32 $0xFFFFFFF0, v8  }
0x3f: {  	v7 =	vor.u32 v7, v8  }
0x40: {  	v8 =	vperm.xlane v7, v3;
	_ =	sdelay $0x1  }
0x41: {  	v7 =	vperm.xlane v7, v5;
	v8 =	vadd.s32 v4, v8;
	_ =	sdelay $0x1  }
0x42: {  	v7 =	vadd.s32 v4, v7;
	_ =	sdelay $0x1  }
0x43: {  	s1 =	simm.s32 $0x5E80  }
0x44: {  	[tilespmem:s1], [sflag:$0x1] =	stream.indirect_vreg.gather [hbm4b:s2+s4], $0x80, v8, vm0, $0xb8;
	[tilespmem:$0x14E80] =	vst v63  }
0x45: {  	s1 =	simm.s32 $0x6680  }
0x46: {  	[tilespmem:s1], [sflag:$0x1] =	stream.indirect_vreg.gather [hbm4b:s2+s4], $0x80, v7, vm0, $0xb8;
	[tilespmem:$0x14E80] =	vst v63  }
0x47: {  	v7 =	vld [tilespmem:$0x20];
	_ =	sdelay $0x4  }
0x48: {  	v8 =	vshll.u32 v7, $0x1  }
0x49: {  	v7 =	vand.u32 $0x7, v7;
	v8 =	vand.u32 $0xFFFFFFF0, v8  }
0x4a: {  	v7 =	vor.u32 v7, v8  }
0x4b: {  	v8 =	vperm.xlane v7, v3;
	_ =	sdelay $0x1  }
0x4c: {  	v7 =	vperm.xlane v7, v5;
	v8 =	vadd.s32 v4, v8;
	_ =	sdelay $0x1  }
0x4d: {  	v7 =	vadd.s32 v4, v7;
	_ =	sdelay $0x1  }
0x4e: {  	s1 =	simm.s32 $0x6E80  }
0x4f: {  	[tilespmem:s1], [sflag:$0x1] =	stream.indirect_vreg.gather [hbm4b:s2+s4], $0x80, v8, vm0, $0xb8;
	[tilespmem:$0x14E80] =	vst v63  }
0x50: {  	s1 =	simm.s32 $0x7680  }
0x51: {  	[tilespmem:s1], [sflag:$0x1] =	stream.indirect_vreg.gather [hbm4b:s2+s4], $0x80, v7, vm0, $0xb8;
	[tilespmem:$0x14E80] =	vst v63  }
0x52: {  	v7 =	vld [tilespmem:$0x30];
	_ =	sdelay $0x4  }
0x53: {  	v8 =	vshll.u32 v7, $0x1  }
0x54: {  	v7 =	vand.u32 $0x7, v7;
	v8 =	vand.u32 $0xFFFFFFF0, v8  }
0x55: {  	v7 =	vor.u32 v7, v8  }
0x56: {  	v8 =	vperm.xlane v7, v3;
	_ =	sdelay $0x1  }
0x57: {  	v7 =	vperm.xlane v7, v5;
	v8 =	vadd.s32 v4, v8;
	_ =	sdelay $0x1  }
0x58: {  	v7 =	vadd.s32 v4, v7;
	_ =	sdelay $0x1  }
0x59: {  	s1 =	simm.s32 $0x7E80  }
0x5a: {  	[tilespmem:s1], [sflag:$0x1] =	stream.indirect_vreg.gather [hbm4b:s2+s4], $0x80, v8, vm0, $0xb8;
	[tilespmem:$0x14E80] =	vst v63  }
0x5b: {  	s1 =	simm.s32 $0x8680  }
0x5c: {  	[tilespmem:s1], [sflag:$0x1] =	stream.indirect_vreg.gather [hbm4b:s2+s4], $0x80, v7, vm0, $0xb8;
	[tilespmem:$0x14E80] =	vst v63  }
0x5d: {  	v7 =	vld [tilespmem:$0x40];
	_ =	sdelay $0x4  }
0x5e: {  	v8 =	vshll.u32 v7, $0x1  }
0x5f: {  	v7 =	vand.u32 $0x7, v7;
	v8 =	vand.u32 $0xFFFFFFF0, v8  }
0x60: {  	v7 =	vor.u32 v7, v8  }
0x61: {  	v8 =	vperm.xlane v7, v3;
	_ =	sdelay $0x1  }
0x62: {  	v7 =	vperm.xlane v7, v5;
	v8 =	vadd.s32 v4, v8;
	_ =	sdelay $0x1  }
0x63: {  	v7 =	vadd.s32 v4, v7;
	_ =	sdelay $0x1  }
0x64: {  	s1 =	simm.s32 $0x8E80  }
0x65: {  	[tilespmem:s1], [sflag:$0x1] =	stream.indirect_vreg.gather [hbm4b:s2+s4], $0x80, v8, vm0, $0xb8;
	[tilespmem:$0x14E80] =	vst v63  }
0x66: {  	s1 =	simm.s32 $0x9680  }
0x67: {  	[tilespmem:s1], [sflag:$0x1] =	stream.indirect_vreg.gather [hbm4b:s2+s4], $0x80, v7, vm0, $0xb8;
	[tilespmem:$0x14E80] =	vst v63  }
0x68: {  	v7 =	vld [tilespmem:$0x50];
	_ =	sdelay $0x4  }
0x69: {  	v8 =	vshll.u32 v7, $0x1  }
0x6a: {  	v7 =	vand.u32 $0x7, v7;
	v8 =	vand.u32 $0xFFFFFFF0, v8  }
0x6b: {  	v7 =	vor.u32 v7, v8  }
0x6c: {  	v8 =	vperm.xlane v7, v3;
	_ =	sdelay $0x1  }
0x6d: {  	v7 =	vperm.xlane v7, v5;
	v8 =	vadd.s32 v4, v8;
	_ =	sdelay $0x1  }
0x6e: {  	v7 =	vadd.s32 v4, v7;
	_ =	sdelay $0x1  }
0x6f: {  	s1 =	simm.s32 $0x9E80  }
0x70: {  	[tilespmem:s1], [sflag:$0x1] =	stream.indirect_vreg.gather [hbm4b:s2+s4], $0x80, v8, vm0, $0xb8;
	[tilespmem:$0x14E80] =	vst v63  }
0x71: {  	s1 =	simm.s32 $0xA680  }
0x72: {  	[tilespmem:s1], [sflag:$0x1] =	stream.indirect_vreg.gather [hbm4b:s2+s4], $0x80, v7, vm0, $0xb8;
	[tilespmem:$0x14E80] =	vst v63  }
0x73: {  	v7 =	vld [tilespmem:$0x60];
	_ =	sdelay $0x4  }
0x74: {  	v8 =	vshll.u32 v7, $0x1  }
0x75: {  	v7 =	vand.u32 $0x7, v7;
	v8 =	vand.u32 $0xFFFFFFF0, v8  }
0x76: {  	v7 =	vor.u32 v7, v8  }
0x77: {  	v8 =	vperm.xlane v7, v3;
	_ =	sdelay $0x1  }
0x78: {  	v7 =	vperm.xlane v7, v5;
	v8 =	vadd.s32 v4, v8;
	_ =	sdelay $0x1  }
0x79: {  	v7 =	vadd.s32 v4, v7;
	_ =	sdelay $0x2  }
0x7a: {  	[tilespmem:s0], [sflag:$0x1] =	stream.indirect_vreg.gather [hbm4b:s2+s4], $0x80, v8, vm0, $0xb8;
	[tilespmem:$0x14E80] =	vst v63  }
0x7b: {  	_ = 	snop  }
0x7c: {  	[tilespmem:s16], [sflag:$0x1] =	stream.indirect_vreg.gather [hbm4b:s2+s4], $0x80, v7, vm0, $0xb8;
	[tilespmem:$0x14E80] =	vst v63  }
0x7d: {  	v7 =	vld [tilespmem:$0x70];
	_ =	sdelay $0x4  }
0x7e: {  	v8 =	vshll.u32 v7, $0x1  }
0x7f: {  	v7 =	vand.u32 $0x7, v7;
	v8 =	vand.u32 $0xFFFFFFF0, v8  }
0x80: {  	v7 =	vor.u32 v7, v8  }
0x81: {  	v8 =	vperm.xlane v7, v3;
	_ =	sdelay $0x1  }
0x82: {  	v7 =	vperm.xlane v7, v5;
	v8 =	vadd.s32 v4, v8;
	_ =	sdelay $0x1  }
0x83: {  	v7 =	vadd.s32 v4, v7;
	_ =	sdelay $0x2  }
0x84: {  	[tilespmem:s17], [sflag:$0x1] =	stream.indirect_vreg.gather [hbm4b:s2+s4], $0x80, v8, vm0, $0xb8;
	[tilespmem:$0x14E80] =	vst v63  }
0x85: {  	_ = 	snop  }
0x86: {  	[tilespmem:s18], [sflag:$0x1] =	stream.indirect_vreg.gather [hbm4b:s2+s4], $0x80, v7, vm0, $0xb8;
	[tilespmem:$0x14E80] =	vst v63  }
0x87: {  	v7 =	vld [tilespmem:$0x80];
	_ =	sdelay $0x4  }
0x88: {  	v8 =	vshll.u32 v7, $0x1  }
0x89: {  	v7 =	vand.u32 $0x7, v7;
	v8 =	vand.u32 $0xFFFFFFF0, v8  }
0x8a: {  	v7 =	vor.u32 v7, v8  }
0x8b: {  	v8 =	vperm.xlane v7, v3;
	_ =	sdelay $0x1  }
0x8c: {  	v7 =	vperm.xlane v7, v5;
	v8 =	vadd.s32 v4, v8;
	_ =	sdelay $0x1  }
0x8d: {  	v7 =	vadd.s32 v4, v7;
	_ =	sdelay $0x2  }
0x8e: {  	[tilespmem:s19], [sflag:$0x1] =	stream.indirect_vreg.gather [hbm4b:s2+s4], $0x80, v8, vm0, $0xb8;
	[tilespmem:$0x14E80] =	vst v63  }
0x8f: {  	_ = 	snop  }
0x90: {  	[tilespmem:s3], [sflag:$0x1] =	stream.indirect_vreg.gather [hbm4b:s2+s4], $0x80, v7, vm0, $0xb8;
	[tilespmem:$0x14E80] =	vst v63  }
0x91: {  	v7 =	vld [tilespmem:$0x90];
	_ =	sdelay $0x4  }
0x92: {  	v8 =	vshll.u32 v7, $0x1  }
0x93: {  	v7 =	vand.u32 $0x7, v7;
	v8 =	vand.u32 $0xFFFFFFF0, v8  }
0x94: {  	v7 =	vor.u32 v7, v8  }
0x95: {  	v8 =	vperm.xlane v7, v3;
	_ =	sdelay $0x1  }
0x96: {  	v7 =	vperm.xlane v7, v5;
	v8 =	vadd.s32 v4, v8;
	_ =	sdelay $0x1  }
0x97: {  	v7 =	vadd.s32 v4, v7;
	_ =	sdelay $0x2  }
0x98: {  	[tilespmem:s5], [sflag:$0x1] =	stream.indirect_vreg.gather [hbm4b:s2+s4], $0x80, v8, vm0, $0xb8;
	[tilespmem:$0x14E80] =	vst v63  }
0x99: {  	_ = 	snop  }
0x9a: {  	[tilespmem:s6], [sflag:$0x1] =	stream.indirect_vreg.gather [hbm4b:s2+s4], $0x80, v7, vm0, $0xb8;
	[tilespmem:$0x14E80] =	vst v63  }
0x9b: {  	v7 =	vld [tilespmem:$0xA0];
	_ =	sdelay $0x4  }
0x9c: {  	v8 =	vshll.u32 v7, $0x1  }
0x9d: {  	v7 =	vand.u32 $0x7, v7;
	v8 =	vand.u32 $0xFFFFFFF0, v8  }
0x9e: {  	v7 =	vor.u32 v7, v8  }
0x9f: {  	v8 =	vperm.xlane v7, v3;
	_ =	sdelay $0x1  }
0xa0: {  	v7 =	vperm.xlane v7, v5;
	v8 =	vadd.s32 v4, v8;
	_ =	sdelay $0x1  }
0xa1: {  	v7 =	vadd.s32 v4, v7;
	_ =	sdelay $0x2  }
0xa2: {  	[tilespmem:s7], [sflag:$0x1] =	stream.indirect_vreg.gather [hbm4b:s2+s4], $0x80, v8, vm0, $0xb8;
	[tilespmem:$0x14E80] =	vst v63  }
0xa3: {  	_ = 	snop  }
0xa4: {  	[tilespmem:s8], [sflag:$0x1] =	stream.indirect_vreg.gather [hbm4b:s2+s4], $0x80, v7, vm0, $0xb8;
	[tilespmem:$0x14E80] =	vst v63  }
0xa5: {  	v7 =	vld [tilespmem:$0xB0];
	_ =	sdelay $0x4  }
0xa6: {  	v8 =	vshll.u32 v7, $0x1  }
0xa7: {  	v7 =	vand.u32 $0x7, v7;
	v8 =	vand.u32 $0xFFFFFFF0, v8  }
0xa8: {  	v7 =	vor.u32 v7, v8  }
0xa9: {  	v8 =	vperm.xlane v7, v3;
	_ =	sdelay $0x1  }
0xaa: {  	v7 =	vperm.xlane v7, v5;
	v8 =	vadd.s32 v4, v8;
	_ =	sdelay $0x1  }
0xab: {  	v7 =	vadd.s32 v4, v7;
	_ =	sdelay $0x2  }
0xac: {  	[tilespmem:s9], [sflag:$0x1] =	stream.indirect_vreg.gather [hbm4b:s2+s4], $0x80, v8, vm0, $0xb8;
	[tilespmem:$0x14E80] =	vst v63  }
0xad: {  	_ = 	snop  }
0xae: {  	[tilespmem:s10], [sflag:$0x1] =	stream.indirect_vreg.gather [hbm4b:s2+s4], $0x80, v7, vm0, $0xb8;
	[tilespmem:$0x14E80] =	vst v63  }
0xaf: {  	v7 =	vld [tilespmem:$0xC0];
	_ =	sdelay $0x4  }
0xb0: {  	v8 =	vshll.u32 v7, $0x1  }
0xb1: {  	v7 =	vand.u32 $0x7, v7;
	v8 =	vand.u32 $0xFFFFFFF0, v8  }
0xb2: {  	v7 =	vor.u32 v7, v8  }
0xb3: {  	v8 =	vperm.xlane v7, v3;
	_ =	sdelay $0x1  }
0xb4: {  	v7 =	vperm.xlane v7, v5;
	v8 =	vadd.s32 v4, v8;
	_ =	sdelay $0x1  }
0xb5: {  	v7 =	vadd.s32 v4, v7;
	_ =	sdelay $0x2  }
0xb6: {  	[tilespmem:s21], [sflag:$0x1] =	stream.indirect_vreg.gather [hbm4b:s2+s4], $0x80, v8, vm0, $0xb8;
	[tilespmem:$0x14E80] =	vst v63  }
0xb7: {  	_ = 	snop  }
0xb8: {  	[tilespmem:s11], [sflag:$0x1] =	stream.indirect_vreg.gather [hbm4b:s2+s4], $0x80, v7, vm0, $0xb8;
	[tilespmem:$0x14E80] =	vst v63  }
0xb9: {  	v7 =	vld [tilespmem:$0xD0];
	_ =	sdelay $0x4  }
0xba: {  	v8 =	vshll.u32 v7, $0x1  }
0xbb: {  	v7 =	vand.u32 $0x7, v7;
	v8 =	vand.u32 $0xFFFFFFF0, v8  }
0xbc: {  	v7 =	vor.u32 v7, v8  }
0xbd: {  	v8 =	vperm.xlane v7, v3;
	_ =	sdelay $0x1  }
0xbe: {  	v7 =	vperm.xlane v7, v5;
	v8 =	vadd.s32 v4, v8;
	_ =	sdelay $0x1  }
0xbf: {  	v7 =	vadd.s32 v4, v7;
	_ =	sdelay $0x2  }
0xc0: {  	[tilespmem:s22], [sflag:$0x1] =	stream.indirect_vreg.gather [hbm4b:s2+s4], $0x80, v8, vm0, $0xb8;
	[tilespmem:$0x14E80] =	vst v63  }
0xc1: {  	_ = 	snop  }
0xc2: {  	[tilespmem:s12], [sflag:$0x1] =	stream.indirect_vreg.gather [hbm4b:s2+s4], $0x80, v7, vm0, $0xb8;
	[tilespmem:$0x14E80] =	vst v63  }
0xc3: {  	v7 =	vld [tilespmem:$0xE0];
	_ =	sdelay $0x4  }
0xc4: {  	v8 =	vshll.u32 v7, $0x1  }
0xc5: {  	v7 =	vand.u32 $0x7, v7;
	v8 =	vand.u32 $0xFFFFFFF0, v8  }
0xc6: {  	v7 =	vor.u32 v7, v8  }
0xc7: {  	v8 =	vperm.xlane v7, v3;
	_ =	sdelay $0x1  }
0xc8: {  	v7 =	vperm.xlane v7, v5;
	v8 =	vadd.s32 v4, v8;
	_ =	sdelay $0x1  }
0xc9: {  	v7 =	vadd.s32 v4, v7;
	_ =	sdelay $0x2  }
0xca: {  	[tilespmem:s23], [sflag:$0x1] =	stream.indirect_vreg.gather [hbm4b:s2+s4], $0x80, v8, vm0, $0xb8;
	[tilespmem:$0x14E80] =	vst v63  }
0xcb: {  	_ = 	snop  }
0xcc: {  	[tilespmem:s13], [sflag:$0x1] =	stream.indirect_vreg.gather [hbm4b:s2+s4], $0x80, v7, vm0, $0xb8;
	[tilespmem:$0x14E80] =	vst v63  }
0xcd: {  	v7 =	vld [tilespmem:$0xF0];
	_ =	sdelay $0x4  }
0xce: {  	v8 =	vshll.u32 v7, $0x1  }
0xcf: {  	v7 =	vand.u32 $0x7, v7;
	v8 =	vand.u32 $0xFFFFFFF0, v8  }
0xd0: {  	v7 =	vor.u32 v7, v8  }
0xd1: {  	v8 =	vperm.xlane v7, v3;
	_ =	sdelay $0x1  }
0xd2: {  	v7 =	vperm.xlane v7, v5;
	v8 =	vadd.s32 v4, v8;
	_ =	sdelay $0x1  }
0xd3: {  	v7 =	vadd.s32 v4, v7;
	_ =	sdelay $0x2  }
0xd4: {  	[tilespmem:s24], [sflag:$0x1] =	stream.indirect_vreg.gather [hbm4b:s2+s4], $0x80, v8, vm0, $0xb8;
	[tilespmem:$0x14E80] =	vst v63  }
0xd5: {  	s31 =	simm.s32 $0x0;
	s30 =	simm.s32 $0x210  }
0xd6: {  	[tilespmem:s14], [sflag:$0x1] =	stream.indirect_vreg.gather [hbm4b:s2+s4], $0x80, v7, vm0, $0xb8;
	[tilespmem:$0x14E80] =	vst v63  }
.LBB2_2:
0xd7: {  	v7 =	vld [tilespmem:s30+$0xFFFFFFF0];
	_ =	sdelay $0x4  }
0xd8: {  	v8 =	vor.u32 s31, v1;
	v7 =	vshll.u32 v7, $0xE  }
0xd9: {  	v7 =	vadd.s32 v8, v7  }
0xda: {  	v7 =	vxor.u32 $0x80000000, v7  }
0xdb: {  	(xrf1) =	vsort.ascd.msk.u32 $0xffff, v7, v8;
	_ =	sdelay $0xd  }
0xdc: {  	v7, v8, _ =	vpop (xrf1)  }
0xdd: {  	v7 =	vshrl.u32 v7, $0xE  }
0xde: {  	v7 =	vxor.u32 $0x20000, v7  }
0xdf: {  	v9 =	vperm.xlane v7, v6;
	_ =	sdelay $0x1  }
0xe0: {  	vm2 =	vne.s32 v9, v7  }
0xe1: {  	vm3 =	vge.u32 v7, v0;
	vm2 =	vmor vm2, vm1  }
0xe2: {  	vm2 =	vmand vm3, vm2;
	vm3 =	vlt.u32 v7, v2  }
0xe3: {  	v7 =	vsub.s32 v7, v0;
	vm2 =	vmand vm3, vm2  }
0xe4: {  	v7 =	vnsel vm2, $0x0, v7;
	_ =	sdelay $0x4  }
0xe5: {  	[tilespmem:v7+s25+$0x0] =	vst.idx.msk vm2, v8  }
0xe6: {  	v7 =	vld [tilespmem:s30+$0x0];
	_ =	sdelay $0x3  }
0xe7: {  	s1 =	sadd.s32 $0x10, s31  }
0xe8: {  	v8 =	vor.u32 s1, v1;
	v7 =	vshll.u32 v7, $0xE  }
0xe9: {  	v7 =	vadd.s32 v8, v7  }
0xea: {  	v7 =	vxor.u32 $0x80000000, v7  }
0xeb: {  	(xrf1) =	vsort.ascd.msk.u32 $0xffff, v7, v8;
	_ =	sdelay $0xd  }
0xec: {  	v7, v8, _ =	vpop (xrf1)  }
0xed: {  	v7 =	vshrl.u32 v7, $0xE  }
0xee: {  	v7 =	vxor.u32 $0x20000, v7  }
0xef: {  	v63 =	vperm.xlane v7, v6;
	_ =	sdelay $0x1  }
0xf0: {  	vm2 =	vne.s32 v63, v7  }
0xf1: {  	vm3 =	vge.u32 v7, v0;
	vm2 =	vmor vm2, vm1  }
0xf2: {  	vm2 =	vmand vm3, vm2;
	vm3 =	vlt.u32 v7, v2  }
0xf3: {  	v7 =	vsub.s32 v7, v0;
	vm2 =	vmand vm3, vm2  }
0xf4: {  	p0 =	sne.s32 s31, $0xFE0;
	v7 =	vnsel vm2, $0x0, v7  }
.Ltmp0:
0xf5: {  	_ = 	snop;
	(pc) =	sbr.rel @p0 .LBB2_2-.Ltmp0, $2  }
0xf6: {  	_ =	sdelay $0x2  }
0xf7: {  	s31 =	sadd.s32 $0x20, s31;
	s30 =	sadd.s32 $0x20, s30;
	[tilespmem:v7+s25+$0x0] =	vst.idx.msk vm2, v8  }
0xf8: {  	_ =	swait.ge [sflag:s26], $0x8000  }
0xf9: {  	[sflag:s26] =	ssyncset.done $0x0  }
0xfa: {  	s1 =	rddreg [dreg:$0x8];
	[sflag:s26] =	ssyncadd.s32 $0xFFFF8000  }
0xfb: {  	[hbm4b:s1+s4] =	stream.linear.scatter [tilespmem:s20], [sflag:$0x2], $0x8000, $0x38;
	[tilespmem:$0x14E80] =	vst v63  }
0xfc: {  	_ =	swait.ge [sflag:s28], $0x8000  }
0xfd: {  	[sflag:s28] =	ssyncset.done $0x0  }
0xfe: {  	[sflag:s28] =	ssyncadd.s32 $0xFFFF8000  }
0xff: {  	v7 =	vld [tilespmem:$0x100];
	_ =	sdelay $0x4  }
0x100: {  	v8 =	vshll.u32 v7, $0x1  }
0x101: {  	v7 =	vand.u32 $0x7, v7;
	v8 =	vand.u32 $0xFFFFFFF0, v8  }
0x102: {  	v7 =	vor.u32 v7, v8  }
0x103: {  	v8 =	vperm.xlane v7, v3;
	_ =	sdelay $0x1  }
0x104: {  	v7 =	vperm.xlane v7, v5;
	v8 =	vadd.s32 v4, v8;
	_ =	sdelay $0x1  }
0x105: {  	v7 =	vadd.s32 v4, v7;
	_ =	sdelay $0x2  }
0x106: {  	[tilespmem:s20], [sflag:$0x1] =	stream.indirect_vreg.gather [hbm4b:s2+s4], $0x80, v8, vm0, $0xb8;
	[tilespmem:$0x14E80] =	vst v63  }
0x107: {  	s1 =	simm.s32 $0x5680  }
0x108: {  	[tilespmem:s1], [sflag:$0x1] =	stream.indirect_vreg.gather [hbm4b:s2+s4], $0x80, v7, vm0, $0xb8;
	[tilespmem:$0x14E80] =	vst v63  }
0x109: {  	v7 =	vld [tilespmem:$0x110];
	_ =	sdelay $0x4  }
0x10a: {  	v8 =	vshll.u32 v7, $0x1  }
0x10b: {  	v7 =	vand.u32 $0x7, v7;
	v8 =	vand.u32 $0xFFFFFFF0, v8  }
0x10c: {  	v7 =	vor.u32 v7, v8  }
0x10d: {  	v8 =	vperm.xlane v7, v3;
	_ =	sdelay $0x1  }
0x10e: {  	v7 =	vperm.xlane v7, v5;
	v8 =	vadd.s32 v4, v8;
	_ =	sdelay $0x1  }
0x10f: {  	v7 =	vadd.s32 v4, v7;
	_ =	sdelay $0x1  }
0x110: {  	s1 =	simm.s32 $0x5E80  }
0x111: {  	[tilespmem:s1], [sflag:$0x1] =	stream.indirect_vreg.gather [hbm4b:s2+s4], $0x80, v8, vm0, $0xb8;
	[tilespmem:$0x14E80] =	vst v63  }
0x112: {  	s1 =	simm.s32 $0x6680  }
0x113: {  	[tilespmem:s1], [sflag:$0x1] =	stream.indirect_vreg.gather [hbm4b:s2+s4], $0x80, v7, vm0, $0xb8;
	[tilespmem:$0x14E80] =	vst v63  }
0x114: {  	v7 =	vld [tilespmem:$0x120];
	_ =	sdelay $0x4  }
0x115: {  	v8 =	vshll.u32 v7, $0x1  }
0x116: {  	v7 =	vand.u32 $0x7, v7;
	v8 =	vand.u32 $0xFFFFFFF0, v8  }
0x117: {  	v7 =	vor.u32 v7, v8  }
0x118: {  	v8 =	vperm.xlane v7, v3;
	_ =	sdelay $0x1  }
0x119: {  	v7 =	vperm.xlane v7, v5;
	v8 =	vadd.s32 v4, v8;
	_ =	sdelay $0x1  }
0x11a: {  	v7 =	vadd.s32 v4, v7;
	_ =	sdelay $0x1  }
0x11b: {  	s1 =	simm.s32 $0x6E80  }
0x11c: {  	[tilespmem:s1], [sflag:$0x1] =	stream.indirect_vreg.gather [hbm4b:s2+s4], $0x80, v8, vm0, $0xb8;
	[tilespmem:$0x14E80] =	vst v63  }
0x11d: {  	s1 =	simm.s32 $0x7680  }
0x11e: {  	[tilespmem:s1], [sflag:$0x1] =	stream.indirect_vreg.gather [hbm4b:s2+s4], $0x80, v7, vm0, $0xb8;
	[tilespmem:$0x14E80] =	vst v63  }
0x11f: {  	v7 =	vld [tilespmem:$0x130];
	_ =	sdelay $0x4  }
0x120: {  	v8 =	vshll.u32 v7, $0x1  }
0x121: {  	v7 =	vand.u32 $0x7, v7;
	v8 =	vand.u32 $0xFFFFFFF0, v8  }
0x122: {  	v7 =	vor.u32 v7, v8  }
0x123: {  	v8 =	vperm.xlane v7, v3;
	_ =	sdelay $0x1  }
0x124: {  	v7 =	vperm.xlane v7, v5;
	v8 =	vadd.s32 v4, v8;
	_ =	sdelay $0x1  }
0x125: {  	v7 =	vadd.s32 v4, v7;
	_ =	sdelay $0x1  }
0x126: {  	s1 =	simm.s32 $0x7E80  }
0x127: {  	[tilespmem:s1], [sflag:$0x1] =	stream.indirect_vreg.gather [hbm4b:s2+s4], $0x80, v8, vm0, $0xb8;
	[tilespmem:$0x14E80] =	vst v63  }
0x128: {  	s1 =	simm.s32 $0x8680  }
0x129: {  	[tilespmem:s1], [sflag:$0x1] =	stream.indirect_vreg.gather [hbm4b:s2+s4], $0x80, v7, vm0, $0xb8;
	[tilespmem:$0x14E80] =	vst v63  }
0x12a: {  	v7 =	vld [tilespmem:$0x140];
	_ =	sdelay $0x4  }
0x12b: {  	v8 =	vshll.u32 v7, $0x1  }
0x12c: {  	v7 =	vand.u32 $0x7, v7;
	v8 =	vand.u32 $0xFFFFFFF0, v8  }
0x12d: {  	v7 =	vor.u32 v7, v8  }
0x12e: {  	v8 =	vperm.xlane v7, v3;
	_ =	sdelay $0x1  }
0x12f: {  	v7 =	vperm.xlane v7, v5;
	v8 =	vadd.s32 v4, v8;
	_ =	sdelay $0x1  }
0x130: {  	v7 =	vadd.s32 v4, v7;
	_ =	sdelay $0x1  }
0x131: {  	s1 =	simm.s32 $0x8E80  }
0x132: {  	[tilespmem:s1], [sflag:$0x1] =	stream.indirect_vreg.gather [hbm4b:s2+s4], $0x80, v8, vm0, $0xb8;
	[tilespmem:$0x14E80] =	vst v63  }
0x133: {  	s1 =	simm.s32 $0x9680  }
0x134: {  	[tilespmem:s1], [sflag:$0x1] =	stream.indirect_vreg.gather [hbm4b:s2+s4], $0x80, v7, vm0, $0xb8;
	[tilespmem:$0x14E80] =	vst v63  }
0x135: {  	v7 =	vld [tilespmem:$0x150];
	_ =	sdelay $0x4  }
0x136: {  	v8 =	vshll.u32 v7, $0x1  }
0x137: {  	v7 =	vand.u32 $0x7, v7;
	v8 =	vand.u32 $0xFFFFFFF0, v8  }
0x138: {  	v7 =	vor.u32 v7, v8  }
0x139: {  	v8 =	vperm.xlane v7, v3;
	_ =	sdelay $0x1  }
0x13a: {  	v7 =	vperm.xlane v7, v5;
	v8 =	vadd.s32 v4, v8;
	_ =	sdelay $0x1  }
0x13b: {  	v7 =	vadd.s32 v4, v7;
	_ =	sdelay $0x1  }
0x13c: {  	s1 =	simm.s32 $0x9E80  }
0x13d: {  	[tilespmem:s1], [sflag:$0x1] =	stream.indirect_vreg.gather [hbm4b:s2+s4], $0x80, v8, vm0, $0xb8;
	[tilespmem:$0x14E80] =	vst v63  }
0x13e: {  	s1 =	simm.s32 $0xA680  }
0x13f: {  	[tilespmem:s1], [sflag:$0x1] =	stream.indirect_vreg.gather [hbm4b:s2+s4], $0x80, v7, vm0, $0xb8;
	[tilespmem:$0x14E80] =	vst v63  }
0x140: {  	v7 =	vld [tilespmem:$0x160];
	_ =	sdelay $0x4  }
0x141: {  	v8 =	vshll.u32 v7, $0x1  }
0x142: {  	v7 =	vand.u32 $0x7, v7;
	v8 =	vand.u32 $0xFFFFFFF0, v8  }
0x143: {  	v7 =	vor.u32 v7, v8  }
0x144: {  	v8 =	vperm.xlane v7, v3;
	_ =	sdelay $0x1  }
0x145: {  	v7 =	vperm.xlane v7, v5;
	v8 =	vadd.s32 v4, v8;
	_ =	sdelay $0x1  }
0x146: {  	v7 =	vadd.s32 v4, v7;
	_ =	sdelay $0x2  }
0x147: {  	[tilespmem:s0], [sflag:$0x1] =	stream.indirect_vreg.gather [hbm4b:s2+s4], $0x80, v8, vm0, $0xb8;
	[tilespmem:$0x14E80] =	vst v63  }
0x148: {  	_ = 	snop  }
0x149: {  	[tilespmem:s16], [sflag:$0x1] =	stream.indirect_vreg.gather [hbm4b:s2+s4], $0x80, v7, vm0, $0xb8;
	[tilespmem:$0x14E80] =	vst v63  }
0x14a: {  	v7 =	vld [tilespmem:$0x170];
	_ =	sdelay $0x4  }
0x14b: {  	v8 =	vshll.u32 v7, $0x1  }
0x14c: {  	v7 =	vand.u32 $0x7, v7;
	v8 =	vand.u32 $0xFFFFFFF0, v8  }
0x14d: {  	v7 =	vor.u32 v7, v8  }
0x14e: {  	v8 =	vperm.xlane v7, v3;
	_ =	sdelay $0x1  }
0x14f: {  	v7 =	vperm.xlane v7, v5;
	v8 =	vadd.s32 v4, v8;
	_ =	sdelay $0x1  }
0x150: {  	v7 =	vadd.s32 v4, v7;
	_ =	sdelay $0x2  }
0x151: {  	[tilespmem:s17], [sflag:$0x1] =	stream.indirect_vreg.gather [hbm4b:s2+s4], $0x80, v8, vm0, $0xb8;
	[tilespmem:$0x14E80] =	vst v63  }
0x152: {  	s30 =	simm.s32 $0x1000;
	s31 =	simm.s32 $0x1210  }
0x153: {  	[tilespmem:s18], [sflag:$0x1] =	stream.indirect_vreg.gather [hbm4b:s2+s4], $0x80, v7, vm0, $0xb8;
	[tilespmem:$0x14E80] =	vst v63  }
.LBB2_4:
0x154: {  	v7 =	vld [tilespmem:s31+$0xFFFFFFF0];
	_ =	sdelay $0x4  }
0x155: {  	v8 =	vor.u32 s30, v1;
	v7 =	vshll.u32 v7, $0xE  }
0x156: {  	v7 =	vadd.s32 v8, v7  }
0x157: {  	v7 =	vxor.u32 $0x80000000, v7  }
0x158: {  	(xrf1) =	vsort.ascd.msk.u32 $0xffff, v7, v8;
	_ =	sdelay $0xd  }
0x159: {  	v7, v8, _ =	vpop (xrf1)  }
0x15a: {  	v7 =	vshrl.u32 v7, $0xE  }
0x15b: {  	v7 =	vxor.u32 $0x20000, v7  }
0x15c: {  	v9 =	vperm.xlane v7, v6;
	_ =	sdelay $0x1  }
0x15d: {  	vm2 =	vne.s32 v9, v7  }
0x15e: {  	vm3 =	vge.u32 v7, v0;
	vm2 =	vmor vm2, vm1  }
0x15f: {  	vm2 =	vmand vm3, vm2;
	vm3 =	vlt.u32 v7, v2  }
0x160: {  	v7 =	vsub.s32 v7, v0;
	vm2 =	vmand vm3, vm2  }
0x161: {  	v7 =	vnsel vm2, $0x0, v7;
	_ =	sdelay $0x4  }
0x162: {  	[tilespmem:v7+s25+$0x0] =	vst.idx.msk vm2, v8  }
0x163: {  	v7 =	vld [tilespmem:s31+$0x0];
	_ =	sdelay $0x3  }
0x164: {  	s1 =	sadd.s32 $0x10, s30  }
0x165: {  	v8 =	vor.u32 s1, v1;
	v7 =	vshll.u32 v7, $0xE  }
0x166: {  	v7 =	vadd.s32 v8, v7  }
0x167: {  	v7 =	vxor.u32 $0x80000000, v7  }
0x168: {  	(xrf1) =	vsort.ascd.msk.u32 $0xffff, v7, v8;
	_ =	sdelay $0xd  }
0x169: {  	v7, v8, _ =	vpop (xrf1)  }
0x16a: {  	v7 =	vshrl.u32 v7, $0xE  }
0x16b: {  	v7 =	vxor.u32 $0x20000, v7  }
0x16c: {  	v63 =	vperm.xlane v7, v6;
	_ =	sdelay $0x1  }
0x16d: {  	vm2 =	vne.s32 v63, v7  }
0x16e: {  	vm3 =	vge.u32 v7, v0;
	vm2 =	vmor vm2, vm1  }
0x16f: {  	vm2 =	vmand vm3, vm2;
	vm3 =	vlt.u32 v7, v2  }
0x170: {  	v7 =	vsub.s32 v7, v0;
	vm2 =	vmand vm3, vm2  }
0x171: {  	p0 =	sne.s32 s30, $0x1FE0;
	v7 =	vnsel vm2, $0x0, v7  }
.Ltmp1:
0x172: {  	_ = 	snop;
	(pc) =	sbr.rel @p0 .LBB2_4-.Ltmp1, $2  }
0x173: {  	_ =	sdelay $0x2  }
0x174: {  	s30 =	sadd.s32 $0x20, s30;
	s31 =	sadd.s32 $0x20, s31;
	[tilespmem:v7+s25+$0x0] =	vst.idx.msk vm2, v8  }
0x175: {  	_ =	swait.ge [sflag:s26], $0x8000  }
0x176: {  	[sflag:s26] =	ssyncset.done $0x0  }
0x177: {  	s1 =	rddreg [dreg:$0x9];
	[sflag:s26] =	ssyncadd.s32 $0xFFFF8000  }
0x178: {  	[hbm4b:s1+s4] =	stream.linear.scatter [tilespmem:s19], [sflag:$0x2], $0x8000, $0x38;
	[tilespmem:$0x14E80] =	vst v63  }
0x179: {  	_ =	swait.ge [sflag:s28], $0x8000  }
0x17a: {  	[sflag:s28] =	ssyncset.done $0x0  }
0x17b: {  	[sflag:s28] =	ssyncadd.s32 $0xFFFF8000  }
0x17c: {  	v7 =	vld [tilespmem:$0x180];
	_ =	sdelay $0x4  }
0x17d: {  	v8 =	vshll.u32 v7, $0x1  }
0x17e: {  	v7 =	vand.u32 $0x7, v7;
	v8 =	vand.u32 $0xFFFFFFF0, v8  }
0x17f: {  	v7 =	vor.u32 v7, v8  }
0x180: {  	v8 =	vperm.xlane v7, v3;
	_ =	sdelay $0x1  }
0x181: {  	v7 =	vperm.xlane v7, v5;
	v8 =	vadd.s32 v4, v8;
	_ =	sdelay $0x1  }
0x182: {  	v7 =	vadd.s32 v4, v7;
	_ =	sdelay $0x2  }
0x183: {  	[tilespmem:s19], [sflag:$0x1] =	stream.indirect_vreg.gather [hbm4b:s2+s4], $0x80, v8, vm0, $0xb8;
	[tilespmem:$0x14E80] =	vst v63  }
0x184: {  	_ = 	snop  }
0x185: {  	[tilespmem:s3], [sflag:$0x1] =	stream.indirect_vreg.gather [hbm4b:s2+s4], $0x80, v7, vm0, $0xb8;
	[tilespmem:$0x14E80] =	vst v63  }
0x186: {  	v7 =	vld [tilespmem:$0x190];
	_ =	sdelay $0x4  }
0x187: {  	v8 =	vshll.u32 v7, $0x1  }
0x188: {  	v7 =	vand.u32 $0x7, v7;
	v8 =	vand.u32 $0xFFFFFFF0, v8  }
0x189: {  	v7 =	vor.u32 v7, v8  }
0x18a: {  	v8 =	vperm.xlane v7, v3;
	_ =	sdelay $0x1  }
0x18b: {  	v7 =	vperm.xlane v7, v5;
	v8 =	vadd.s32 v4, v8;
	_ =	sdelay $0x1  }
0x18c: {  	v7 =	vadd.s32 v4, v7;
	_ =	sdelay $0x2  }
0x18d: {  	[tilespmem:s5], [sflag:$0x1] =	stream.indirect_vreg.gather [hbm4b:s2+s4], $0x80, v8, vm0, $0xb8;
	[tilespmem:$0x14E80] =	vst v63  }
0x18e: {  	_ = 	snop  }
0x18f: {  	[tilespmem:s6], [sflag:$0x1] =	stream.indirect_vreg.gather [hbm4b:s2+s4], $0x80, v7, vm0, $0xb8;
	[tilespmem:$0x14E80] =	vst v63  }
0x190: {  	v7 =	vld [tilespmem:$0x1A0];
	_ =	sdelay $0x4  }
0x191: {  	v8 =	vshll.u32 v7, $0x1  }
0x192: {  	v7 =	vand.u32 $0x7, v7;
	v8 =	vand.u32 $0xFFFFFFF0, v8  }
0x193: {  	v7 =	vor.u32 v7, v8  }
0x194: {  	v8 =	vperm.xlane v7, v3;
	_ =	sdelay $0x1  }
0x195: {  	v7 =	vperm.xlane v7, v5;
	v8 =	vadd.s32 v4, v8;
	_ =	sdelay $0x1  }
0x196: {  	v7 =	vadd.s32 v4, v7;
	_ =	sdelay $0x2  }
0x197: {  	[tilespmem:s7], [sflag:$0x1] =	stream.indirect_vreg.gather [hbm4b:s2+s4], $0x80, v8, vm0, $0xb8;
	[tilespmem:$0x14E80] =	vst v63  }
0x198: {  	_ = 	snop  }
0x199: {  	[tilespmem:s8], [sflag:$0x1] =	stream.indirect_vreg.gather [hbm4b:s2+s4], $0x80, v7, vm0, $0xb8;
	[tilespmem:$0x14E80] =	vst v63  }
0x19a: {  	v7 =	vld [tilespmem:$0x1B0];
	_ =	sdelay $0x4  }
0x19b: {  	v8 =	vshll.u32 v7, $0x1  }
0x19c: {  	v7 =	vand.u32 $0x7, v7;
	v8 =	vand.u32 $0xFFFFFFF0, v8  }
0x19d: {  	v7 =	vor.u32 v7, v8  }
0x19e: {  	v8 =	vperm.xlane v7, v3;
	_ =	sdelay $0x1  }
0x19f: {  	v7 =	vperm.xlane v7, v5;
	v8 =	vadd.s32 v4, v8;
	_ =	sdelay $0x1  }
0x1a0: {  	v7 =	vadd.s32 v4, v7;
	_ =	sdelay $0x2  }
0x1a1: {  	[tilespmem:s9], [sflag:$0x1] =	stream.indirect_vreg.gather [hbm4b:s2+s4], $0x80, v8, vm0, $0xb8;
	[tilespmem:$0x14E80] =	vst v63  }
0x1a2: {  	_ = 	snop  }
0x1a3: {  	[tilespmem:s10], [sflag:$0x1] =	stream.indirect_vreg.gather [hbm4b:s2+s4], $0x80, v7, vm0, $0xb8;
	[tilespmem:$0x14E80] =	vst v63  }
0x1a4: {  	v7 =	vld [tilespmem:$0x1C0];
	_ =	sdelay $0x4  }
0x1a5: {  	v8 =	vshll.u32 v7, $0x1  }
0x1a6: {  	v7 =	vand.u32 $0x7, v7;
	v8 =	vand.u32 $0xFFFFFFF0, v8  }
0x1a7: {  	v7 =	vor.u32 v7, v8  }
0x1a8: {  	v8 =	vperm.xlane v7, v3;
	_ =	sdelay $0x1  }
0x1a9: {  	v7 =	vperm.xlane v7, v5;
	v8 =	vadd.s32 v4, v8;
	_ =	sdelay $0x1  }
0x1aa: {  	v7 =	vadd.s32 v4, v7;
	_ =	sdelay $0x2  }
0x1ab: {  	[tilespmem:s21], [sflag:$0x1] =	stream.indirect_vreg.gather [hbm4b:s2+s4], $0x80, v8, vm0, $0xb8;
	[tilespmem:$0x14E80] =	vst v63  }
0x1ac: {  	_ = 	snop  }
0x1ad: {  	[tilespmem:s11], [sflag:$0x1] =	stream.indirect_vreg.gather [hbm4b:s2+s4], $0x80, v7, vm0, $0xb8;
	[tilespmem:$0x14E80] =	vst v63  }
0x1ae: {  	v7 =	vld [tilespmem:$0x1D0];
	_ =	sdelay $0x4  }
0x1af: {  	v8 =	vshll.u32 v7, $0x1  }
0x1b0: {  	v7 =	vand.u32 $0x7, v7;
	v8 =	vand.u32 $0xFFFFFFF0, v8  }
0x1b1: {  	v7 =	vor.u32 v7, v8  }
0x1b2: {  	v8 =	vperm.xlane v7, v3;
	_ =	sdelay $0x1  }
0x1b3: {  	v7 =	vperm.xlane v7, v5;
	v8 =	vadd.s32 v4, v8;
	_ =	sdelay $0x1  }
0x1b4: {  	v7 =	vadd.s32 v4, v7;
	_ =	sdelay $0x2  }
0x1b5: {  	[tilespmem:s22], [sflag:$0x1] =	stream.indirect_vreg.gather [hbm4b:s2+s4], $0x80, v8, vm0, $0xb8;
	[tilespmem:$0x14E80] =	vst v63  }
0x1b6: {  	_ = 	snop  }
0x1b7: {  	[tilespmem:s12], [sflag:$0x1] =	stream.indirect_vreg.gather [hbm4b:s2+s4], $0x80, v7, vm0, $0xb8;
	[tilespmem:$0x14E80] =	vst v63  }
0x1b8: {  	v7 =	vld [tilespmem:$0x1E0];
	_ =	sdelay $0x4  }
0x1b9: {  	v8 =	vshll.u32 v7, $0x1  }
0x1ba: {  	v7 =	vand.u32 $0x7, v7;
	v8 =	vand.u32 $0xFFFFFFF0, v8  }
0x1bb: {  	v7 =	vor.u32 v7, v8  }
0x1bc: {  	v8 =	vperm.xlane v7, v3;
	_ =	sdelay $0x1  }
0x1bd: {  	v7 =	vperm.xlane v7, v5;
	v8 =	vadd.s32 v4, v8;
	_ =	sdelay $0x1  }
0x1be: {  	v7 =	vadd.s32 v4, v7;
	_ =	sdelay $0x2  }
0x1bf: {  	[tilespmem:s23], [sflag:$0x1] =	stream.indirect_vreg.gather [hbm4b:s2+s4], $0x80, v8, vm0, $0xb8;
	[tilespmem:$0x14E80] =	vst v63  }
0x1c0: {  	_ = 	snop  }
0x1c1: {  	[tilespmem:s13], [sflag:$0x1] =	stream.indirect_vreg.gather [hbm4b:s2+s4], $0x80, v7, vm0, $0xb8;
	[tilespmem:$0x14E80] =	vst v63  }
0x1c2: {  	v7 =	vld [tilespmem:$0x1F0];
	_ =	sdelay $0x4  }
0x1c3: {  	v8 =	vshll.u32 v7, $0x1  }
0x1c4: {  	v7 =	vand.u32 $0x7, v7;
	v8 =	vand.u32 $0xFFFFFFF0, v8  }
0x1c5: {  	v7 =	vor.u32 v7, v8  }
0x1c6: {  	v8 =	vperm.xlane v7, v3;
	_ =	sdelay $0x1  }
0x1c7: {  	v7 =	vperm.xlane v7, v5;
	v8 =	vadd.s32 v4, v8;
	_ =	sdelay $0x1  }
0x1c8: {  	v7 =	vadd.s32 v4, v7;
	_ =	sdelay $0x2  }
0x1c9: {  	[tilespmem:s24], [sflag:$0x1] =	stream.indirect_vreg.gather [hbm4b:s2+s4], $0x80, v8, vm0, $0xb8;
	[tilespmem:$0x14E80] =	vst v63  }
0x1ca: {  	s30 =	simm.s32 $0x2000;
	s31 =	simm.s32 $0x2210  }
0x1cb: {  	[tilespmem:s14], [sflag:$0x1] =	stream.indirect_vreg.gather [hbm4b:s2+s4], $0x80, v7, vm0, $0xb8;
	[tilespmem:$0x14E80] =	vst v63  }
.LBB2_6:
0x1cc: {  	v7 =	vld [tilespmem:s31+$0xFFFFFFF0];
	_ =	sdelay $0x4  }
0x1cd: {  	v8 =	vor.u32 s30, v1;
	v7 =	vshll.u32 v7, $0xE  }
0x1ce: {  	v7 =	vadd.s32 v8, v7  }
0x1cf: {  	v7 =	vxor.u32 $0x80000000, v7  }
0x1d0: {  	(xrf1) =	vsort.ascd.msk.u32 $0xffff, v7, v8;
	_ =	sdelay $0xd  }
0x1d1: {  	v7, v8, _ =	vpop (xrf1)  }
0x1d2: {  	v7 =	vshrl.u32 v7, $0xE  }
0x1d3: {  	v7 =	vxor.u32 $0x20000, v7  }
0x1d4: {  	v9 =	vperm.xlane v7, v6;
	_ =	sdelay $0x1  }
0x1d5: {  	vm2 =	vne.s32 v9, v7  }
0x1d6: {  	vm3 =	vge.u32 v7, v0;
	vm2 =	vmor vm2, vm1  }
0x1d7: {  	vm2 =	vmand vm3, vm2;
	vm3 =	vlt.u32 v7, v2  }
0x1d8: {  	v7 =	vsub.s32 v7, v0;
	vm2 =	vmand vm3, vm2  }
0x1d9: {  	v7 =	vnsel vm2, $0x0, v7;
	_ =	sdelay $0x4  }
0x1da: {  	[tilespmem:v7+s25+$0x0] =	vst.idx.msk vm2, v8  }
0x1db: {  	v7 =	vld [tilespmem:s31+$0x0];
	_ =	sdelay $0x3  }
0x1dc: {  	s1 =	sadd.s32 $0x10, s30  }
0x1dd: {  	v8 =	vor.u32 s1, v1;
	v7 =	vshll.u32 v7, $0xE  }
0x1de: {  	v7 =	vadd.s32 v8, v7  }
0x1df: {  	v7 =	vxor.u32 $0x80000000, v7  }
0x1e0: {  	(xrf1) =	vsort.ascd.msk.u32 $0xffff, v7, v8;
	_ =	sdelay $0xd  }
0x1e1: {  	v7, v8, _ =	vpop (xrf1)  }
0x1e2: {  	v7 =	vshrl.u32 v7, $0xE  }
0x1e3: {  	v7 =	vxor.u32 $0x20000, v7  }
0x1e4: {  	v63 =	vperm.xlane v7, v6;
	_ =	sdelay $0x1  }
0x1e5: {  	vm2 =	vne.s32 v63, v7  }
0x1e6: {  	vm3 =	vge.u32 v7, v0;
	vm2 =	vmor vm2, vm1  }
0x1e7: {  	vm2 =	vmand vm3, vm2;
	vm3 =	vlt.u32 v7, v2  }
0x1e8: {  	v7 =	vsub.s32 v7, v0;
	vm2 =	vmand vm3, vm2  }
0x1e9: {  	p0 =	sne.s32 s30, $0x2FE0;
	v7 =	vnsel vm2, $0x0, v7  }
.Ltmp2:
0x1ea: {  	_ = 	snop;
	(pc) =	sbr.rel @p0 .LBB2_6-.Ltmp2, $2  }
0x1eb: {  	_ =	sdelay $0x2  }
0x1ec: {  	s30 =	sadd.s32 $0x20, s30;
	s31 =	sadd.s32 $0x20, s31;
	[tilespmem:v7+s25+$0x0] =	vst.idx.msk vm2, v8  }
0x1ed: {  	_ =	swait.ge [sflag:s26], $0x8000  }
0x1ee: {  	s30 =	simm.s32 $0x3000;
	[sflag:s26] =	ssyncset.done $0x0  }
0x1ef: {  	s31 =	simm.s32 $0x3210;
	s1 =	rddreg [dreg:$0xa];
	[sflag:s26] =	ssyncadd.s32 $0xFFFF8000  }
0x1f0: {  	[hbm4b:s1+s4] =	stream.linear.scatter [tilespmem:s20], [sflag:$0x2], $0x8000, $0x38;
	[tilespmem:$0x14E80] =	vst v63  }
.LBB2_8:
0x1f1: {  	v7 =	vld [tilespmem:s31+$0xFFFFFFF0];
	_ =	sdelay $0x4  }
0x1f2: {  	v8 =	vor.u32 s30, v1;
	v7 =	vshll.u32 v7, $0xE  }
0x1f3: {  	v7 =	vadd.s32 v8, v7  }
0x1f4: {  	v7 =	vxor.u32 $0x80000000, v7  }
0x1f5: {  	(xrf1) =	vsort.ascd.msk.u32 $0xffff, v7, v8;
	_ =	sdelay $0xd  }
0x1f6: {  	v7, v8, _ =	vpop (xrf1)  }
0x1f7: {  	v7 =	vshrl.u32 v7, $0xE  }
0x1f8: {  	v7 =	vxor.u32 $0x20000, v7  }
0x1f9: {  	v9 =	vperm.xlane v7, v6;
	_ =	sdelay $0x1  }
0x1fa: {  	vm2 =	vne.s32 v9, v7  }
0x1fb: {  	vm3 =	vge.u32 v7, v0;
	vm2 =	vmor vm2, vm1  }
0x1fc: {  	vm2 =	vmand vm3, vm2;
	vm3 =	vlt.u32 v7, v2  }
0x1fd: {  	v7 =	vsub.s32 v7, v0;
	vm2 =	vmand vm3, vm2  }
0x1fe: {  	v7 =	vnsel vm2, $0x0, v7;
	_ =	sdelay $0x4  }
0x1ff: {  	[tilespmem:v7+s25+$0x0] =	vst.idx.msk vm2, v8  }
0x200: {  	v7 =	vld [tilespmem:s31+$0x0];
	_ =	sdelay $0x3  }
0x201: {  	s1 =	sadd.s32 $0x10, s30  }
0x202: {  	v8 =	vor.u32 s1, v1;
	v7 =	vshll.u32 v7, $0xE  }
0x203: {  	v7 =	vadd.s32 v8, v7  }
0x204: {  	v7 =	vxor.u32 $0x80000000, v7  }
0x205: {  	(xrf1) =	vsort.ascd.msk.u32 $0xffff, v7, v8;
	_ =	sdelay $0xd  }
0x206: {  	v7, v8, _ =	vpop (xrf1)  }
0x207: {  	v7 =	vshrl.u32 v7, $0xE  }
0x208: {  	v7 =	vxor.u32 $0x20000, v7  }
0x209: {  	v63 =	vperm.xlane v7, v6;
	_ =	sdelay $0x1  }
0x20a: {  	vm2 =	vne.s32 v63, v7  }
0x20b: {  	vm3 =	vge.u32 v7, v0;
	vm2 =	vmor vm2, vm1  }
0x20c: {  	vm2 =	vmand vm3, vm2;
	vm3 =	vlt.u32 v7, v2  }
0x20d: {  	v7 =	vsub.s32 v7, v0;
	vm2 =	vmand vm3, vm2  }
0x20e: {  	p0 =	sne.s32 s30, $0x3FE0;
	v7 =	vnsel vm2, $0x0, v7  }
.Ltmp3:
0x20f: {  	_ = 	snop;
	(pc) =	sbr.rel @p0 .LBB2_8-.Ltmp3, $2  }
0x210: {  	_ =	sdelay $0x2  }
0x211: {  	s30 =	sadd.s32 $0x20, s30;
	s31 =	sadd.s32 $0x20, s31;
	[tilespmem:v7+s25+$0x0] =	vst.idx.msk vm2, v8  }
0x212: {  	_ =	swait.ge [sflag:s26], $0x8000  }
0x213: {  	[sflag:s26] =	ssyncset.done $0x0  }
0x214: {  	s1 =	rddreg [dreg:$0xb];
	[sflag:s26] =	ssyncadd.s32 $0xFFFF8000  }
0x215: {  	[hbm4b:s1+s4] =	stream.linear.scatter [tilespmem:s19], [sflag:$0x2], $0x8000, $0x38;
	[tilespmem:$0x14E80] =	vst v63  }
0x216: {  	_ =	swait.ge [sflag:s28], $0x8000  }
0x217: {  	[sflag:s28] =	ssyncset.done $0x0  }
0x218: {  	[sflag:s28] =	ssyncadd.s32 $0xFFFF8000  }
0x219: {  	_ =	swait.ge [sflag:s28], $0x8000  }
0x21a: {  	[sflag:s28] =	ssyncset.done $0x0  }
0x21b: {  	s30 =	rddreg [dreg:$0xc];
	[sflag:s28] =	ssyncadd.s32 $0xFFFF8000  }
0x21c: {  	[hbm4b:s30+s4] =	stream.linear.scatter [tilespmem:s25], [sflag:$0x3], $0xC80, $0x38;
	[tilespmem:$0x14E80] =	vst v63  }
0x21d: {  	_ =	swait.ge [sflag:s15], $0xC80  }
0x21e: {  	s29 =	sadd.s32 $0x1, s29;
	s31 =	rddreg [dreg:$0xd]  }
0x21f: {  	p0 =	sne.s32 s29, s31  }
.Ltmp4:
0x220: {  	_ = 	snop;
	(pc) =	sbr.rel @p0 .LBB2_1-.Ltmp4, $3  }
0x221: {  	_ =	sdelay $0x1  }
0x222: {  	[sflag:s15] =	ssyncset.done $0x0  }
0x223: {  	[sflag:s15] =	ssyncadd.s32 $0xFFFFF380  }
0x224: {  	_ =	sfence.sel $0x180000  }
0x225: {  	[bflag:$0x0] =	sbarrier.arrive $0xFFFF  }
0x226: {  	_ =	strace $0x90000047  }
0x227: {  	s0 =	stileid.u32;
	[bflag:$0x2] =	sbarrier.arrive $0xFFFF  }
0x228: {  	p0 =	sne.s32 s0, $0x0;
	s0 =	rddreg [dreg:$0x3]  }
0x229: {  	s0 =	sadd.s32 @!p0 $0x100000, s0  }
0x22a: {  	[sflag:s0] =	ssyncadd.tile.s32 @!p0 $0x1;
	_ =	shalt  }
.Lfunc_end2:
_tile_overlayer_lowered:
.L_overlay_start_2:
0x22b: {  	(tag) =	ssettag $0x2  }
0x22c: {  	s0 =	rddreg [dreg:$0x0];
	s2 =	stileid.u32  }
0x22d: {  	s1 =	rddreg [dreg:$0x1];
	p0 =	sne.s32 s2, $0x0  }
0x22e: {  	s3 =	rddreg [dreg:$0x2];
	[bflag:$0x3] =	sbarrier.arrive $0xFFFF;
	s2 =	simm.s32 @!p0 $0x1C03  }
0x22f: {  	[timem:s3], [sflag:s2] =	dma.local @!p0 [hbm:s0], s1  }
0x230: {  	s0 =	simm.s32 @!p0 $0x3  }
0x231: {  	_ =	swait.ge @!p0 [sflag:s0], s1  }
0x232: {  	s1 =	ssub.s32 @!p0 $0x0, s1;
	[sflag:s0] =	ssyncset.done @!p0 $0x0  }
0x233: {  	[sflag:s0] =	ssyncadd.s32 @!p0 s1  }
0x234: {  	[bflag:$0x3] =	sbarrier.arrive $0xFFFF  }
0x235: {  	_ =	shalt  }

// kernel: kernel.8.cloned.1.call-start
scs
__scs_entry_jumppad:
0x0: {  	(pc) =	sbr.rel $0x88, $3  }
0x1: {  	(tag) =	ssettag $0x0;
	lr =	simm.s32 $0x1  }
0x2: {  	[smem:$0x3F98] =	sst lr;
	_ =	strace $0xD0000000  }
0x3: {  	_ = 	snop  }
0x4: {  	_ = 	snop  }
0x5: {  	_ = 	snop  }
0x6: {  	_ = 	snop  }
0x7: {  	_ = 	snop  }
__scs_overlays_trampoline_lowered:
0x8: {  	[smem:$0x3FA7] =	sst s0  }
0x9: {  	[smem:$0x3FA8] =	sst s1  }
0xa: {  	[smem:$0x3FA9] =	sst s2  }
0xb: {  	[smem:$0x3FAA] =	sst s3  }
0xc: {  	[smem:$0x3FAB] =	sst s4  }
0xd: {  	[smem:$0x3FAC] =	sst s5  }
0xe: {  	[smem:$0x3FAD] =	sst s6  }
0xf: {  	[smem:$0x3FAE] =	sst s7  }
0x10: {  	[smem:$0x3FAF] =	sst s8  }
0x11: {  	[smem:$0x3FB0] =	sst s9;
	s0 =	simm.s32 @!p0 $0x0  }
0x12: {  	s1 =	sld [smem:$0x3F96];
	s0 =	simm.s32 @p0 $0x1  }
0x13: {  	[smem:$0x3FB1] =	sst s0;
	s0 =	simm.s32 @!p1 $0x0  }
0x14: {  	s2 =	sld [smem:$0x3F95];
	s0 =	simm.s32 @p1 $0x1  }
0x15: {  	[smem:$0x3FB2] =	sst s0;
	s0 =	simm.s32 @!p2 $0x0  }
0x16: {  	s3 =	sld [smem:$0x3FDB];
	s0 =	simm.s32 @p2 $0x1  }
0x17: {  	s4 =	simm.s32 $0x1BF5;
	[smem:$0x3FB4] =	sst s0  }
0x18: {  	s0 =	sld [smem:$0x3F97];
	_ =	swait.ge [sflag:s4], $0x0  }
0x19: {  	s7 =	sld [smem:$0x3F98]  }
0x1a: {  	s8 =	sadd.s32 $0xFFFFE003, lr  }
0x1b: {  	s9 =	sadd.s32 $0xFFFFFEF7, lr;
	s5 =	simm.s32 $0xFFFFFFFF;
	p2 =	slt.u32 s8, $0xFFFFF086  }
0x1c: {  	p1 =	slt.u32 s9, $0xF7A;
	s5 =	simm.s32 @!p2 $0x0  }
0x1d: {  	s5 =	simm.s32 @p1 $0x1;
	p0 =	seq.s32 s7, s2  }
0x1e: {  	s7 =	smul.u32 @!p0 $0xF7A, s2;
	p2 =	seq.s32 @!p0 s5, $0x0  }
0x1f: {  	s9 =	smul.u32 $0xF7A, s1;
	s8 =	simm.s32 @!p0 $0x1BF5;
	p2 =	por !p2, p0  }
0x20: {  	[sflag:s8] =	ssyncset.s32 @!p0 $0xFFFFF086;
	s6 =	sadd.s32 @!p0 s3, s7;
	s7 =	simm.s32 @!p0 $0x108  }
0x21: {  	s3 =	sadd.s32 s3, s9;
	s6 =	sadd.s32 @!p0 $0x88, s6;
	s7 =	simm.s32 @p2 $0x1082  }
0x22: {  	[simem:s7], [sflag:s8] =	dma.local @!p0 [hbm:s6], $0xF7A  }
0x23: {  	s9 =	sor.u32 $0xD0000000, s2;
	s6 =	simm.s32 $0x108;
	_ =	swait.ge @!p0 [sflag:s8], $0x0  }
0x24: {  	s3 =	sadd.s32 $0x88, s3;
	s6 =	simm.s32 @!p1 $0x1082;
	[sflag:s4] =	ssyncset.s32 $0xFFFFF086  }
0x25: {  	[simem:s6], [sflag:s4] =	dma.local [hbm:s3], $0xF7A  }
0x26: {  	[smem:$0x3F98] =	sst s1;
	(tag) =	ssettag s2;
	_ =	strace s9  }
0x27: {  	s1 =	sld [smem:$0x3FA8]  }
0x28: {  	s2 =	sld [smem:$0x3FA9]  }
0x29: {  	s4 =	sld [smem:$0x3FAB]  }
0x2a: {  	p0 =	seq.s32 s5, $0x0;
	s5 =	sld [smem:$0x3FAC]  }
0x2b: {  	s6 =	sld [smem:$0x3FAD]  }
0x2c: {  	s7 =	sld [smem:$0x3FAE]  }
0x2d: {  	s3 =	simm.s32 $0x108;
	s8 =	sld [smem:$0x3FAF]  }
0x2e: {  	s3 =	simm.s32 @!p0 $0x1082;
	s9 =	sld [smem:$0x3FB0]  }
0x2f: {  	lr =	sadd.s32 s0, s3;
	s0 =	sld [smem:$0x3FA7]  }
0x30: {  	s3 =	sld [smem:$0x3FAA]  }
0x31: {  	[smem:$0x3FB3] =	sst s10  }
0x32: {  	s10 =	sld [smem:$0x3FB1];
	_ =	sdelay $0x3  }
0x33: {  	p0 =	seq.s32 s10, $0x1;
	s10 =	sld [smem:$0x3FB3];
	_ =	sdelay $0x3  }
0x34: {  	[smem:$0x3FB3] =	sst s10  }
0x35: {  	s10 =	sld [smem:$0x3FB2];
	_ =	sdelay $0x3  }
0x36: {  	p1 =	seq.s32 s10, $0x1;
	s10 =	sld [smem:$0x3FB3];
	_ =	sdelay $0x3  }
0x37: {  	[smem:$0x3FB3] =	sst s10  }
0x38: {  	s10 =	sld [smem:$0x3FB4]  }
0x39: {  	_ = 	snop;
	(pc) =	sbr.ind lr, $3  }
0x3a: {  	_ = 	snop  }
0x3b: {  	_ = 	snop  }
0x3c: {  	p2 =	seq.s32 s10, $0x1;
	s10 =	sld [smem:$0x3FB3]  }
0x3d: {  	_ =	shalt  }
0x3e: {  	_ =	shalt  }
0x3f: {  	_ =	shalt  }
0x40: {  	_ =	shalt  }
0x41: {  	_ =	shalt  }
0x42: {  	_ =	shalt  }
0x43: {  	_ =	shalt  }
0x44: {  	_ =	shalt  }
0x45: {  	_ =	shalt  }
0x46: {  	_ =	shalt  }
0x47: {  	_ =	shalt  }
0x48: {  	_ =	shalt  }
0x49: {  	_ =	shalt  }
0x4a: {  	_ =	shalt  }
0x4b: {  	_ =	shalt  }
0x4c: {  	_ =	shalt  }
0x4d: {  	_ =	shalt  }
0x4e: {  	_ =	shalt  }
0x4f: {  	_ =	shalt  }
0x50: {  	_ =	shalt  }
0x51: {  	_ =	shalt  }
0x52: {  	_ =	shalt  }
0x53: {  	_ =	shalt  }
0x54: {  	_ =	shalt  }
0x55: {  	_ =	shalt  }
0x56: {  	_ =	shalt  }
0x57: {  	_ =	shalt  }
0x58: {  	_ =	shalt  }
0x59: {  	_ =	shalt  }
0x5a: {  	_ =	shalt  }
0x5b: {  	_ =	shalt  }
0x5c: {  	_ =	shalt  }
0x5d: {  	_ =	shalt  }
0x5e: {  	_ =	shalt  }
0x5f: {  	_ =	shalt  }
0x60: {  	_ =	shalt  }
0x61: {  	_ =	shalt  }
0x62: {  	_ =	shalt  }
0x63: {  	_ =	shalt  }
0x64: {  	_ =	shalt  }
0x65: {  	_ =	shalt  }
0x66: {  	_ =	shalt  }
0x67: {  	_ =	shalt  }
0x68: {  	_ =	shalt  }
0x69: {  	_ =	shalt  }
0x6a: {  	_ =	shalt  }
0x6b: {  	_ =	shalt  }
0x6c: {  	_ =	shalt  }
0x6d: {  	_ =	shalt  }
0x6e: {  	_ =	shalt  }
0x6f: {  	_ =	shalt  }
0x70: {  	_ =	shalt  }
0x71: {  	_ =	shalt  }
0x72: {  	_ =	shalt  }
0x73: {  	_ =	shalt  }
0x74: {  	_ =	shalt  }
0x75: {  	_ =	shalt  }
0x76: {  	_ =	shalt  }
0x77: {  	_ =	shalt  }
0x78: {  	_ =	shalt  }
0x79: {  	_ =	shalt  }
0x7a: {  	_ =	shalt  }
0x7b: {  	_ =	shalt  }
0x7c: {  	_ =	shalt  }
0x7d: {  	_ =	shalt  }
0x7e: {  	_ =	shalt  }
0x7f: {  	_ =	shalt  }
0x80: {  	_ =	shalt  }
0x81: {  	_ =	shalt  }
0x82: {  	_ =	shalt  }
0x83: {  	_ =	shalt  }
0x84: {  	_ =	shalt  }
0x85: {  	_ =	shalt  }
0x86: {  	_ =	shalt  }
0x87: {  	_ =	shalt  }
.Lfunc_end0:
.L_simem_size_0:
called_computation.1_lowered:
.L_overlay_start_0:
0x88: {  	s2 =	sld [smem:$0x3FD9]  }
0x89: {  	s3 =	sld [smem:$0x3FFE];
	_ =	sdelay $0x1  }
0x8a: {  	s1 =	srdreg.scid  }
0x8b: {  	s0 =	sand.u32 $0x1, s1  }
0x8c: {  	s14 =	sshll.u32 s0, $0xA;
	s2 =	sadd.s32 s3, s2  }
0x8d: {  	s2 =	sadd.s32 s2, s14  }
0x8e: {  	[smem:$0x3FBF] =	sst s2  }
0x8f: {  	_ = 	snop  }
0x90: {  	s2 =	sld [smem:$0x3FD0];
	_ =	sdelay $0x1  }
0x91: {  	s15 =	sld [smem:$0x3FC9]  }
0x92: {  	s5 =	simm.s32 $0xA;
	s6 =	simm.s32 $0x10;
	s4 =	sld [smem:$0x3FC7]  }
0x93: {  	[smem:s6], [sflag:s5] =	dma.local [hbm:s2], $0x1  }
0x94: {  	_ =	swait.eq [sflag:s5], $0x1  }
0x95: {  	[sflag:s5] =	ssyncset.done $0x0  }
0x96: {  	s16 =	sld [smem:$0x10];
	[sflag:s5] =	ssyncadd.s32 $0xFFFFFFFF  }
0x97: {  	s17 =	sld [smem:$0x11];
	(tm) =	ssettm $0x1  }
0x98: {  	s18 =	sld [smem:$0x3FFB];
	_ =	sdelay $0x3  }
0x99: {  	_ =	strace s18  }
0x9a: {  	s6 =	sld [smem:$0x3FFC];
	_ =	sdelay $0x3  }
0x9b: {  	_ =	strace s6  }
0x9c: {  	s6 =	sld [smem:$0x3FFD];
	_ =	sdelay $0x3  }
0x9d: {  	_ =	strace s6  }
0x9e: {  	_ =	strace $0x8FFFFFFF  }
0x9f: {  	s19 =	sld [smem:$0x3FDB];
	_ =	sdelay $0x1  }
0xa0: {  	s7 =	simm.s32 $_scs_section_size  }
0xa1: {  	s8 =	simm.s32 $_size__tile_overlayer_lowered;
	s9 =	simm.s32 $_tile_overlayer_lowered  }
0xa2: {  	s22 =	simm.s32 $0x1BFF;
	s21 =	sshll.u32 s9, $0x1;
	s6 =	sadd.s32 s7, s19  }
0xa3: {  	s10 =	simm.s32 $0x0;
	s20 =	sshll.u32 s8, $0x1;
	s8 =	sadd.s32 s21, s6  }
0xa4: {  	[timem:s10], [sflag:s22] =	dma.local [hbm:s8], s20  }
0xa5: {  	_ =	swait.ge [sflag:s22], s20  }
0xa6: {  	s7 =	ssub.s32 $0x0, s20;
	[sflag:s22] =	ssyncset.done $0x0  }
0xa7: {  	[sflag:s22] =	ssyncadd.s32 s7;
	_ =	sdelay $0x1  }
0xa8: {  	s23 =	simm.s32 $0x1B8B  }
0xa9: {  	_ =	swait.ge [sflag:s23], $0x1  }
0xaa: {  	[sflag:s23] =	ssyncset.done $0x0  }
0xab: {  	s25 =	simm.s32 $0x1B8E;
	s24 =	sld [smem:$0x3FFE];
	[sflag:s23] =	ssyncadd.s32 $0xFFFFFFFF  }
0xac: {  	s26 =	simm.s32 $execute0_lowered;
	[smem:$0x3FD2] =	sst s25  }
0xad: {  	s8 =	sshll.u32 s26, $0x1;
	_ =	strace $0x80000049;
	[dreg:$0x1] =	wrdreg $0xFFFFFFFF  }
0xae: {  	s28 =	simm.s32 $_size_execute0_lowered;
	s6 =	sadd.s32 s6, s8;
	[dreg:$0x0] =	wrdreg $0x0  }
0xaf: {  	s8 =	sshll.u32 s28, $0x1;
	[dreg:$0x2] =	wrdreg s6  }
0xb0: {  	[dreg:$0x3] =	wrdreg s8  }
0xb1: {  	[dreg:$0x4] =	wrdreg $0xC0  }
0xb2: {  	_ =	task [dreg:s10], $0x5FFFF  }
0xb3: {  	[dreg:$0x1] =	wrdreg $0xFFFFFFFF  }
0xb4: {  	[dreg:$0x0] =	wrdreg $0x60  }
0xb5: {  	[dreg:$0x2] =	wrdreg s15  }
0xb6: {  	[dreg:$0x3] =	wrdreg s24  }
0xb7: {  	[dreg:$0x4] =	wrdreg s4  }
0xb8: {  	[dreg:$0x5] =	wrdreg s16  }
0xb9: {  	[dreg:$0x6] =	wrdreg s17  }
0xba: {  	[dreg:$0x7] =	wrdreg $0x9  }
0xbb: {  	_ =	task.clear_ibuf [dreg:s10], $0x8FFFF;
	_ =	strace $0x90000049  }
0xbc: {  	s29 =	simm.s32 $0x9;
	_ =	strace $0x8000004B  }
0xbd: {  	_ =	swait.ge [sflag:s29], $0x1  }
0xbe: {  	[sflag:s29] =	ssyncadd.s32 $0xFFFFFFFF  }
0xbf: {  	_ =	strace $0x9000004B  }
0xc0: {  	_ =	sfence  }
0xc1: {  	s30 =	sld [smem:$0x0];
	_ =	sdelay $0x2  }
0xc2: {  	s31 =	sshll.u32 s1, $0xD;
	s1 =	sshrl.u32 s1, $0x2  }
0xc3: {  	s3 =	sand.u32 $0x4000, s31;
	s1 =	sadd.s32 s1, s30  }
0xc4: {  	s0 =	sor.u32 s3, s0;
	s1 =	sshll.u32 s1, $0x11  }
0xc5: {  	s0 =	sor.u32 s1, s0  }
0xc6: {  	s0 =	sadd.s32 $0x8F2B, s0  }
0xc7: {  	[sflag:s0] =	ssyncadd.remote.s32 $0x1  }
0xc8: {  	_ =	sfence.sel $0xFFFF  }
0xc9: {  	[dreg:$0x0] =	wrdreg $0xFFFFFFFF;
	(pc) =	sbr.abs _section_cstart, $3  }
0xca: {  	[dreg:$0x1] =	wrdreg $0xFFFFFFFF  }
0xcb: {  	_ =	task.clear_ibuf [dreg:s10], $0x2FFFF;
	_ =	strace $0x9FFFFFFF  }
0xcc: {  	(tm) =	ssettm $0x7FFFFFFF  }
0xcd: {  	_ =	shalt  }
tec
execute0_lowered:
.L_overlay_start_1:
0x0: {  	(tag) =	ssettag $0x1  }
0x1: {  	s0 =	rddreg [dreg:$0x0]  }
0x2: {  	s1 =	rddreg [dreg:$0x1];
	s2 =	srdreg.scid  }
0x3: {  	s3 =	rddreg [dreg:$0x3];
	s4 =	stileid.u32  }
0x4: {  	s5 =	simm.s32 $0x0;
	s10 =	simm.s32 $0x4;
	s11 =	simm.s32 $0x80  }
0x5: {  	s18 =	simm.s32 $0x1;
	s14 =	simm.s32 $0x3;
	s28 =	simm.s32 $0x5C00  }
0x6: {  	s29 =	simm.s32 $0x6400;
	s30 =	simm.s32 $0x6C00;
	s2 =	sand.u32 $0x1, s2  }
0x7: {  	s31 =	simm.s32 $0x7400;
	s4 =	sshll.u32 s4, $0x7;
	s6 =	sshll.u32 s2, $0x6  }
0x8: {  	[smem:$0x7FF] =	sst s5;
	s25 =	sadd.s32 $0x81A00, s1;
	s4 =	sor.u32 s6, s4  }
0x9: {  	s8 =	sadd.s32 $0x1A00, s1;
	_ =	strace $0x8000004A;
	s6 =	sadd.s32 s0, s4  }
0xa: {  	s2 =	ssub.s32 $0x2, s2;
	s0 =	sadd.s32 $0x10, s6;
	[dreg:$0x9] =	wrdreg s6  }
0xb: {  	v2 =	vlaneseq.u32;
	s23 =	sshrl.u32 s2, $0x1;
	s22 =	sadd.s32 $0x20, s6;
	[dreg:$0x6] =	wrdreg s0  }
0xc: {  	vm0 =	vmmov $0xffff;
	v1 =	vshrl.u32 v2, $0x3;
	s26 =	ssub.s32 s2, s23;
	s24 =	sadd.s32 $0x30, s6;
	[dreg:$0x7] =	wrdreg s22  }
0xd: {  	v0 =	vand.u32 $0x7, v2;
	v2 =	vor.u32 $0x8, v2;
	v1 =	vmul.u32 $0x8, v1;
	s9 =	smax.u32 s26, $0x1;
	[dreg:$0x8] =	wrdreg s24;
	s0 =	simm.s32 $0x2  }
.LBB2_1:
0xe: {  	s15 =	rddreg [dreg:$0x9]  }
0xf: {  	[tilespmem:s5], [sflag:$0x4] =	stream.linear.gather [hbm4b:s15+s5], $0x80, $0x38;
	[tilespmem:$0x10600] =	vst v63  }
0x10: {  	_ =	swait.ge [sflag:s10], $0x80  }
0x11: {  	[sflag:s10] =	ssyncset.done $0x0  }
0x12: {  	s6 =	rddreg [dreg:$0x6];
	[sflag:s10] =	ssyncadd.s32 $0xFFFFFF80  }
0x13: {  	[tilespmem:s11], [sflag:$0x4] =	stream.linear.gather [hbm4b:s6+s5], $0x80, $0x38;
	[tilespmem:$0x10600] =	vst v63  }
0x14: {  	_ =	swait.ge [sflag:s10], $0x80  }
0x15: {  	[sflag:s10] =	ssyncset.done $0x0  }
0x16: {  	s1 =	simm.s32 $0x100;
	s7 =	rddreg [dreg:$0x7];
	[sflag:s10] =	ssyncadd.s32 $0xFFFFFF80  }
0x17: {  	[tilespmem:s1], [sflag:$0x4] =	stream.linear.gather [hbm4b:s7+s5], $0x80, $0x38;
	[tilespmem:$0x10600] =	vst v63  }
0x18: {  	_ =	swait.ge [sflag:s10], $0x80  }
0x19: {  	[sflag:s10] =	ssyncset.done $0x0  }
0x1a: {  	s13 =	simm.s32 $0x180;
	s12 =	rddreg [dreg:$0x8];
	[sflag:s10] =	ssyncadd.s32 $0xFFFFFF80  }
0x1b: {  	[tilespmem:s13], [sflag:$0x4] =	stream.linear.gather [hbm4b:s12+s5], $0x80, $0x38;
	[tilespmem:$0x10600] =	vst v63  }
0x1c: {  	_ =	swait.ge [sflag:s10], $0x80  }
0x1d: {  	[sflag:s10] =	ssyncset.done $0x0  }
0x1e: {  	s19 =	simm.s32 $0x200;
	[sflag:s10] =	ssyncadd.s32 $0xFFFFFF80  }
0x1f: {  	[tilespmem:s19], [sflag:$0x1] =	stream.indirect.gather [hbm4b:s25+s11], $0x1, s5, s11, $0xb8;
	[tilespmem:$0x10600] =	vst v63  }
0x20: {  	s20 =	simm.s32 $0x280  }
0x21: {  	[tilespmem:s20], [sflag:$0x1] =	stream.indirect.gather [hbm4b:s25+s11], $0x1, s11, s11, $0xb8;
	[tilespmem:$0x10600] =	vst v63  }
0x22: {  	s2 =	simm.s32 $0x100;
	s21 =	simm.s32 $0x300  }
0x23: {  	[tilespmem:s21], [sflag:$0x1] =	stream.indirect.gather [hbm4b:s25+s11], $0x1, s2, s11, $0xb8;
	[tilespmem:$0x10600] =	vst v63  }
0x24: {  	s22 =	simm.s32 $0x380  }
0x25: {  	[tilespmem:s22], [sflag:$0x1] =	stream.indirect.gather [hbm4b:s25+s11], $0x1, s13, s11, $0xb8;
	[tilespmem:$0x10600] =	vst v63  }
0x26: {  	_ =	swait.ge [sflag:s18], $0x80  }
0x27: {  	[sflag:s18] =	ssyncset.done $0x0  }
0x28: {  	[sflag:s18] =	ssyncadd.s32 $0xFFFFFF80  }
0x29: {  	_ =	swait.ge [sflag:s18], $0x80  }
0x2a: {  	[sflag:s18] =	ssyncset.done $0x0  }
0x2b: {  	[sflag:s18] =	ssyncadd.s32 $0xFFFFFF80  }
0x2c: {  	_ =	swait.ge [sflag:s18], $0x80  }
0x2d: {  	[sflag:s18] =	ssyncset.done $0x0  }
0x2e: {  	[sflag:s18] =	ssyncadd.s32 $0xFFFFFF80  }
0x2f: {  	_ =	swait.ge [sflag:s18], $0x80  }
0x30: {  	[sflag:s18] =	ssyncset.done $0x0  }
0x31: {  	[sflag:s18] =	ssyncadd.s32 $0xFFFFFF80  }
0x32: {  	s17 =	simm.s32 $0x10400;
	s16 =	rddreg [dreg:$0x2]  }
0x33: {  	[tilespmem:s17], [sflag:$0x3] =	stream.indirect.gather [hbm4b:s16+s11], $0x1, s19, s11, $0xb8;
	[tilespmem:$0x10600] =	vst v63  }
0x34: {  	s19 =	simm.s32 $0x10480  }
0x35: {  	[tilespmem:s19], [sflag:$0x3] =	stream.indirect.gather [hbm4b:s16+s11], $0x1, s20, s11, $0xb8;
	[tilespmem:$0x10600] =	vst v63  }
0x36: {  	s23 =	simm.s32 $0x10500  }
0x37: {  	[tilespmem:s23], [sflag:$0x3] =	stream.indirect.gather [hbm4b:s16+s11], $0x1, s21, s11, $0xb8;
	[tilespmem:$0x10600] =	vst v63  }
0x38: {  	s24 =	simm.s32 $0x10580  }
0x39: {  	[tilespmem:s24], [sflag:$0x3] =	stream.indirect.gather [hbm4b:s16+s11], $0x1, s22, s11, $0xb8;
	[tilespmem:$0x10600] =	vst v63  }
0x3a: {  	v3 =	vld [tilespmem:$0x200];
	_ =	sdelay $0x4  }
0x3b: {  	v4 =	vshll.u32 v3, $0x1  }
0x3c: {  	v3 =	vand.u32 $0x7, v3;
	v4 =	vand.u32 $0xFFFFFFF0, v4  }
0x3d: {  	v3 =	vor.u32 v3, v4  }
0x3e: {  	v4 =	vperm.xlane v3, v0;
	_ =	sdelay $0x1  }
0x3f: {  	v3 =	vperm.xlane v3, v2;
	v4 =	vadd.s32 v1, v4;
	_ =	sdelay $0x1  }
0x40: {  	v3 =	vadd.s32 v1, v3;
	_ =	sdelay $0x1  }
0x41: {  	s26 =	simm.s32 $0x400  }
0x42: {  	[tilespmem:s26], [sflag:$0x1] =	stream.indirect_vreg.gather [hbm4b:s8+s5], $0x80, v4, vm0, $0xb8;
	[tilespmem:$0x10600] =	vst v63  }
0x43: {  	s2 =	simm.s32 $0xC00  }
0x44: {  	[tilespmem:s2], [sflag:$0x1] =	stream.indirect_vreg.gather [hbm4b:s8+s5], $0x80, v3, vm0, $0xb8;
	[tilespmem:$0x10600] =	vst v63  }
0x45: {  	v3 =	vld [tilespmem:$0x210];
	_ =	sdelay $0x4  }
0x46: {  	v57 =	vshll.u32 v3, $0x1  }
0x47: {  	v3 =	vand.u32 $0x7, v3;
	v4 =	vand.u32 $0xFFFFFFF0, v57  }
0x48: {  	v3 =	vor.u32 v3, v4  }
0x49: {  	v4 =	vperm.xlane v3, v0;
	_ =	sdelay $0x1  }
0x4a: {  	v3 =	vperm.xlane v3, v2;
	v4 =	vadd.s32 v1, v4;
	_ =	sdelay $0x1  }
0x4b: {  	v3 =	vadd.s32 v1, v3;
	_ =	sdelay $0x1  }
0x4c: {  	s4 =	simm.s32 $0x1400  }
0x4d: {  	[tilespmem:s4], [sflag:$0x1] =	stream.indirect_vreg.gather [hbm4b:s8+s5], $0x80, v4, vm0, $0xb8;
	[tilespmem:$0x10600] =	vst v63  }
0x4e: {  	s6 =	simm.s32 $0x1C00  }
0x4f: {  	[tilespmem:s6], [sflag:$0x1] =	stream.indirect_vreg.gather [hbm4b:s8+s5], $0x80, v3, vm0, $0xb8;
	[tilespmem:$0x10600] =	vst v63  }
0x50: {  	v3 =	vld [tilespmem:$0x220];
	_ =	sdelay $0x4  }
0x51: {  	v58 =	vshll.u32 v3, $0x1  }
0x52: {  	v3 =	vand.u32 $0x7, v3;
	v4 =	vand.u32 $0xFFFFFFF0, v58  }
0x53: {  	v3 =	vor.u32 v3, v4  }
0x54: {  	v4 =	vperm.xlane v3, v0;
	_ =	sdelay $0x1  }
0x55: {  	v3 =	vperm.xlane v3, v2;
	v4 =	vadd.s32 v1, v4;
	_ =	sdelay $0x1  }
0x56: {  	v3 =	vadd.s32 v1, v3;
	_ =	sdelay $0x1  }
0x57: {  	s7 =	simm.s32 $0x2400  }
0x58: {  	[tilespmem:s7], [sflag:$0x1] =	stream.indirect_vreg.gather [hbm4b:s8+s5], $0x80, v4, vm0, $0xb8;
	[tilespmem:$0x10600] =	vst v63  }
0x59: {  	s12 =	simm.s32 $0x2C00  }
0x5a: {  	[tilespmem:s12], [sflag:$0x1] =	stream.indirect_vreg.gather [hbm4b:s8+s5], $0x80, v3, vm0, $0xb8;
	[tilespmem:$0x10600] =	vst v63  }
0x5b: {  	v3 =	vld [tilespmem:$0x230];
	_ =	sdelay $0x4  }
0x5c: {  	v59 =	vshll.u32 v3, $0x1  }
0x5d: {  	v3 =	vand.u32 $0x7, v3;
	v4 =	vand.u32 $0xFFFFFFF0, v59  }
0x5e: {  	v3 =	vor.u32 v3, v4  }
0x5f: {  	v4 =	vperm.xlane v3, v0;
	_ =	sdelay $0x1  }
0x60: {  	v3 =	vperm.xlane v3, v2;
	v4 =	vadd.s32 v1, v4;
	_ =	sdelay $0x1  }
0x61: {  	v3 =	vadd.s32 v1, v3;
	_ =	sdelay $0x1  }
0x62: {  	s13 =	simm.s32 $0x3400  }
0x63: {  	[tilespmem:s13], [sflag:$0x1] =	stream.indirect_vreg.gather [hbm4b:s8+s5], $0x80, v4, vm0, $0xb8;
	[tilespmem:$0x10600] =	vst v63  }
0x64: {  	s15 =	simm.s32 $0x3C00  }
0x65: {  	[tilespmem:s15], [sflag:$0x1] =	stream.indirect_vreg.gather [hbm4b:s8+s5], $0x80, v3, vm0, $0xb8;
	[tilespmem:$0x10600] =	vst v63  }
0x66: {  	v3 =	vld [tilespmem:$0x240];
	_ =	sdelay $0x4  }
0x67: {  	v60 =	vshll.u32 v3, $0x1  }
0x68: {  	v3 =	vand.u32 $0x7, v3;
	v4 =	vand.u32 $0xFFFFFFF0, v60  }
0x69: {  	v3 =	vor.u32 v3, v4  }
0x6a: {  	v4 =	vperm.xlane v3, v0;
	_ =	sdelay $0x1  }
0x6b: {  	v3 =	vperm.xlane v3, v2;
	v4 =	vadd.s32 v1, v4;
	_ =	sdelay $0x1  }
0x6c: {  	v3 =	vadd.s32 v1, v3;
	_ =	sdelay $0x1  }
0x6d: {  	s16 =	simm.s32 $0x4400  }
0x6e: {  	[tilespmem:s16], [sflag:$0x1] =	stream.indirect_vreg.gather [hbm4b:s8+s5], $0x80, v4, vm0, $0xb8;
	[tilespmem:$0x10600] =	vst v63  }
0x6f: {  	s17 =	simm.s32 $0x4C00  }
0x70: {  	[tilespmem:s17], [sflag:$0x1] =	stream.indirect_vreg.gather [hbm4b:s8+s5], $0x80, v3, vm0, $0xb8;
	[tilespmem:$0x10600] =	vst v63  }
0x71: {  	v3 =	vld [tilespmem:$0x250];
	_ =	sdelay $0x4  }
0x72: {  	v61 =	vshll.u32 v3, $0x1  }
0x73: {  	v3 =	vand.u32 $0x7, v3;
	v4 =	vand.u32 $0xFFFFFFF0, v61  }
0x74: {  	v3 =	vor.u32 v3, v4  }
0x75: {  	v4 =	vperm.xlane v3, v0;
	_ =	sdelay $0x1  }
0x76: {  	v3 =	vperm.xlane v3, v2;
	v4 =	vadd.s32 v1, v4;
	_ =	sdelay $0x1  }
0x77: {  	v3 =	vadd.s32 v1, v3;
	_ =	sdelay $0x1  }
0x78: {  	s19 =	simm.s32 $0x5400  }
0x79: {  	[tilespmem:s19], [sflag:$0x1] =	stream.indirect_vreg.gather [hbm4b:s8+s5], $0x80, v4, vm0, $0xb8;
	[tilespmem:$0x10600] =	vst v63  }
0x7a: {  	_ = 	snop  }
0x7b: {  	[tilespmem:s28], [sflag:$0x1] =	stream.indirect_vreg.gather [hbm4b:s8+s5], $0x80, v3, vm0, $0xb8;
	[tilespmem:$0x10600] =	vst v63  }
0x7c: {  	v3 =	vld [tilespmem:$0x260];
	_ =	sdelay $0x4  }
0x7d: {  	v62 =	vshll.u32 v3, $0x1  }
0x7e: {  	v3 =	vand.u32 $0x7, v3;
	v4 =	vand.u32 $0xFFFFFFF0, v62  }
0x7f: {  	v3 =	vor.u32 v3, v4  }
0x80: {  	v4 =	vperm.xlane v3, v0;
	_ =	sdelay $0x1  }
0x81: {  	v3 =	vperm.xlane v3, v2;
	v4 =	vadd.s32 v1, v4;
	_ =	sdelay $0x1  }
0x82: {  	v3 =	vadd.s32 v1, v3;
	_ =	sdelay $0x2  }
0x83: {  	[tilespmem:s29], [sflag:$0x1] =	stream.indirect_vreg.gather [hbm4b:s8+s5], $0x80, v4, vm0, $0xb8;
	[tilespmem:$0x10600] =	vst v63  }
0x84: {  	_ = 	snop  }
0x85: {  	[tilespmem:s30], [sflag:$0x1] =	stream.indirect_vreg.gather [hbm4b:s8+s5], $0x80, v3, vm0, $0xb8;
	[tilespmem:$0x10600] =	vst v63  }
0x86: {  	v3 =	vld [tilespmem:$0x270];
	_ =	sdelay $0x4  }
0x87: {  	v63 =	vshll.u32 v3, $0x1  }
0x88: {  	v3 =	vand.u32 $0x7, v3;
	v4 =	vand.u32 $0xFFFFFFF0, v63  }
0x89: {  	v3 =	vor.u32 v3, v4  }
0x8a: {  	v4 =	vperm.xlane v3, v0;
	_ =	sdelay $0x1  }
0x8b: {  	v3 =	vperm.xlane v3, v2;
	v4 =	vadd.s32 v1, v4;
	_ =	sdelay $0x1  }
0x8c: {  	v3 =	vadd.s32 v1, v3;
	_ =	sdelay $0x2  }
0x8d: {  	[tilespmem:s31], [sflag:$0x1] =	stream.indirect_vreg.gather [hbm4b:s8+s5], $0x80, v4, vm0, $0xb8;
	[tilespmem:$0x10600] =	vst v63  }
0x8e: {  	s20 =	simm.s32 $0x7C00  }
0x8f: {  	[tilespmem:s20], [sflag:$0x1] =	stream.indirect_vreg.gather [hbm4b:s8+s5], $0x80, v3, vm0, $0xb8;
	[tilespmem:$0x10600] =	vst v63  }
0x90: {  	v3 =	vld [tilespmem:$0x280];
	_ =	sdelay $0x4  }
0x91: {  	v8 =	vshll.u32 v3, $0x1  }
0x92: {  	v3 =	vand.u32 $0x7, v3;
	v4 =	vand.u32 $0xFFFFFFF0, v8  }
0x93: {  	v3 =	vor.u32 v3, v4  }
0x94: {  	v4 =	vperm.xlane v3, v0;
	_ =	sdelay $0x1  }
0x95: {  	v3 =	vperm.xlane v3, v2;
	v4 =	vadd.s32 v1, v4;
	_ =	sdelay $0x1  }
0x96: {  	v3 =	vadd.s32 v1, v3;
	_ =	sdelay $0x1  }
0x97: {  	s16 =	simm.s32 $0x8400  }
0x98: {  	[tilespmem:s16], [sflag:$0x1] =	stream.indirect_vreg.gather [hbm4b:s8+s5], $0x80, v4, vm0, $0xb8;
	[tilespmem:$0x10600] =	vst v63  }
0x99: {  	s21 =	simm.s32 $0x8C00  }
0x9a: {  	[tilespmem:s21], [sflag:$0x1] =	stream.indirect_vreg.gather [hbm4b:s8+s5], $0x80, v3, vm0, $0xb8;
	[tilespmem:$0x10600] =	vst v63  }
0x9b: {  	v3 =	vld [tilespmem:$0x290];
	_ =	sdelay $0x4  }
0x9c: {  	v9 =	vshll.u32 v3, $0x1  }
0x9d: {  	v3 =	vand.u32 $0x7, v3;
	v4 =	vand.u32 $0xFFFFFFF0, v9  }
0x9e: {  	v3 =	vor.u32 v3, v4  }
0x9f: {  	v4 =	vperm.xlane v3, v0;
	_ =	sdelay $0x1  }
0xa0: {  	v3 =	vperm.xlane v3, v2;
	v4 =	vadd.s32 v1, v4;
	_ =	sdelay $0x1  }
0xa1: {  	v3 =	vadd.s32 v1, v3;
	_ =	sdelay $0x1  }
0xa2: {  	s22 =	simm.s32 $0x9400  }
0xa3: {  	[tilespmem:s22], [sflag:$0x1] =	stream.indirect_vreg.gather [hbm4b:s8+s5], $0x80, v4, vm0, $0xb8;
	[tilespmem:$0x10600] =	vst v63  }
0xa4: {  	s23 =	simm.s32 $0x9C00  }
0xa5: {  	[tilespmem:s23], [sflag:$0x1] =	stream.indirect_vreg.gather [hbm4b:s8+s5], $0x80, v3, vm0, $0xb8;
	[tilespmem:$0x10600] =	vst v63  }
0xa6: {  	v3 =	vld [tilespmem:$0x2A0];
	_ =	sdelay $0x4  }
0xa7: {  	v10 =	vshll.u32 v3, $0x1  }
0xa8: {  	v3 =	vand.u32 $0x7, v3;
	v4 =	vand.u32 $0xFFFFFFF0, v10  }
0xa9: {  	v3 =	vor.u32 v3, v4  }
0xaa: {  	v4 =	vperm.xlane v3, v0;
	_ =	sdelay $0x1  }
0xab: {  	v3 =	vperm.xlane v3, v2;
	v4 =	vadd.s32 v1, v4;
	_ =	sdelay $0x1  }
0xac: {  	v3 =	vadd.s32 v1, v3;
	_ =	sdelay $0x1  }
0xad: {  	s24 =	simm.s32 $0xA400  }
0xae: {  	[tilespmem:s24], [sflag:$0x1] =	stream.indirect_vreg.gather [hbm4b:s8+s5], $0x80, v4, vm0, $0xb8;
	[tilespmem:$0x10600] =	vst v63  }
0xaf: {  	s26 =	simm.s32 $0xAC00  }
0xb0: {  	[tilespmem:s26], [sflag:$0x1] =	stream.indirect_vreg.gather [hbm4b:s8+s5], $0x80, v3, vm0, $0xb8;
	[tilespmem:$0x10600] =	vst v63  }
0xb1: {  	v3 =	vld [tilespmem:$0x2B0];
	_ =	sdelay $0x4  }
0xb2: {  	v11 =	vshll.u32 v3, $0x1  }
0xb3: {  	v3 =	vand.u32 $0x7, v3;
	v4 =	vand.u32 $0xFFFFFFF0, v11  }
0xb4: {  	v3 =	vor.u32 v3, v4  }
0xb5: {  	v4 =	vperm.xlane v3, v0;
	_ =	sdelay $0x1  }
0xb6: {  	v3 =	vperm.xlane v3, v2;
	v4 =	vadd.s32 v1, v4;
	_ =	sdelay $0x1  }
0xb7: {  	v3 =	vadd.s32 v1, v3;
	_ =	sdelay $0x1  }
0xb8: {  	s1 =	simm.s32 $0xB400  }
0xb9: {  	[tilespmem:s1], [sflag:$0x1] =	stream.indirect_vreg.gather [hbm4b:s8+s5], $0x80, v4, vm0, $0xb8;
	[tilespmem:$0x10600] =	vst v63  }
0xba: {  	s2 =	simm.s32 $0xBC00  }
0xbb: {  	[tilespmem:s2], [sflag:$0x1] =	stream.indirect_vreg.gather [hbm4b:s8+s5], $0x80, v3, vm0, $0xb8;
	[tilespmem:$0x10600] =	vst v63  }
0xbc: {  	v3 =	vld [tilespmem:$0x2C0];
	_ =	sdelay $0x4  }
0xbd: {  	v12 =	vshll.u32 v3, $0x1  }
0xbe: {  	v3 =	vand.u32 $0x7, v3;
	v4 =	vand.u32 $0xFFFFFFF0, v12  }
0xbf: {  	v3 =	vor.u32 v3, v4  }
0xc0: {  	v4 =	vperm.xlane v3, v0;
	_ =	sdelay $0x1  }
0xc1: {  	v3 =	vperm.xlane v3, v2;
	v4 =	vadd.s32 v1, v4;
	_ =	sdelay $0x1  }
0xc2: {  	v3 =	vadd.s32 v1, v3;
	_ =	sdelay $0x1  }
0xc3: {  	s4 =	simm.s32 $0xC400  }
0xc4: {  	[tilespmem:s4], [sflag:$0x1] =	stream.indirect_vreg.gather [hbm4b:s8+s5], $0x80, v4, vm0, $0xb8;
	[tilespmem:$0x10600] =	vst v63  }
0xc5: {  	s6 =	simm.s32 $0xCC00  }
0xc6: {  	[tilespmem:s6], [sflag:$0x1] =	stream.indirect_vreg.gather [hbm4b:s8+s5], $0x80, v3, vm0, $0xb8;
	[tilespmem:$0x10600] =	vst v63  }
0xc7: {  	v3 =	vld [tilespmem:$0x2D0];
	_ =	sdelay $0x4  }
0xc8: {  	v13 =	vshll.u32 v3, $0x1  }
0xc9: {  	v3 =	vand.u32 $0x7, v3;
	v4 =	vand.u32 $0xFFFFFFF0, v13  }
0xca: {  	v3 =	vor.u32 v3, v4  }
0xcb: {  	v4 =	vperm.xlane v3, v0;
	_ =	sdelay $0x1  }
0xcc: {  	v3 =	vperm.xlane v3, v2;
	v4 =	vadd.s32 v1, v4;
	_ =	sdelay $0x1  }
0xcd: {  	v3 =	vadd.s32 v1, v3;
	_ =	sdelay $0x1  }
0xce: {  	s7 =	simm.s32 $0xD400  }
0xcf: {  	[tilespmem:s7], [sflag:$0x1] =	stream.indirect_vreg.gather [hbm4b:s8+s5], $0x80, v4, vm0, $0xb8;
	[tilespmem:$0x10600] =	vst v63  }
0xd0: {  	s12 =	simm.s32 $0xDC00  }
0xd1: {  	[tilespmem:s12], [sflag:$0x1] =	stream.indirect_vreg.gather [hbm4b:s8+s5], $0x80, v3, vm0, $0xb8;
	[tilespmem:$0x10600] =	vst v63  }
0xd2: {  	v3 =	vld [tilespmem:$0x2E0];
	_ =	sdelay $0x4  }
0xd3: {  	v14 =	vshll.u32 v3, $0x1  }
0xd4: {  	v3 =	vand.u32 $0x7, v3;
	v4 =	vand.u32 $0xFFFFFFF0, v14  }
0xd5: {  	v3 =	vor.u32 v3, v4  }
0xd6: {  	v4 =	vperm.xlane v3, v0;
	_ =	sdelay $0x1  }
0xd7: {  	v3 =	vperm.xlane v3, v2;
	v4 =	vadd.s32 v1, v4;
	_ =	sdelay $0x1  }
0xd8: {  	v3 =	vadd.s32 v1, v3;
	_ =	sdelay $0x1  }
0xd9: {  	s13 =	simm.s32 $0xE400  }
0xda: {  	[tilespmem:s13], [sflag:$0x1] =	stream.indirect_vreg.gather [hbm4b:s8+s5], $0x80, v4, vm0, $0xb8;
	[tilespmem:$0x10600] =	vst v63  }
0xdb: {  	s15 =	simm.s32 $0xEC00  }
0xdc: {  	[tilespmem:s15], [sflag:$0x1] =	stream.indirect_vreg.gather [hbm4b:s8+s5], $0x80, v3, vm0, $0xb8;
	[tilespmem:$0x10600] =	vst v63  }
0xdd: {  	v3 =	vld [tilespmem:$0x2F0];
	_ =	sdelay $0x4  }
0xde: {  	v15 =	vshll.u32 v3, $0x1  }
0xdf: {  	v3 =	vand.u32 $0x7, v3;
	v4 =	vand.u32 $0xFFFFFFF0, v15  }
0xe0: {  	v3 =	vor.u32 v3, v4  }
0xe1: {  	v4 =	vperm.xlane v3, v0;
	_ =	sdelay $0x1  }
0xe2: {  	v3 =	vperm.xlane v3, v2;
	v4 =	vadd.s32 v1, v4;
	_ =	sdelay $0x1  }
0xe3: {  	v3 =	vadd.s32 v1, v3;
	_ =	sdelay $0x1  }
0xe4: {  	s17 =	simm.s32 $0xF400  }
0xe5: {  	[tilespmem:s17], [sflag:$0x1] =	stream.indirect_vreg.gather [hbm4b:s8+s5], $0x80, v4, vm0, $0xb8;
	[tilespmem:$0x10600] =	vst v63  }
0xe6: {  	s19 =	simm.s32 $0xFC00  }
0xe7: {  	[tilespmem:s19], [sflag:$0x1] =	stream.indirect_vreg.gather [hbm4b:s8+s5], $0x80, v3, vm0, $0xb8;
	[tilespmem:$0x10600] =	vst v63  }
0xe8: {  	_ =	swait.ge [sflag:s18], $0x8000  }
0xe9: {  	[sflag:s18] =	ssyncset.done $0x0  }
0xea: {  	[sflag:s18] =	ssyncadd.s32 $0xFFFF8000  }
0xeb: {  	v3 =	vld [tilespmem:$0x0];
	_ =	sdelay $0x4  }
0xec: {  	v16 =	vshll.u32 v3, $0x1  }
0xed: {  	v3 =	vand.u32 $0x7, v3;
	v4 =	vand.u32 $0xFFFFFFF0, v16  }
0xee: {  	v3 =	vor.u32 v3, v4  }
0xef: {  	v4 =	vperm.xlane v3, v0;
	_ =	sdelay $0x1  }
0xf0: {  	v3 =	vperm.xlane v3, v2;
	v4 =	vadd.s32 v1, v4;
	_ =	sdelay $0x1  }
0xf1: {  	v3 =	vadd.s32 v1, v3;
	_ =	sdelay $0x1  }
0xf2: {  	s20 =	simm.s32 $0x400  }
0xf3: {  	[hbm4b:s3+s5] =	stream.indirect_vreg.scatter [tilespmem:s20], [sflag:$0x2], $0x80, v4, vm0, $0xb8;
	[tilespmem:$0x10600] =	vst v63  }
0xf4: {  	s12 =	simm.s32 $0xC00  }
0xf5: {  	[hbm4b:s3+s5] =	stream.indirect_vreg.scatter [tilespmem:s12], [sflag:$0x2], $0x80, v3, vm0, $0xb8;
	[tilespmem:$0x10600] =	vst v63  }
0xf6: {  	v3 =	vld [tilespmem:$0x10];
	_ =	sdelay $0x4  }
0xf7: {  	v17 =	vshll.u32 v3, $0x1  }
0xf8: {  	v3 =	vand.u32 $0x7, v3;
	v4 =	vand.u32 $0xFFFFFFF0, v17  }
0xf9: {  	v3 =	vor.u32 v3, v4  }
0xfa: {  	v4 =	vperm.xlane v3, v0;
	_ =	sdelay $0x1  }
0xfb: {  	v3 =	vperm.xlane v3, v2;
	v4 =	vadd.s32 v1, v4;
	_ =	sdelay $0x1  }
0xfc: {  	v3 =	vadd.s32 v1, v3;
	_ =	sdelay $0x1  }
0xfd: {  	s21 =	simm.s32 $0x1400  }
0xfe: {  	[hbm4b:s3+s5] =	stream.indirect_vreg.scatter [tilespmem:s21], [sflag:$0x2], $0x80, v4, vm0, $0xb8;
	[tilespmem:$0x10600] =	vst v63  }
0xff: {  	s13 =	simm.s32 $0x1C00  }
0x100: {  	[hbm4b:s3+s5] =	stream.indirect_vreg.scatter [tilespmem:s13], [sflag:$0x2], $0x80, v3, vm0, $0xb8;
	[tilespmem:$0x10600] =	vst v63  }
0x101: {  	v3 =	vld [tilespmem:$0x20];
	_ =	sdelay $0x4  }
0x102: {  	v18 =	vshll.u32 v3, $0x1  }
0x103: {  	v3 =	vand.u32 $0x7, v3;
	v4 =	vand.u32 $0xFFFFFFF0, v18  }
0x104: {  	v3 =	vor.u32 v3, v4  }
0x105: {  	v4 =	vperm.xlane v3, v0;
	_ =	sdelay $0x1  }
0x106: {  	v3 =	vperm.xlane v3, v2;
	v4 =	vadd.s32 v1, v4;
	_ =	sdelay $0x1  }
0x107: {  	v3 =	vadd.s32 v1, v3;
	_ =	sdelay $0x1  }
0x108: {  	s4 =	simm.s32 $0x2400  }
0x109: {  	[hbm4b:s3+s5] =	stream.indirect_vreg.scatter [tilespmem:s4], [sflag:$0x2], $0x80, v4, vm0, $0xb8;
	[tilespmem:$0x10600] =	vst v63  }
0x10a: {  	s22 =	simm.s32 $0x2C00  }
0x10b: {  	[hbm4b:s3+s5] =	stream.indirect_vreg.scatter [tilespmem:s22], [sflag:$0x2], $0x80, v3, vm0, $0xb8;
	[tilespmem:$0x10600] =	vst v63  }
0x10c: {  	v3 =	vld [tilespmem:$0x30];
	_ =	sdelay $0x4  }
0x10d: {  	v19 =	vshll.u32 v3, $0x1  }
0x10e: {  	v3 =	vand.u32 $0x7, v3;
	v4 =	vand.u32 $0xFFFFFFF0, v19  }
0x10f: {  	v3 =	vor.u32 v3, v4  }
0x110: {  	v4 =	vperm.xlane v3, v0;
	_ =	sdelay $0x1  }
0x111: {  	v3 =	vperm.xlane v3, v2;
	v4 =	vadd.s32 v1, v4;
	_ =	sdelay $0x1  }
0x112: {  	v3 =	vadd.s32 v1, v3;
	_ =	sdelay $0x1  }
0x113: {  	s6 =	simm.s32 $0x3400  }
0x114: {  	[hbm4b:s3+s5] =	stream.indirect_vreg.scatter [tilespmem:s6], [sflag:$0x2], $0x80, v4, vm0, $0xb8;
	[tilespmem:$0x10600] =	vst v63  }
0x115: {  	s23 =	simm.s32 $0x3C00  }
0x116: {  	[hbm4b:s3+s5] =	stream.indirect_vreg.scatter [tilespmem:s23], [sflag:$0x2], $0x80, v3, vm0, $0xb8;
	[tilespmem:$0x10600] =	vst v63  }
0x117: {  	v3 =	vld [tilespmem:$0x40];
	_ =	sdelay $0x4  }
0x118: {  	v20 =	vshll.u32 v3, $0x1  }
0x119: {  	v3 =	vand.u32 $0x7, v3;
	v4 =	vand.u32 $0xFFFFFFF0, v20  }
0x11a: {  	v3 =	vor.u32 v3, v4  }
0x11b: {  	v4 =	vperm.xlane v3, v0;
	_ =	sdelay $0x1  }
0x11c: {  	v3 =	vperm.xlane v3, v2;
	v4 =	vadd.s32 v1, v4;
	_ =	sdelay $0x1  }
0x11d: {  	v3 =	vadd.s32 v1, v3;
	_ =	sdelay $0x1  }
0x11e: {  	s7 =	simm.s32 $0x4400  }
0x11f: {  	[hbm4b:s3+s5] =	stream.indirect_vreg.scatter [tilespmem:s7], [sflag:$0x2], $0x80, v4, vm0, $0xb8;
	[tilespmem:$0x10600] =	vst v63  }
0x120: {  	s17 =	simm.s32 $0x4C00  }
0x121: {  	[hbm4b:s3+s5] =	stream.indirect_vreg.scatter [tilespmem:s17], [sflag:$0x2], $0x80, v3, vm0, $0xb8;
	[tilespmem:$0x10600] =	vst v63  }
0x122: {  	v3 =	vld [tilespmem:$0x50];
	_ =	sdelay $0x4  }
0x123: {  	v21 =	vshll.u32 v3, $0x1  }
0x124: {  	v3 =	vand.u32 $0x7, v3;
	v4 =	vand.u32 $0xFFFFFFF0, v21  }
0x125: {  	v3 =	vor.u32 v3, v4  }
0x126: {  	v4 =	vperm.xlane v3, v0;
	_ =	sdelay $0x1  }
0x127: {  	v3 =	vperm.xlane v3, v2;
	v4 =	vadd.s32 v1, v4;
	_ =	sdelay $0x1  }
0x128: {  	v3 =	vadd.s32 v1, v3;
	_ =	sdelay $0x1  }
0x129: {  	s24 =	simm.s32 $0x5400  }
0x12a: {  	[hbm4b:s3+s5] =	stream.indirect_vreg.scatter [tilespmem:s24], [sflag:$0x2], $0x80, v4, vm0, $0xb8;
	[tilespmem:$0x10600] =	vst v63  }
0x12b: {  	_ = 	snop  }
0x12c: {  	[hbm4b:s3+s5] =	stream.indirect_vreg.scatter [tilespmem:s28], [sflag:$0x2], $0x80, v3, vm0, $0xb8;
	[tilespmem:$0x10600] =	vst v63  }
0x12d: {  	v3 =	vld [tilespmem:$0x60];
	_ =	sdelay $0x4  }
0x12e: {  	v22 =	vshll.u32 v3, $0x1  }
0x12f: {  	v3 =	vand.u32 $0x7, v3;
	v4 =	vand.u32 $0xFFFFFFF0, v22  }
0x130: {  	v3 =	vor.u32 v3, v4  }
0x131: {  	v4 =	vperm.xlane v3, v0;
	_ =	sdelay $0x1  }
0x132: {  	v3 =	vperm.xlane v3, v2;
	v4 =	vadd.s32 v1, v4;
	_ =	sdelay $0x1  }
0x133: {  	v3 =	vadd.s32 v1, v3;
	_ =	sdelay $0x2  }
0x134: {  	[hbm4b:s3+s5] =	stream.indirect_vreg.scatter [tilespmem:s29], [sflag:$0x2], $0x80, v4, vm0, $0xb8;
	[tilespmem:$0x10600] =	vst v63  }
0x135: {  	_ = 	snop  }
0x136: {  	[hbm4b:s3+s5] =	stream.indirect_vreg.scatter [tilespmem:s30], [sflag:$0x2], $0x80, v3, vm0, $0xb8;
	[tilespmem:$0x10600] =	vst v63  }
0x137: {  	v3 =	vld [tilespmem:$0x70];
	_ =	sdelay $0x4  }
0x138: {  	v23 =	vshll.u32 v3, $0x1  }
0x139: {  	v3 =	vand.u32 $0x7, v3;
	v4 =	vand.u32 $0xFFFFFFF0, v23  }
0x13a: {  	v3 =	vor.u32 v3, v4  }
0x13b: {  	v4 =	vperm.xlane v3, v0;
	_ =	sdelay $0x1  }
0x13c: {  	v3 =	vperm.xlane v3, v2;
	v4 =	vadd.s32 v1, v4;
	_ =	sdelay $0x1  }
0x13d: {  	v3 =	vadd.s32 v1, v3;
	_ =	sdelay $0x2  }
0x13e: {  	[hbm4b:s3+s5] =	stream.indirect_vreg.scatter [tilespmem:s31], [sflag:$0x2], $0x80, v4, vm0, $0xb8;
	[tilespmem:$0x10600] =	vst v63  }
0x13f: {  	s26 =	simm.s32 $0x7C00  }
0x140: {  	[hbm4b:s3+s5] =	stream.indirect_vreg.scatter [tilespmem:s26], [sflag:$0x2], $0x80, v3, vm0, $0xb8;
	[tilespmem:$0x10600] =	vst v63  }
0x141: {  	_ =	swait.ge [sflag:s0], $0x8000  }
0x142: {  	[sflag:s0] =	ssyncset.done $0x0  }
0x143: {  	[sflag:s0] =	ssyncadd.s32 $0xFFFF8000  }
0x144: {  	v3 =	vld [tilespmem:$0x300];
	_ =	sdelay $0x4  }
0x145: {  	v24 =	vshll.u32 v3, $0x1  }
0x146: {  	v3 =	vand.u32 $0x7, v3;
	v4 =	vand.u32 $0xFFFFFFF0, v24  }
0x147: {  	v3 =	vor.u32 v3, v4  }
0x148: {  	v4 =	vperm.xlane v3, v0;
	_ =	sdelay $0x1  }
0x149: {  	v3 =	vperm.xlane v3, v2;
	v4 =	vadd.s32 v1, v4;
	_ =	sdelay $0x1  }
0x14a: {  	v3 =	vadd.s32 v1, v3;
	_ =	sdelay $0x2  }
0x14b: {  	[tilespmem:s20], [sflag:$0x1] =	stream.indirect_vreg.gather [hbm4b:s8+s5], $0x80, v4, vm0, $0xb8;
	[tilespmem:$0x10600] =	vst v63  }
0x14c: {  	_ = 	snop  }
0x14d: {  	[tilespmem:s12], [sflag:$0x1] =	stream.indirect_vreg.gather [hbm4b:s8+s5], $0x80, v3, vm0, $0xb8;
	[tilespmem:$0x10600] =	vst v63  }
0x14e: {  	v3 =	vld [tilespmem:$0x310];
	_ =	sdelay $0x4  }
0x14f: {  	v25 =	vshll.u32 v3, $0x1  }
0x150: {  	v3 =	vand.u32 $0x7, v3;
	v4 =	vand.u32 $0xFFFFFFF0, v25  }
0x151: {  	v3 =	vor.u32 v3, v4  }
0x152: {  	v4 =	vperm.xlane v3, v0;
	_ =	sdelay $0x1  }
0x153: {  	v3 =	vperm.xlane v3, v2;
	v4 =	vadd.s32 v1, v4;
	_ =	sdelay $0x1  }
0x154: {  	v3 =	vadd.s32 v1, v3;
	_ =	sdelay $0x2  }
0x155: {  	[tilespmem:s21], [sflag:$0x1] =	stream.indirect_vreg.gather [hbm4b:s8+s5], $0x80, v4, vm0, $0xb8;
	[tilespmem:$0x10600] =	vst v63  }
0x156: {  	_ = 	snop  }
0x157: {  	[tilespmem:s13], [sflag:$0x1] =	stream.indirect_vreg.gather [hbm4b:s8+s5], $0x80, v3, vm0, $0xb8;
	[tilespmem:$0x10600] =	vst v63  }
0x158: {  	v3 =	vld [tilespmem:$0x320];
	_ =	sdelay $0x4  }
0x159: {  	v26 =	vshll.u32 v3, $0x1  }
0x15a: {  	v3 =	vand.u32 $0x7, v3;
	v4 =	vand.u32 $0xFFFFFFF0, v26  }
0x15b: {  	v3 =	vor.u32 v3, v4  }
0x15c: {  	v4 =	vperm.xlane v3, v0;
	_ =	sdelay $0x1  }
0x15d: {  	v3 =	vperm.xlane v3, v2;
	v4 =	vadd.s32 v1, v4;
	_ =	sdelay $0x1  }
0x15e: {  	v3 =	vadd.s32 v1, v3;
	_ =	sdelay $0x2  }
0x15f: {  	[tilespmem:s4], [sflag:$0x1] =	stream.indirect_vreg.gather [hbm4b:s8+s5], $0x80, v4, vm0, $0xb8;
	[tilespmem:$0x10600] =	vst v63  }
0x160: {  	_ = 	snop  }
0x161: {  	[tilespmem:s22], [sflag:$0x1] =	stream.indirect_vreg.gather [hbm4b:s8+s5], $0x80, v3, vm0, $0xb8;
	[tilespmem:$0x10600] =	vst v63  }
0x162: {  	v3 =	vld [tilespmem:$0x330];
	_ =	sdelay $0x4  }
0x163: {  	v27 =	vshll.u32 v3, $0x1  }
0x164: {  	v3 =	vand.u32 $0x7, v3;
	v4 =	vand.u32 $0xFFFFFFF0, v27  }
0x165: {  	v3 =	vor.u32 v3, v4  }
0x166: {  	v4 =	vperm.xlane v3, v0;
	_ =	sdelay $0x1  }
0x167: {  	v3 =	vperm.xlane v3, v2;
	v4 =	vadd.s32 v1, v4;
	_ =	sdelay $0x1  }
0x168: {  	v3 =	vadd.s32 v1, v3;
	_ =	sdelay $0x2  }
0x169: {  	[tilespmem:s6], [sflag:$0x1] =	stream.indirect_vreg.gather [hbm4b:s8+s5], $0x80, v4, vm0, $0xb8;
	[tilespmem:$0x10600] =	vst v63  }
0x16a: {  	_ = 	snop  }
0x16b: {  	[tilespmem:s23], [sflag:$0x1] =	stream.indirect_vreg.gather [hbm4b:s8+s5], $0x80, v3, vm0, $0xb8;
	[tilespmem:$0x10600] =	vst v63  }
0x16c: {  	v3 =	vld [tilespmem:$0x340];
	_ =	sdelay $0x4  }
0x16d: {  	v28 =	vshll.u32 v3, $0x1  }
0x16e: {  	v3 =	vand.u32 $0x7, v3;
	v4 =	vand.u32 $0xFFFFFFF0, v28  }
0x16f: {  	v3 =	vor.u32 v3, v4  }
0x170: {  	v4 =	vperm.xlane v3, v0;
	_ =	sdelay $0x1  }
0x171: {  	v3 =	vperm.xlane v3, v2;
	v4 =	vadd.s32 v1, v4;
	_ =	sdelay $0x1  }
0x172: {  	v3 =	vadd.s32 v1, v3;
	_ =	sdelay $0x2  }
0x173: {  	[tilespmem:s7], [sflag:$0x1] =	stream.indirect_vreg.gather [hbm4b:s8+s5], $0x80, v4, vm0, $0xb8;
	[tilespmem:$0x10600] =	vst v63  }
0x174: {  	_ = 	snop  }
0x175: {  	[tilespmem:s17], [sflag:$0x1] =	stream.indirect_vreg.gather [hbm4b:s8+s5], $0x80, v3, vm0, $0xb8;
	[tilespmem:$0x10600] =	vst v63  }
0x176: {  	v3 =	vld [tilespmem:$0x350];
	_ =	sdelay $0x4  }
0x177: {  	v29 =	vshll.u32 v3, $0x1  }
0x178: {  	v3 =	vand.u32 $0x7, v3;
	v4 =	vand.u32 $0xFFFFFFF0, v29  }
0x179: {  	v3 =	vor.u32 v3, v4  }
0x17a: {  	v4 =	vperm.xlane v3, v0;
	_ =	sdelay $0x1  }
0x17b: {  	v3 =	vperm.xlane v3, v2;
	v4 =	vadd.s32 v1, v4;
	_ =	sdelay $0x1  }
0x17c: {  	v3 =	vadd.s32 v1, v3;
	_ =	sdelay $0x2  }
0x17d: {  	[tilespmem:s24], [sflag:$0x1] =	stream.indirect_vreg.gather [hbm4b:s8+s5], $0x80, v4, vm0, $0xb8;
	[tilespmem:$0x10600] =	vst v63  }
0x17e: {  	_ = 	snop  }
0x17f: {  	[tilespmem:s28], [sflag:$0x1] =	stream.indirect_vreg.gather [hbm4b:s8+s5], $0x80, v3, vm0, $0xb8;
	[tilespmem:$0x10600] =	vst v63  }
0x180: {  	v3 =	vld [tilespmem:$0x360];
	_ =	sdelay $0x4  }
0x181: {  	v30 =	vshll.u32 v3, $0x1  }
0x182: {  	v3 =	vand.u32 $0x7, v3;
	v4 =	vand.u32 $0xFFFFFFF0, v30  }
0x183: {  	v3 =	vor.u32 v3, v4  }
0x184: {  	v4 =	vperm.xlane v3, v0;
	_ =	sdelay $0x1  }
0x185: {  	v3 =	vperm.xlane v3, v2;
	v4 =	vadd.s32 v1, v4;
	_ =	sdelay $0x1  }
0x186: {  	v3 =	vadd.s32 v1, v3;
	_ =	sdelay $0x2  }
0x187: {  	[tilespmem:s29], [sflag:$0x1] =	stream.indirect_vreg.gather [hbm4b:s8+s5], $0x80, v4, vm0, $0xb8;
	[tilespmem:$0x10600] =	vst v63  }
0x188: {  	_ = 	snop  }
0x189: {  	[tilespmem:s30], [sflag:$0x1] =	stream.indirect_vreg.gather [hbm4b:s8+s5], $0x80, v3, vm0, $0xb8;
	[tilespmem:$0x10600] =	vst v63  }
0x18a: {  	v3 =	vld [tilespmem:$0x370];
	_ =	sdelay $0x4  }
0x18b: {  	v31 =	vshll.u32 v3, $0x1  }
0x18c: {  	v3 =	vand.u32 $0x7, v3;
	v4 =	vand.u32 $0xFFFFFFF0, v31  }
0x18d: {  	v3 =	vor.u32 v3, v4  }
0x18e: {  	v4 =	vperm.xlane v3, v0;
	_ =	sdelay $0x1  }
0x18f: {  	v3 =	vperm.xlane v3, v2;
	v4 =	vadd.s32 v1, v4;
	_ =	sdelay $0x1  }
0x190: {  	v3 =	vadd.s32 v1, v3;
	_ =	sdelay $0x2  }
0x191: {  	[tilespmem:s31], [sflag:$0x1] =	stream.indirect_vreg.gather [hbm4b:s8+s5], $0x80, v4, vm0, $0xb8;
	[tilespmem:$0x10600] =	vst v63  }
0x192: {  	_ = 	snop  }
0x193: {  	[tilespmem:s26], [sflag:$0x1] =	stream.indirect_vreg.gather [hbm4b:s8+s5], $0x80, v3, vm0, $0xb8;
	[tilespmem:$0x10600] =	vst v63  }
0x194: {  	_ =	swait.ge [sflag:s18], $0x8000  }
0x195: {  	[sflag:s18] =	ssyncset.done $0x0  }
0x196: {  	[sflag:s18] =	ssyncadd.s32 $0xFFFF8000  }
0x197: {  	v3 =	vld [tilespmem:$0x80];
	_ =	sdelay $0x4  }
0x198: {  	v32 =	vshll.u32 v3, $0x1  }
0x199: {  	v3 =	vand.u32 $0x7, v3;
	v4 =	vand.u32 $0xFFFFFFF0, v32  }
0x19a: {  	v3 =	vor.u32 v3, v4  }
0x19b: {  	v4 =	vperm.xlane v3, v0;
	_ =	sdelay $0x1  }
0x19c: {  	v3 =	vperm.xlane v3, v2;
	v4 =	vadd.s32 v1, v4;
	_ =	sdelay $0x1  }
0x19d: {  	v3 =	vadd.s32 v1, v3;
	_ =	sdelay $0x1  }
0x19e: {  	s12 =	simm.s32 $0x8400  }
0x19f: {  	[hbm4b:s3+s5] =	stream.indirect_vreg.scatter [tilespmem:s12], [sflag:$0x2], $0x80, v4, vm0, $0xb8;
	[tilespmem:$0x10600] =	vst v63  }
0x1a0: {  	s23 =	simm.s32 $0x8C00  }
0x1a1: {  	[hbm4b:s3+s5] =	stream.indirect_vreg.scatter [tilespmem:s23], [sflag:$0x2], $0x80, v3, vm0, $0xb8;
	[tilespmem:$0x10600] =	vst v63  }
0x1a2: {  	v3 =	vld [tilespmem:$0x90];
	_ =	sdelay $0x4  }
0x1a3: {  	v33 =	vshll.u32 v3, $0x1  }
0x1a4: {  	v3 =	vand.u32 $0x7, v3;
	v4 =	vand.u32 $0xFFFFFFF0, v33  }
0x1a5: {  	v3 =	vor.u32 v3, v4  }
0x1a6: {  	v4 =	vperm.xlane v3, v0;
	_ =	sdelay $0x1  }
0x1a7: {  	v3 =	vperm.xlane v3, v2;
	v4 =	vadd.s32 v1, v4;
	_ =	sdelay $0x1  }
0x1a8: {  	v3 =	vadd.s32 v1, v3;
	_ =	sdelay $0x1  }
0x1a9: {  	s13 =	simm.s32 $0x9400  }
0x1aa: {  	[hbm4b:s3+s5] =	stream.indirect_vreg.scatter [tilespmem:s13], [sflag:$0x2], $0x80, v4, vm0, $0xb8;
	[tilespmem:$0x10600] =	vst v63  }
0x1ab: {  	s24 =	simm.s32 $0x9C00  }
0x1ac: {  	[hbm4b:s3+s5] =	stream.indirect_vreg.scatter [tilespmem:s24], [sflag:$0x2], $0x80, v3, vm0, $0xb8;
	[tilespmem:$0x10600] =	vst v63  }
0x1ad: {  	v3 =	vld [tilespmem:$0xA0];
	_ =	sdelay $0x4  }
0x1ae: {  	v34 =	vshll.u32 v3, $0x1  }
0x1af: {  	v3 =	vand.u32 $0x7, v3;
	v4 =	vand.u32 $0xFFFFFFF0, v34  }
0x1b0: {  	v3 =	vor.u32 v3, v4  }
0x1b1: {  	v4 =	vperm.xlane v3, v0;
	_ =	sdelay $0x1  }
0x1b2: {  	v3 =	vperm.xlane v3, v2;
	v4 =	vadd.s32 v1, v4;
	_ =	sdelay $0x1  }
0x1b3: {  	v3 =	vadd.s32 v1, v3;
	_ =	sdelay $0x1  }
0x1b4: {  	s15 =	simm.s32 $0xA400  }
0x1b5: {  	[hbm4b:s3+s5] =	stream.indirect_vreg.scatter [tilespmem:s15], [sflag:$0x2], $0x80, v4, vm0, $0xb8;
	[tilespmem:$0x10600] =	vst v63  }
0x1b6: {  	s1 =	simm.s32 $0xAC00  }
0x1b7: {  	[hbm4b:s3+s5] =	stream.indirect_vreg.scatter [tilespmem:s1], [sflag:$0x2], $0x80, v3, vm0, $0xb8;
	[tilespmem:$0x10600] =	vst v63  }
0x1b8: {  	v3 =	vld [tilespmem:$0xB0];
	_ =	sdelay $0x4  }
0x1b9: {  	v35 =	vshll.u32 v3, $0x1  }
0x1ba: {  	v3 =	vand.u32 $0x7, v3;
	v4 =	vand.u32 $0xFFFFFFF0, v35  }
0x1bb: {  	v3 =	vor.u32 v3, v4  }
0x1bc: {  	v4 =	vperm.xlane v3, v0;
	_ =	sdelay $0x1  }
0x1bd: {  	v3 =	vperm.xlane v3, v2;
	v4 =	vadd.s32 v1, v4;
	_ =	sdelay $0x1  }
0x1be: {  	v3 =	vadd.s32 v1, v3;
	_ =	sdelay $0x1  }
0x1bf: {  	s17 =	simm.s32 $0xB400  }
0x1c0: {  	[hbm4b:s3+s5] =	stream.indirect_vreg.scatter [tilespmem:s17], [sflag:$0x2], $0x80, v4, vm0, $0xb8;
	[tilespmem:$0x10600] =	vst v63  }
0x1c1: {  	s2 =	simm.s32 $0xBC00  }
0x1c2: {  	[hbm4b:s3+s5] =	stream.indirect_vreg.scatter [tilespmem:s2], [sflag:$0x2], $0x80, v3, vm0, $0xb8;
	[tilespmem:$0x10600] =	vst v63  }
0x1c3: {  	v3 =	vld [tilespmem:$0xC0];
	_ =	sdelay $0x4  }
0x1c4: {  	v36 =	vshll.u32 v3, $0x1  }
0x1c5: {  	v3 =	vand.u32 $0x7, v3;
	v4 =	vand.u32 $0xFFFFFFF0, v36  }
0x1c6: {  	v3 =	vor.u32 v3, v4  }
0x1c7: {  	v4 =	vperm.xlane v3, v0;
	_ =	sdelay $0x1  }
0x1c8: {  	v3 =	vperm.xlane v3, v2;
	v4 =	vadd.s32 v1, v4;
	_ =	sdelay $0x1  }
0x1c9: {  	v3 =	vadd.s32 v1, v3;
	_ =	sdelay $0x1  }
0x1ca: {  	s19 =	simm.s32 $0xC400  }
0x1cb: {  	[hbm4b:s3+s5] =	stream.indirect_vreg.scatter [tilespmem:s19], [sflag:$0x2], $0x80, v4, vm0, $0xb8;
	[tilespmem:$0x10600] =	vst v63  }
0x1cc: {  	s4 =	simm.s32 $0xCC00  }
0x1cd: {  	[hbm4b:s3+s5] =	stream.indirect_vreg.scatter [tilespmem:s4], [sflag:$0x2], $0x80, v3, vm0, $0xb8;
	[tilespmem:$0x10600] =	vst v63  }
0x1ce: {  	v3 =	vld [tilespmem:$0xD0];
	_ =	sdelay $0x4  }
0x1cf: {  	v37 =	vshll.u32 v3, $0x1  }
0x1d0: {  	v3 =	vand.u32 $0x7, v3;
	v4 =	vand.u32 $0xFFFFFFF0, v37  }
0x1d1: {  	v3 =	vor.u32 v3, v4  }
0x1d2: {  	v4 =	vperm.xlane v3, v0;
	_ =	sdelay $0x1  }
0x1d3: {  	v3 =	vperm.xlane v3, v2;
	v4 =	vadd.s32 v1, v4;
	_ =	sdelay $0x1  }
0x1d4: {  	v3 =	vadd.s32 v1, v3;
	_ =	sdelay $0x1  }
0x1d5: {  	s20 =	simm.s32 $0xD400  }
0x1d6: {  	[hbm4b:s3+s5] =	stream.indirect_vreg.scatter [tilespmem:s20], [sflag:$0x2], $0x80, v4, vm0, $0xb8;
	[tilespmem:$0x10600] =	vst v63  }
0x1d7: {  	s6 =	simm.s32 $0xDC00  }
0x1d8: {  	[hbm4b:s3+s5] =	stream.indirect_vreg.scatter [tilespmem:s6], [sflag:$0x2], $0x80, v3, vm0, $0xb8;
	[tilespmem:$0x10600] =	vst v63  }
0x1d9: {  	v3 =	vld [tilespmem:$0xE0];
	_ =	sdelay $0x4  }
0x1da: {  	v38 =	vshll.u32 v3, $0x1  }
0x1db: {  	v3 =	vand.u32 $0x7, v3;
	v4 =	vand.u32 $0xFFFFFFF0, v38  }
0x1dc: {  	v3 =	vor.u32 v3, v4  }
0x1dd: {  	v4 =	vperm.xlane v3, v0;
	_ =	sdelay $0x1  }
0x1de: {  	v3 =	vperm.xlane v3, v2;
	v4 =	vadd.s32 v1, v4;
	_ =	sdelay $0x1  }
0x1df: {  	v3 =	vadd.s32 v1, v3;
	_ =	sdelay $0x1  }
0x1e0: {  	s21 =	simm.s32 $0xE400  }
0x1e1: {  	[hbm4b:s3+s5] =	stream.indirect_vreg.scatter [tilespmem:s21], [sflag:$0x2], $0x80, v4, vm0, $0xb8;
	[tilespmem:$0x10600] =	vst v63  }
0x1e2: {  	s7 =	simm.s32 $0xEC00  }
0x1e3: {  	[hbm4b:s3+s5] =	stream.indirect_vreg.scatter [tilespmem:s7], [sflag:$0x2], $0x80, v3, vm0, $0xb8;
	[tilespmem:$0x10600] =	vst v63  }
0x1e4: {  	v3 =	vld [tilespmem:$0xF0];
	_ =	sdelay $0x4  }
0x1e5: {  	v39 =	vshll.u32 v3, $0x1  }
0x1e6: {  	v3 =	vand.u32 $0x7, v3;
	v4 =	vand.u32 $0xFFFFFFF0, v39  }
0x1e7: {  	v3 =	vor.u32 v3, v4  }
0x1e8: {  	v4 =	vperm.xlane v3, v0;
	_ =	sdelay $0x1  }
0x1e9: {  	v3 =	vperm.xlane v3, v2;
	v4 =	vadd.s32 v1, v4;
	_ =	sdelay $0x1  }
0x1ea: {  	v3 =	vadd.s32 v1, v3;
	_ =	sdelay $0x1  }
0x1eb: {  	s22 =	simm.s32 $0xF400  }
0x1ec: {  	[hbm4b:s3+s5] =	stream.indirect_vreg.scatter [tilespmem:s22], [sflag:$0x2], $0x80, v4, vm0, $0xb8;
	[tilespmem:$0x10600] =	vst v63  }
0x1ed: {  	s26 =	simm.s32 $0xFC00  }
0x1ee: {  	[hbm4b:s3+s5] =	stream.indirect_vreg.scatter [tilespmem:s26], [sflag:$0x2], $0x80, v3, vm0, $0xb8;
	[tilespmem:$0x10600] =	vst v63  }
0x1ef: {  	_ =	swait.ge [sflag:s0], $0x8000  }
0x1f0: {  	[sflag:s0] =	ssyncset.done $0x0  }
0x1f1: {  	[sflag:s0] =	ssyncadd.s32 $0xFFFF8000  }
0x1f2: {  	v3 =	vld [tilespmem:$0x380];
	_ =	sdelay $0x4  }
0x1f3: {  	v40 =	vshll.u32 v3, $0x1  }
0x1f4: {  	v3 =	vand.u32 $0x7, v3;
	v4 =	vand.u32 $0xFFFFFFF0, v40  }
0x1f5: {  	v3 =	vor.u32 v3, v4  }
0x1f6: {  	v4 =	vperm.xlane v3, v0;
	_ =	sdelay $0x1  }
0x1f7: {  	v3 =	vperm.xlane v3, v2;
	v4 =	vadd.s32 v1, v4;
	_ =	sdelay $0x1  }
0x1f8: {  	v3 =	vadd.s32 v1, v3;
	_ =	sdelay $0x2  }
0x1f9: {  	[tilespmem:s12], [sflag:$0x1] =	stream.indirect_vreg.gather [hbm4b:s8+s5], $0x80, v4, vm0, $0xb8;
	[tilespmem:$0x10600] =	vst v63  }
0x1fa: {  	_ = 	snop  }
0x1fb: {  	[tilespmem:s23], [sflag:$0x1] =	stream.indirect_vreg.gather [hbm4b:s8+s5], $0x80, v3, vm0, $0xb8;
	[tilespmem:$0x10600] =	vst v63  }
0x1fc: {  	v3 =	vld [tilespmem:$0x390];
	_ =	sdelay $0x4  }
0x1fd: {  	v41 =	vshll.u32 v3, $0x1  }
0x1fe: {  	v3 =	vand.u32 $0x7, v3;
	v4 =	vand.u32 $0xFFFFFFF0, v41  }
0x1ff: {  	v3 =	vor.u32 v3, v4  }
0x200: {  	v4 =	vperm.xlane v3, v0;
	_ =	sdelay $0x1  }
0x201: {  	v3 =	vperm.xlane v3, v2;
	v4 =	vadd.s32 v1, v4;
	_ =	sdelay $0x1  }
0x202: {  	v3 =	vadd.s32 v1, v3;
	_ =	sdelay $0x2  }
0x203: {  	[tilespmem:s13], [sflag:$0x1] =	stream.indirect_vreg.gather [hbm4b:s8+s5], $0x80, v4, vm0, $0xb8;
	[tilespmem:$0x10600] =	vst v63  }
0x204: {  	_ = 	snop  }
0x205: {  	[tilespmem:s24], [sflag:$0x1] =	stream.indirect_vreg.gather [hbm4b:s8+s5], $0x80, v3, vm0, $0xb8;
	[tilespmem:$0x10600] =	vst v63  }
0x206: {  	v3 =	vld [tilespmem:$0x3A0];
	_ =	sdelay $0x4  }
0x207: {  	v42 =	vshll.u32 v3, $0x1  }
0x208: {  	v3 =	vand.u32 $0x7, v3;
	v4 =	vand.u32 $0xFFFFFFF0, v42  }
0x209: {  	v3 =	vor.u32 v3, v4  }
0x20a: {  	v4 =	vperm.xlane v3, v0;
	_ =	sdelay $0x1  }
0x20b: {  	v3 =	vperm.xlane v3, v2;
	v4 =	vadd.s32 v1, v4;
	_ =	sdelay $0x1  }
0x20c: {  	v3 =	vadd.s32 v1, v3;
	_ =	sdelay $0x2  }
0x20d: {  	[tilespmem:s15], [sflag:$0x1] =	stream.indirect_vreg.gather [hbm4b:s8+s5], $0x80, v4, vm0, $0xb8;
	[tilespmem:$0x10600] =	vst v63  }
0x20e: {  	_ = 	snop  }
0x20f: {  	[tilespmem:s1], [sflag:$0x1] =	stream.indirect_vreg.gather [hbm4b:s8+s5], $0x80, v3, vm0, $0xb8;
	[tilespmem:$0x10600] =	vst v63  }
0x210: {  	v3 =	vld [tilespmem:$0x3B0];
	_ =	sdelay $0x4  }
0x211: {  	v43 =	vshll.u32 v3, $0x1  }
0x212: {  	v3 =	vand.u32 $0x7, v3;
	v4 =	vand.u32 $0xFFFFFFF0, v43  }
0x213: {  	v3 =	vor.u32 v3, v4  }
0x214: {  	v4 =	vperm.xlane v3, v0;
	_ =	sdelay $0x1  }
0x215: {  	v3 =	vperm.xlane v3, v2;
	v4 =	vadd.s32 v1, v4;
	_ =	sdelay $0x1  }
0x216: {  	v3 =	vadd.s32 v1, v3;
	_ =	sdelay $0x2  }
0x217: {  	[tilespmem:s17], [sflag:$0x1] =	stream.indirect_vreg.gather [hbm4b:s8+s5], $0x80, v4, vm0, $0xb8;
	[tilespmem:$0x10600] =	vst v63  }
0x218: {  	_ = 	snop  }
0x219: {  	[tilespmem:s2], [sflag:$0x1] =	stream.indirect_vreg.gather [hbm4b:s8+s5], $0x80, v3, vm0, $0xb8;
	[tilespmem:$0x10600] =	vst v63  }
0x21a: {  	v3 =	vld [tilespmem:$0x3C0];
	_ =	sdelay $0x4  }
0x21b: {  	v44 =	vshll.u32 v3, $0x1  }
0x21c: {  	v3 =	vand.u32 $0x7, v3;
	v4 =	vand.u32 $0xFFFFFFF0, v44  }
0x21d: {  	v3 =	vor.u32 v3, v4  }
0x21e: {  	v4 =	vperm.xlane v3, v0;
	_ =	sdelay $0x1  }
0x21f: {  	v3 =	vperm.xlane v3, v2;
	v4 =	vadd.s32 v1, v4;
	_ =	sdelay $0x1  }
0x220: {  	v3 =	vadd.s32 v1, v3;
	_ =	sdelay $0x2  }
0x221: {  	[tilespmem:s19], [sflag:$0x1] =	stream.indirect_vreg.gather [hbm4b:s8+s5], $0x80, v4, vm0, $0xb8;
	[tilespmem:$0x10600] =	vst v63  }
0x222: {  	_ = 	snop  }
0x223: {  	[tilespmem:s4], [sflag:$0x1] =	stream.indirect_vreg.gather [hbm4b:s8+s5], $0x80, v3, vm0, $0xb8;
	[tilespmem:$0x10600] =	vst v63  }
0x224: {  	v3 =	vld [tilespmem:$0x3D0];
	_ =	sdelay $0x4  }
0x225: {  	v45 =	vshll.u32 v3, $0x1  }
0x226: {  	v3 =	vand.u32 $0x7, v3;
	v4 =	vand.u32 $0xFFFFFFF0, v45  }
0x227: {  	v3 =	vor.u32 v3, v4  }
0x228: {  	v4 =	vperm.xlane v3, v0;
	_ =	sdelay $0x1  }
0x229: {  	v3 =	vperm.xlane v3, v2;
	v4 =	vadd.s32 v1, v4;
	_ =	sdelay $0x1  }
0x22a: {  	v3 =	vadd.s32 v1, v3;
	_ =	sdelay $0x2  }
0x22b: {  	[tilespmem:s20], [sflag:$0x1] =	stream.indirect_vreg.gather [hbm4b:s8+s5], $0x80, v4, vm0, $0xb8;
	[tilespmem:$0x10600] =	vst v63  }
0x22c: {  	_ = 	snop  }
0x22d: {  	[tilespmem:s6], [sflag:$0x1] =	stream.indirect_vreg.gather [hbm4b:s8+s5], $0x80, v3, vm0, $0xb8;
	[tilespmem:$0x10600] =	vst v63  }
0x22e: {  	v3 =	vld [tilespmem:$0x3E0];
	_ =	sdelay $0x4  }
0x22f: {  	v46 =	vshll.u32 v3, $0x1  }
0x230: {  	v3 =	vand.u32 $0x7, v3;
	v4 =	vand.u32 $0xFFFFFFF0, v46  }
0x231: {  	v3 =	vor.u32 v3, v4  }
0x232: {  	v4 =	vperm.xlane v3, v0;
	_ =	sdelay $0x1  }
0x233: {  	v3 =	vperm.xlane v3, v2;
	v4 =	vadd.s32 v1, v4;
	_ =	sdelay $0x1  }
0x234: {  	v3 =	vadd.s32 v1, v3;
	_ =	sdelay $0x2  }
0x235: {  	[tilespmem:s21], [sflag:$0x1] =	stream.indirect_vreg.gather [hbm4b:s8+s5], $0x80, v4, vm0, $0xb8;
	[tilespmem:$0x10600] =	vst v63  }
0x236: {  	_ = 	snop  }
0x237: {  	[tilespmem:s7], [sflag:$0x1] =	stream.indirect_vreg.gather [hbm4b:s8+s5], $0x80, v3, vm0, $0xb8;
	[tilespmem:$0x10600] =	vst v63  }
0x238: {  	v3 =	vld [tilespmem:$0x3F0];
	_ =	sdelay $0x4  }
0x239: {  	v47 =	vshll.u32 v3, $0x1  }
0x23a: {  	v3 =	vand.u32 $0x7, v3;
	v4 =	vand.u32 $0xFFFFFFF0, v47  }
0x23b: {  	v3 =	vor.u32 v3, v4  }
0x23c: {  	v4 =	vperm.xlane v3, v0;
	_ =	sdelay $0x1  }
0x23d: {  	v3 =	vperm.xlane v3, v2;
	v4 =	vadd.s32 v1, v4;
	_ =	sdelay $0x1  }
0x23e: {  	v3 =	vadd.s32 v1, v3;
	_ =	sdelay $0x2  }
0x23f: {  	[tilespmem:s22], [sflag:$0x1] =	stream.indirect_vreg.gather [hbm4b:s8+s5], $0x80, v4, vm0, $0xb8;
	[tilespmem:$0x10600] =	vst v63  }
0x240: {  	_ = 	snop  }
0x241: {  	[tilespmem:s26], [sflag:$0x1] =	stream.indirect_vreg.gather [hbm4b:s8+s5], $0x80, v3, vm0, $0xb8;
	[tilespmem:$0x10600] =	vst v63  }
0x242: {  	_ =	swait.ge [sflag:s18], $0x8000  }
0x243: {  	[sflag:s18] =	ssyncset.done $0x0  }
0x244: {  	[sflag:s18] =	ssyncadd.s32 $0xFFFF8000  }
0x245: {  	v3 =	vld [tilespmem:$0x100];
	_ =	sdelay $0x4  }
0x246: {  	v48 =	vshll.u32 v3, $0x1  }
0x247: {  	v3 =	vand.u32 $0x7, v3;
	v4 =	vand.u32 $0xFFFFFFF0, v48  }
0x248: {  	v3 =	vor.u32 v3, v4  }
0x249: {  	v4 =	vperm.xlane v3, v0;
	_ =	sdelay $0x1  }
0x24a: {  	v3 =	vperm.xlane v3, v2;
	v4 =	vadd.s32 v1, v4;
	_ =	sdelay $0x1  }
0x24b: {  	v3 =	vadd.s32 v1, v3;
	_ =	sdelay $0x1  }
0x24c: {  	s26 =	simm.s32 $0x400  }
0x24d: {  	[hbm4b:s3+s5] =	stream.indirect_vreg.scatter [tilespmem:s26], [sflag:$0x2], $0x80, v4, vm0, $0xb8;
	[tilespmem:$0x10600] =	vst v63  }
0x24e: {  	s26 =	simm.s32 $0xC00  }
0x24f: {  	[hbm4b:s3+s5] =	stream.indirect_vreg.scatter [tilespmem:s26], [sflag:$0x2], $0x80, v3, vm0, $0xb8;
	[tilespmem:$0x10600] =	vst v63  }
0x250: {  	v3 =	vld [tilespmem:$0x110];
	_ =	sdelay $0x4  }
0x251: {  	v49 =	vshll.u32 v3, $0x1  }
0x252: {  	v3 =	vand.u32 $0x7, v3;
	v4 =	vand.u32 $0xFFFFFFF0, v49  }
0x253: {  	v3 =	vor.u32 v3, v4  }
0x254: {  	v4 =	vperm.xlane v3, v0;
	_ =	sdelay $0x1  }
0x255: {  	v3 =	vperm.xlane v3, v2;
	v4 =	vadd.s32 v1, v4;
	_ =	sdelay $0x1  }
0x256: {  	v3 =	vadd.s32 v1, v3;
	_ =	sdelay $0x1  }
0x257: {  	s26 =	simm.s32 $0x1400  }
0x258: {  	[hbm4b:s3+s5] =	stream.indirect_vreg.scatter [tilespmem:s26], [sflag:$0x2], $0x80, v4, vm0, $0xb8;
	[tilespmem:$0x10600] =	vst v63  }
0x259: {  	s26 =	simm.s32 $0x1C00  }
0x25a: {  	[hbm4b:s3+s5] =	stream.indirect_vreg.scatter [tilespmem:s26], [sflag:$0x2], $0x80, v3, vm0, $0xb8;
	[tilespmem:$0x10600] =	vst v63  }
0x25b: {  	v3 =	vld [tilespmem:$0x120];
	_ =	sdelay $0x4  }
0x25c: {  	v50 =	vshll.u32 v3, $0x1  }
0x25d: {  	v3 =	vand.u32 $0x7, v3;
	v4 =	vand.u32 $0xFFFFFFF0, v50  }
0x25e: {  	v3 =	vor.u32 v3, v4  }
0x25f: {  	v4 =	vperm.xlane v3, v0;
	_ =	sdelay $0x1  }
0x260: {  	v3 =	vperm.xlane v3, v2;
	v4 =	vadd.s32 v1, v4;
	_ =	sdelay $0x1  }
0x261: {  	v3 =	vadd.s32 v1, v3;
	_ =	sdelay $0x1  }
0x262: {  	s26 =	simm.s32 $0x2400  }
0x263: {  	[hbm4b:s3+s5] =	stream.indirect_vreg.scatter [tilespmem:s26], [sflag:$0x2], $0x80, v4, vm0, $0xb8;
	[tilespmem:$0x10600] =	vst v63  }
0x264: {  	s26 =	simm.s32 $0x2C00  }
0x265: {  	[hbm4b:s3+s5] =	stream.indirect_vreg.scatter [tilespmem:s26], [sflag:$0x2], $0x80, v3, vm0, $0xb8;
	[tilespmem:$0x10600] =	vst v63  }
0x266: {  	v3 =	vld [tilespmem:$0x130];
	_ =	sdelay $0x4  }
0x267: {  	v51 =	vshll.u32 v3, $0x1  }
0x268: {  	v3 =	vand.u32 $0x7, v3;
	v4 =	vand.u32 $0xFFFFFFF0, v51  }
0x269: {  	v3 =	vor.u32 v3, v4  }
0x26a: {  	v4 =	vperm.xlane v3, v0;
	_ =	sdelay $0x1  }
0x26b: {  	v3 =	vperm.xlane v3, v2;
	v4 =	vadd.s32 v1, v4;
	_ =	sdelay $0x1  }
0x26c: {  	v3 =	vadd.s32 v1, v3;
	_ =	sdelay $0x1  }
0x26d: {  	s26 =	simm.s32 $0x3400  }
0x26e: {  	[hbm4b:s3+s5] =	stream.indirect_vreg.scatter [tilespmem:s26], [sflag:$0x2], $0x80, v4, vm0, $0xb8;
	[tilespmem:$0x10600] =	vst v63  }
0x26f: {  	s26 =	simm.s32 $0x3C00  }
0x270: {  	[hbm4b:s3+s5] =	stream.indirect_vreg.scatter [tilespmem:s26], [sflag:$0x2], $0x80, v3, vm0, $0xb8;
	[tilespmem:$0x10600] =	vst v63  }
0x271: {  	v3 =	vld [tilespmem:$0x140];
	_ =	sdelay $0x4  }
0x272: {  	v52 =	vshll.u32 v3, $0x1  }
0x273: {  	v3 =	vand.u32 $0x7, v3;
	v4 =	vand.u32 $0xFFFFFFF0, v52  }
0x274: {  	v3 =	vor.u32 v3, v4  }
0x275: {  	v4 =	vperm.xlane v3, v0;
	_ =	sdelay $0x1  }
0x276: {  	v3 =	vperm.xlane v3, v2;
	v4 =	vadd.s32 v1, v4;
	_ =	sdelay $0x1  }
0x277: {  	v3 =	vadd.s32 v1, v3;
	_ =	sdelay $0x1  }
0x278: {  	s26 =	simm.s32 $0x4400  }
0x279: {  	[hbm4b:s3+s5] =	stream.indirect_vreg.scatter [tilespmem:s26], [sflag:$0x2], $0x80, v4, vm0, $0xb8;
	[tilespmem:$0x10600] =	vst v63  }
0x27a: {  	s26 =	simm.s32 $0x4C00  }
0x27b: {  	[hbm4b:s3+s5] =	stream.indirect_vreg.scatter [tilespmem:s26], [sflag:$0x2], $0x80, v3, vm0, $0xb8;
	[tilespmem:$0x10600] =	vst v63  }
0x27c: {  	v3 =	vld [tilespmem:$0x150];
	_ =	sdelay $0x4  }
0x27d: {  	v53 =	vshll.u32 v3, $0x1  }
0x27e: {  	v3 =	vand.u32 $0x7, v3;
	v4 =	vand.u32 $0xFFFFFFF0, v53  }
0x27f: {  	v3 =	vor.u32 v3, v4  }
0x280: {  	v4 =	vperm.xlane v3, v0;
	_ =	sdelay $0x1  }
0x281: {  	v3 =	vperm.xlane v3, v2;
	v4 =	vadd.s32 v1, v4;
	_ =	sdelay $0x1  }
0x282: {  	v3 =	vadd.s32 v1, v3;
	_ =	sdelay $0x1  }
0x283: {  	s26 =	simm.s32 $0x5400  }
0x284: {  	[hbm4b:s3+s5] =	stream.indirect_vreg.scatter [tilespmem:s26], [sflag:$0x2], $0x80, v4, vm0, $0xb8;
	[tilespmem:$0x10600] =	vst v63  }
0x285: {  	_ = 	snop  }
0x286: {  	[hbm4b:s3+s5] =	stream.indirect_vreg.scatter [tilespmem:s28], [sflag:$0x2], $0x80, v3, vm0, $0xb8;
	[tilespmem:$0x10600] =	vst v63  }
0x287: {  	v3 =	vld [tilespmem:$0x160];
	_ =	sdelay $0x4  }
0x288: {  	v54 =	vshll.u32 v3, $0x1  }
0x289: {  	v3 =	vand.u32 $0x7, v3;
	v4 =	vand.u32 $0xFFFFFFF0, v54  }
0x28a: {  	v3 =	vor.u32 v3, v4  }
0x28b: {  	v4 =	vperm.xlane v3, v0;
	_ =	sdelay $0x1  }
0x28c: {  	v3 =	vperm.xlane v3, v2;
	v4 =	vadd.s32 v1, v4;
	_ =	sdelay $0x1  }
0x28d: {  	v3 =	vadd.s32 v1, v3;
	_ =	sdelay $0x2  }
0x28e: {  	[hbm4b:s3+s5] =	stream.indirect_vreg.scatter [tilespmem:s29], [sflag:$0x2], $0x80, v4, vm0, $0xb8;
	[tilespmem:$0x10600] =	vst v63  }
0x28f: {  	_ = 	snop  }
0x290: {  	[hbm4b:s3+s5] =	stream.indirect_vreg.scatter [tilespmem:s30], [sflag:$0x2], $0x80, v3, vm0, $0xb8;
	[tilespmem:$0x10600] =	vst v63  }
0x291: {  	v3 =	vld [tilespmem:$0x170];
	_ =	sdelay $0x4  }
0x292: {  	v55 =	vshll.u32 v3, $0x1  }
0x293: {  	v3 =	vand.u32 $0x7, v3;
	v4 =	vand.u32 $0xFFFFFFF0, v55  }
0x294: {  	v3 =	vor.u32 v3, v4  }
0x295: {  	v4 =	vperm.xlane v3, v0;
	_ =	sdelay $0x1  }
0x296: {  	v3 =	vperm.xlane v3, v2;
	v4 =	vadd.s32 v1, v4;
	_ =	sdelay $0x1  }
0x297: {  	v3 =	vadd.s32 v1, v3;
	_ =	sdelay $0x2  }
0x298: {  	[hbm4b:s3+s5] =	stream.indirect_vreg.scatter [tilespmem:s31], [sflag:$0x2], $0x80, v4, vm0, $0xb8;
	[tilespmem:$0x10600] =	vst v63  }
0x299: {  	s26 =	simm.s32 $0x7C00  }
0x29a: {  	[hbm4b:s3+s5] =	stream.indirect_vreg.scatter [tilespmem:s26], [sflag:$0x2], $0x80, v3, vm0, $0xb8;
	[tilespmem:$0x10600] =	vst v63  }
0x29b: {  	_ =	swait.ge [sflag:s18], $0x8000  }
0x29c: {  	[sflag:s18] =	ssyncset.done $0x0  }
0x29d: {  	[sflag:s18] =	ssyncadd.s32 $0xFFFF8000  }
0x29e: {  	v3 =	vld [tilespmem:$0x180];
	_ =	sdelay $0x4  }
0x29f: {  	v56 =	vshll.u32 v3, $0x1  }
0x2a0: {  	v3 =	vand.u32 $0x7, v3;
	v4 =	vand.u32 $0xFFFFFFF0, v56  }
0x2a1: {  	v3 =	vor.u32 v3, v4  }
0x2a2: {  	v4 =	vperm.xlane v3, v0;
	_ =	sdelay $0x1  }
0x2a3: {  	v3 =	vperm.xlane v3, v2;
	v4 =	vadd.s32 v1, v4;
	_ =	sdelay $0x1  }
0x2a4: {  	v3 =	vadd.s32 v1, v3;
	_ =	sdelay $0x1  }
0x2a5: {  	s16 =	simm.s32 $0x8400  }
0x2a6: {  	[hbm4b:s3+s5] =	stream.indirect_vreg.scatter [tilespmem:s16], [sflag:$0x2], $0x80, v4, vm0, $0xb8;
	[tilespmem:$0x10600] =	vst v63  }
0x2a7: {  	s23 =	simm.s32 $0x8C00  }
0x2a8: {  	[hbm4b:s3+s5] =	stream.indirect_vreg.scatter [tilespmem:s23], [sflag:$0x2], $0x80, v3, vm0, $0xb8;
	[tilespmem:$0x10600] =	vst v63  }
0x2a9: {  	v3 =	vld [tilespmem:$0x190];
	_ =	sdelay $0x4  }
0x2aa: {  	v57 =	vshll.u32 v3, $0x1  }
0x2ab: {  	v3 =	vand.u32 $0x7, v3;
	v4 =	vand.u32 $0xFFFFFFF0, v57  }
0x2ac: {  	v3 =	vor.u32 v3, v4  }
0x2ad: {  	v4 =	vperm.xlane v3, v0;
	_ =	sdelay $0x1  }
0x2ae: {  	v3 =	vperm.xlane v3, v2;
	v4 =	vadd.s32 v1, v4;
	_ =	sdelay $0x1  }
0x2af: {  	v3 =	vadd.s32 v1, v3;
	_ =	sdelay $0x1  }
0x2b0: {  	s12 =	simm.s32 $0x9400  }
0x2b1: {  	[hbm4b:s3+s5] =	stream.indirect_vreg.scatter [tilespmem:s12], [sflag:$0x2], $0x80, v4, vm0, $0xb8;
	[tilespmem:$0x10600] =	vst v63  }
0x2b2: {  	s24 =	simm.s32 $0x9C00  }
0x2b3: {  	[hbm4b:s3+s5] =	stream.indirect_vreg.scatter [tilespmem:s24], [sflag:$0x2], $0x80, v3, vm0, $0xb8;
	[tilespmem:$0x10600] =	vst v63  }
0x2b4: {  	v3 =	vld [tilespmem:$0x1A0];
	_ =	sdelay $0x4  }
0x2b5: {  	v58 =	vshll.u32 v3, $0x1  }
0x2b6: {  	v3 =	vand.u32 $0x7, v3;
	v4 =	vand.u32 $0xFFFFFFF0, v58  }
0x2b7: {  	v3 =	vor.u32 v3, v4  }
0x2b8: {  	v4 =	vperm.xlane v3, v0;
	_ =	sdelay $0x1  }
0x2b9: {  	v3 =	vperm.xlane v3, v2;
	v4 =	vadd.s32 v1, v4;
	_ =	sdelay $0x1  }
0x2ba: {  	v3 =	vadd.s32 v1, v3;
	_ =	sdelay $0x1  }
0x2bb: {  	s13 =	simm.s32 $0xA400  }
0x2bc: {  	[hbm4b:s3+s5] =	stream.indirect_vreg.scatter [tilespmem:s13], [sflag:$0x2], $0x80, v4, vm0, $0xb8;
	[tilespmem:$0x10600] =	vst v63  }
0x2bd: {  	s15 =	simm.s32 $0xAC00  }
0x2be: {  	[hbm4b:s3+s5] =	stream.indirect_vreg.scatter [tilespmem:s15], [sflag:$0x2], $0x80, v3, vm0, $0xb8;
	[tilespmem:$0x10600] =	vst v63  }
0x2bf: {  	v3 =	vld [tilespmem:$0x1B0];
	_ =	sdelay $0x4  }
0x2c0: {  	v59 =	vshll.u32 v3, $0x1  }
0x2c1: {  	v3 =	vand.u32 $0x7, v3;
	v4 =	vand.u32 $0xFFFFFFF0, v59  }
0x2c2: {  	v3 =	vor.u32 v3, v4  }
0x2c3: {  	v4 =	vperm.xlane v3, v0;
	_ =	sdelay $0x1  }
0x2c4: {  	v3 =	vperm.xlane v3, v2;
	v4 =	vadd.s32 v1, v4;
	_ =	sdelay $0x1  }
0x2c5: {  	v3 =	vadd.s32 v1, v3;
	_ =	sdelay $0x1  }
0x2c6: {  	s1 =	simm.s32 $0xB400  }
0x2c7: {  	[hbm4b:s3+s5] =	stream.indirect_vreg.scatter [tilespmem:s1], [sflag:$0x2], $0x80, v4, vm0, $0xb8;
	[tilespmem:$0x10600] =	vst v63  }
0x2c8: {  	s17 =	simm.s32 $0xBC00  }
0x2c9: {  	[hbm4b:s3+s5] =	stream.indirect_vreg.scatter [tilespmem:s17], [sflag:$0x2], $0x80, v3, vm0, $0xb8;
	[tilespmem:$0x10600] =	vst v63  }
0x2ca: {  	v3 =	vld [tilespmem:$0x1C0];
	_ =	sdelay $0x4  }
0x2cb: {  	v60 =	vshll.u32 v3, $0x1  }
0x2cc: {  	v3 =	vand.u32 $0x7, v3;
	v4 =	vand.u32 $0xFFFFFFF0, v60  }
0x2cd: {  	v3 =	vor.u32 v3, v4  }
0x2ce: {  	v4 =	vperm.xlane v3, v0;
	_ =	sdelay $0x1  }
0x2cf: {  	v3 =	vperm.xlane v3, v2;
	v4 =	vadd.s32 v1, v4;
	_ =	sdelay $0x1  }
0x2d0: {  	v3 =	vadd.s32 v1, v3;
	_ =	sdelay $0x1  }
0x2d1: {  	s2 =	simm.s32 $0xC400  }
0x2d2: {  	[hbm4b:s3+s5] =	stream.indirect_vreg.scatter [tilespmem:s2], [sflag:$0x2], $0x80, v4, vm0, $0xb8;
	[tilespmem:$0x10600] =	vst v63  }
0x2d3: {  	s19 =	simm.s32 $0xCC00  }
0x2d4: {  	[hbm4b:s3+s5] =	stream.indirect_vreg.scatter [tilespmem:s19], [sflag:$0x2], $0x80, v3, vm0, $0xb8;
	[tilespmem:$0x10600] =	vst v63  }
0x2d5: {  	v3 =	vld [tilespmem:$0x1D0];
	_ =	sdelay $0x4  }
0x2d6: {  	v61 =	vshll.u32 v3, $0x1  }
0x2d7: {  	v3 =	vand.u32 $0x7, v3;
	v4 =	vand.u32 $0xFFFFFFF0, v61  }
0x2d8: {  	v3 =	vor.u32 v3, v4  }
0x2d9: {  	v4 =	vperm.xlane v3, v0;
	_ =	sdelay $0x1  }
0x2da: {  	v3 =	vperm.xlane v3, v2;
	v4 =	vadd.s32 v1, v4;
	_ =	sdelay $0x1  }
0x2db: {  	v3 =	vadd.s32 v1, v3;
	_ =	sdelay $0x1  }
0x2dc: {  	s4 =	simm.s32 $0xD400  }
0x2dd: {  	[hbm4b:s3+s5] =	stream.indirect_vreg.scatter [tilespmem:s4], [sflag:$0x2], $0x80, v4, vm0, $0xb8;
	[tilespmem:$0x10600] =	vst v63  }
0x2de: {  	s20 =	simm.s32 $0xDC00  }
0x2df: {  	[hbm4b:s3+s5] =	stream.indirect_vreg.scatter [tilespmem:s20], [sflag:$0x2], $0x80, v3, vm0, $0xb8;
	[tilespmem:$0x10600] =	vst v63  }
0x2e0: {  	v3 =	vld [tilespmem:$0x1E0];
	_ =	sdelay $0x4  }
0x2e1: {  	v62 =	vshll.u32 v3, $0x1  }
0x2e2: {  	v3 =	vand.u32 $0x7, v3;
	v4 =	vand.u32 $0xFFFFFFF0, v62  }
0x2e3: {  	v3 =	vor.u32 v3, v4  }
0x2e4: {  	v4 =	vperm.xlane v3, v0;
	_ =	sdelay $0x1  }
0x2e5: {  	v3 =	vperm.xlane v3, v2;
	v4 =	vadd.s32 v1, v4;
	_ =	sdelay $0x1  }
0x2e6: {  	v3 =	vadd.s32 v1, v3;
	_ =	sdelay $0x1  }
0x2e7: {  	s6 =	simm.s32 $0xE400  }
0x2e8: {  	[hbm4b:s3+s5] =	stream.indirect_vreg.scatter [tilespmem:s6], [sflag:$0x2], $0x80, v4, vm0, $0xb8;
	[tilespmem:$0x10600] =	vst v63  }
0x2e9: {  	s21 =	simm.s32 $0xEC00  }
0x2ea: {  	[hbm4b:s3+s5] =	stream.indirect_vreg.scatter [tilespmem:s21], [sflag:$0x2], $0x80, v3, vm0, $0xb8;
	[tilespmem:$0x10600] =	vst v63  }
0x2eb: {  	v3 =	vld [tilespmem:$0x1F0];
	_ =	sdelay $0x4  }
0x2ec: {  	v63 =	vshll.u32 v3, $0x1  }
0x2ed: {  	v3 =	vand.u32 $0x7, v3;
	v4 =	vand.u32 $0xFFFFFFF0, v63  }
0x2ee: {  	v3 =	vor.u32 v3, v4  }
0x2ef: {  	v4 =	vperm.xlane v3, v0;
	_ =	sdelay $0x1  }
0x2f0: {  	v3 =	vperm.xlane v3, v2;
	v4 =	vadd.s32 v1, v4;
	_ =	sdelay $0x1  }
0x2f1: {  	v3 =	vadd.s32 v1, v3;
	_ =	sdelay $0x1  }
0x2f2: {  	s7 =	simm.s32 $0xF400  }
0x2f3: {  	[hbm4b:s3+s5] =	stream.indirect_vreg.scatter [tilespmem:s7], [sflag:$0x2], $0x80, v4, vm0, $0xb8;
	[tilespmem:$0x10600] =	vst v63  }
0x2f4: {  	s22 =	simm.s32 $0xFC00  }
0x2f5: {  	[hbm4b:s3+s5] =	stream.indirect_vreg.scatter [tilespmem:s22], [sflag:$0x2], $0x80, v3, vm0, $0xb8;
	[tilespmem:$0x10600] =	vst v63  }
0x2f6: {  	_ =	swait.ge [sflag:s14], $0x80  }
0x2f7: {  	[sflag:s14] =	ssyncset.done $0x0  }
0x2f8: {  	[sflag:s14] =	ssyncadd.s32 $0xFFFFFF80  }
0x2f9: {  	_ =	swait.ge [sflag:s14], $0x80  }
0x2fa: {  	[sflag:s14] =	ssyncset.done $0x0  }
0x2fb: {  	[sflag:s14] =	ssyncadd.s32 $0xFFFFFF80  }
0x2fc: {  	_ =	swait.ge [sflag:s14], $0x80  }
0x2fd: {  	[sflag:s14] =	ssyncset.done $0x0  }
0x2fe: {  	[sflag:s14] =	ssyncadd.s32 $0xFFFFFF80  }
0x2ff: {  	_ =	swait.ge [sflag:s14], $0x80  }
0x300: {  	[sflag:s14] =	ssyncset.done $0x0  }
0x301: {  	[sflag:s14] =	ssyncadd.s32 $0xFFFFFF80  }
0x302: {  	s20 =	simm.s32 $0x10400;
	s19 =	rddreg [dreg:$0x4]  }
0x303: {  	[hbm4b:s19+s11] =	stream.indirect.scatter [tilespmem:s20], [sflag:$0x4], $0x1, s5, s11, $0xb8;
	[tilespmem:$0x10600] =	vst v63  }
0x304: {  	_ =	swait.ge [sflag:s10], $0x80  }
0x305: {  	[sflag:s10] =	ssyncset.done $0x0  }
0x306: {  	s21 =	simm.s32 $0x10480;
	[sflag:s10] =	ssyncadd.s32 $0xFFFFFF80  }
0x307: {  	[hbm4b:s19+s11] =	stream.indirect.scatter [tilespmem:s21], [sflag:$0x4], $0x1, s11, s11, $0xb8;
	[tilespmem:$0x10600] =	vst v63  }
0x308: {  	_ =	swait.ge [sflag:s10], $0x80  }
0x309: {  	[sflag:s10] =	ssyncset.done $0x0  }
0x30a: {  	s23 =	simm.s32 $0x10500;
	s22 =	simm.s32 $0x100;
	[sflag:s10] =	ssyncadd.s32 $0xFFFFFF80  }
0x30b: {  	[hbm4b:s19+s11] =	stream.indirect.scatter [tilespmem:s23], [sflag:$0x4], $0x1, s22, s11, $0xb8;
	[tilespmem:$0x10600] =	vst v63  }
0x30c: {  	_ =	swait.ge [sflag:s10], $0x80  }
0x30d: {  	[sflag:s10] =	ssyncset.done $0x0  }
0x30e: {  	s26 =	simm.s32 $0x10580;
	s24 =	simm.s32 $0x180;
	[sflag:s10] =	ssyncadd.s32 $0xFFFFFF80  }
0x30f: {  	[hbm4b:s19+s11] =	stream.indirect.scatter [tilespmem:s26], [sflag:$0x4], $0x1, s24, s11, $0xb8;
	[tilespmem:$0x10600] =	vst v63  }
0x310: {  	_ =	swait.ge [sflag:s10], $0x80  }
0x311: {  	[sflag:s10] =	ssyncset.done $0x0  }
0x312: {  	[sflag:s10] =	ssyncadd.s32 $0xFFFFFF80  }
0x313: {  	p0 =	sne.s32 s9, $0x1;
	_ =	swait.ge [sflag:s0], $0x8000  }
.Ltmp0:
0x314: {  	[sflag:s0] =	ssyncset.done $0x0;
	(pc) =	sbr.rel @p0 .LBB2_1-.Ltmp0, $4  }
0x315: {  	[sflag:s0] =	ssyncadd.s32 $0xFFFF8000  }
0x316: {  	_ =	swait.ge [sflag:s0], $0x8000  }
0x317: {  	[sflag:s0] =	ssyncset.done $0x0  }
0x318: {  	s9 =	sadd.s32 $0xFFFFFFFF, s9;
	[sflag:s0] =	ssyncadd.s32 $0xFFFF8000  }
0x319: {  	_ =	sfence.sel $0x180000  }
0x31a: {  	[bflag:$0x0] =	sbarrier.arrive $0xFFFF  }
0x31b: {  	_ =	strace $0x9000004A  }
0x31c: {  	s0 =	stileid.u32;
	[bflag:$0x2] =	sbarrier.arrive $0xFFFF  }
0x31d: {  	p0 =	sne.s32 s0, $0x0;
	s0 =	rddreg [dreg:$0x5]  }
0x31e: {  	s0 =	sadd.s32 @!p0 $0x100000, s0  }
0x31f: {  	[sflag:s0] =	ssyncadd.tile.s32 @!p0 $0x1;
	_ =	shalt  }
.Lfunc_end2:
_tile_overlayer_lowered:
.L_overlay_start_2:
0x320: {  	(tag) =	ssettag $0x2  }
0x321: {  	s0 =	rddreg [dreg:$0x0];
	s2 =	stileid.u32  }
0x322: {  	s1 =	rddreg [dreg:$0x1];
	p0 =	sne.s32 s2, $0x0  }
0x323: {  	s3 =	rddreg [dreg:$0x2];
	[bflag:$0x3] =	sbarrier.arrive $0xFFFF;
	s2 =	simm.s32 @!p0 $0x1C04  }
0x324: {  	[timem:s3], [sflag:s2] =	dma.local @!p0 [hbm:s0], s1  }
0x325: {  	s0 =	simm.s32 @!p0 $0x4  }
0x326: {  	_ =	swait.ge @!p0 [sflag:s0], s1  }
0x327: {  	s1 =	ssub.s32 @!p0 $0x0, s1;
	[sflag:s0] =	ssyncset.done @!p0 $0x0  }
0x328: {  	[sflag:s0] =	ssyncadd.s32 @!p0 s1  }
0x329: {  	[bflag:$0x3] =	sbarrier.arrive $0xFFFF  }
0x32a: {  	_ =	shalt  }

</sc_bundles>
